<compile_context>
chip_gen: v7x
topology: tpu7x:2x2x1
jax: 0.10.2.dev20260603
libtpu: 0.0.44.dev20260713+nightly
codegen_flags: <defaults>
</compile_context>

<pallas_src>
import functools

import jax
import jax.numpy as jnp
from jax import lax
from jax.experimental import pallas as pl
from jax.experimental.pallas import tpu as pltpu
from jax.experimental.pallas import tpu_sc as plsc

NC = 2
NS = 16
NW = NC * NS
CH = 128


def _make_sc_scatter(N, D, ACC, E, epw, n_chunks, with_cnt):
    stripe = ACC // NS
    mesh = plsc.VectorSubcoreMesh(core_axis_name="c", subcore_axis_name="s")
    out_type = [jax.ShapeDtypeStruct((NC, ACC, D), jnp.float32)]
    if with_cnt:
        out_type.append(jax.ShapeDtypeStruct((NC, ACC), jnp.float32))
    scratch = [
        pltpu.VMEM((n_chunks, CH), jnp.int32),
        pltpu.VMEM((CH,), jnp.int32),
        pltpu.VMEM((CH,), jnp.int32),
        pltpu.VMEM((CH,), jnp.int32),
        pltpu.VMEM((CH,), jnp.int32),
        pltpu.VMEM((CH, D), jnp.float32),
        pltpu.VMEM((CH, D), jnp.float32),
        pltpu.VMEM((CH,), jnp.float32),
        pltpu.VMEM((stripe,), jnp.float32),
        pltpu.VMEM_SHARED((ACC, D), jnp.float32),
        pltpu.VMEM_SHARED((ACC,), jnp.float32),
        pltpu.SemaphoreType.DMA,
        pltpu.SemaphoreType.DMA,
        pltpu.SemaphoreType.DMA,
        pltpu.SemaphoreType.DMA,
        pltpu.SemaphoreType.DMA,
        pltpu.SemaphoreType.DMA,
    ]
    n2 = n_chunks // 2
    assert n_chunks % 2 == 0

    def body(pk_hbm, hx_hbm, *rest):
        if with_cnt:
            out_hbm, cnt_hbm = rest[0], rest[1]
            rest = rest[2:]
        else:
            out_hbm = rest[0]
            cnt_hbm = None
            rest = rest[1:]
        (pk2, rowA, rowB, dstA, dstB, msgA, msgB, ones_v, cz_v,
         acc_sh, cnt_sh, semA, semB,
         semSA, semSB, semCA, semCB) = rest

        c = lax.axis_index("c")
        s = lax.axis_index("s")
        wid = s * NC + c
        nv = jnp.clip((E - wid * epw) // CH, 0, n_chunks)

        pltpu.sync_copy(pk_hbm.at[wid], pk2)

        def unpack(a, rbuf, dbuf):
            def u(j, _):
                v = pk2[a, pl.ds(j * 16, 16)]
                rbuf[pl.ds(j * 16, 16)] = jnp.bitwise_and(v, 131071)
                dbuf[pl.ds(j * 16, 16)] = jnp.right_shift(v, 17)
                return 0
            lax.fori_loop(0, CH // 16, u, 0)

        zer16 = jnp.zeros((16,), jnp.float32)

        def zrow(i, _):
            for j in range(D // 16):
                msgA[i, pl.ds(j * 16, 16)] = zer16
            return 0
        lax.fori_loop(0, CH, zrow, 0)

        for j in range(CH // 16):
            ones_v[pl.ds(j * 16, 16)] = jnp.ones((16,), jnp.float32)

        def zc(i, _):
            cz_v[pl.ds(i * 16, 16)] = zer16
            return 0
        lax.fori_loop(0, stripe // 16, zc, 0)

        off = 0
        while off < stripe:
            step_rows = min(CH, stripe - off)
            pltpu.sync_copy(msgA.at[pl.ds(0, step_rows), :],
                            acc_sh.at[pl.ds(s * stripe + off, step_rows), :])
            off += step_rows
        pltpu.sync_copy(cz_v, cnt_sh.at[pl.ds(s * stripe, stripe)])

        unpack(0, rowA, dstA)
        pltpu.async_copy(hx_hbm.at[rowA], msgA, semA)
        plsc.subcore_barrier()

        def step(j, _):
            a = 2 * j

            @pl.when(a + 1 < nv)
            def _():
                unpack(a + 1, rowB, dstB)
                pltpu.async_copy(hx_hbm.at[rowB], msgB, semB)

            @pl.when(a < nv)
            def _():
                pltpu.make_async_copy(hx_hbm.at[rowA], msgA, semA).wait()
                pltpu.async_copy(msgA, acc_sh.at[dstA], semSA, add=True)
                if with_cnt:
                    pltpu.async_copy(ones_v, cnt_sh.at[dstA], semCA,
                                     add=True)

            @pl.when(a + 1 < nv)
            def _():
                pltpu.make_async_copy(hx_hbm.at[rowB], msgB, semB).wait()
                pltpu.async_copy(msgB, acc_sh.at[dstB], semSB, add=True)
                if with_cnt:
                    pltpu.async_copy(ones_v, cnt_sh.at[dstB], semCB,
                                     add=True)

            @pl.when(a < nv)
            def _():
                pltpu.make_async_copy(msgA, acc_sh.at[dstA], semSA).wait()
                if with_cnt:
                    pltpu.make_async_copy(ones_v, cnt_sh.at[dstA],
                                          semCA).wait()

            @pl.when(jnp.logical_and(j < n2 - 1, a + 2 < nv))
            def _():
                unpack(a + 2, rowA, dstA)
                pltpu.async_copy(hx_hbm.at[rowA], msgA, semA)

            @pl.when(a + 1 < nv)
            def _():
                pltpu.make_async_copy(msgB, acc_sh.at[dstB], semSB).wait()
                if with_cnt:
                    pltpu.make_async_copy(ones_v, cnt_sh.at[dstB],
                                          semCB).wait()
            return 0
        lax.fori_loop(0, n2, step, 0)
        plsc.subcore_barrier()

        pltpu.sync_copy(acc_sh.at[pl.ds(s * stripe, stripe), :],
                        out_hbm.at[c, pl.ds(s * stripe, stripe), :])
        if with_cnt:
            pltpu.sync_copy(cnt_sh.at[pl.ds(s * stripe, stripe)],
                            cnt_hbm.at[c, pl.ds(s * stripe, stripe)])

    return pl.kernel(body, mesh=mesh, out_type=out_type,
                     scratch_types=scratch)


def _make_prep(N, nrows):
    def prep_body(src_ref, et_ref, dst_ref, pk_ref):
        pk_ref[...] = (et_ref[...] * N + src_ref[...]
                       + dst_ref[...] * 131072)

    return pl.pallas_call(
        prep_body,
        out_shape=jax.ShapeDtypeStruct((nrows, CH), jnp.int32),
    )


def _make_wprep(D, R, B, L):
    def wbody(comp_ref, bases_ref, w_ref):
        acc = None
        for b in range(B):
            term = comp_ref[0, :, b][:, None, None] * bases_ref[0, b][None]
            acc = term if acc is None else acc + term
        w_ref[0] = acc

    return pl.pallas_call(
        wbody,
        grid=(L,),
        in_specs=[
            pl.BlockSpec((1, R, B), lambda i: (i, 0, 0)),
            pl.BlockSpec((1, B, D, D), lambda i: (i, 0, 0, 0)),
        ],
        out_specs=pl.BlockSpec((1, R, D, D), lambda i: (i, 0, 0, 0)),
        out_shape=jax.ShapeDtypeStruct((L, R, D, D), jnp.float32),
    )


def _expand0_body(h_ref, w_ref, root_ref, bias_ref, hx_ref, rt_ref):
    h = h_ref[...]
    hx_ref[...] = jnp.einsum('ni,rio->rno', h, w_ref[...],
                             preferred_element_type=jnp.float32)
    rt_ref[...] = (jnp.dot(h, root_ref[...],
                           preferred_element_type=jnp.float32)
                   + bias_ref[...])


def _make_expand0(N, D, R, nb):
    return pl.pallas_call(
        _expand0_body,
        grid=(N // nb,),
        in_specs=[
            pl.BlockSpec((nb, D), lambda i: (i, 0)),
            pl.BlockSpec((R, D, D), lambda i: (0, 0, 0)),
            pl.BlockSpec((D, D), lambda i: (0, 0)),
            pl.BlockSpec((1, D), lambda i: (0, 0)),
        ],
        out_specs=[
            pl.BlockSpec((R, nb, D), lambda i: (0, i, 0)),
            pl.BlockSpec((nb, D), lambda i: (i, 0)),
        ],
        out_shape=[
            jax.ShapeDtypeStruct((R, N, D), jnp.float32),
            jax.ShapeDtypeStruct((N, D), jnp.float32),
        ],
    )


def _expandf_body(p_ref, cnt_ref, rtp_ref, w_ref, root_ref, bias_ref,
                  hx_ref, rt_ref):
    sm = p_ref[0] + p_ref[1]
    cn = cnt_ref[0] + cnt_ref[1]
    h = jnp.maximum(sm / jnp.maximum(cn, 1.0) + rtp_ref[...], 0.0)
    hx_ref[...] = jnp.einsum('ni,rio->rno', h, w_ref[...],
                             preferred_element_type=jnp.float32)
    rt_ref[...] = (jnp.dot(h, root_ref[...],
                           preferred_element_type=jnp.float32)
                   + bias_ref[...])


def _make_expandf(N, D, R, ACC, nb):
    return pl.pallas_call(
        _expandf_body,
        grid=(N // nb,),
        in_specs=[
            pl.BlockSpec((NC, nb, D), lambda i: (0, i, 0)),
            pl.BlockSpec((NC, nb, 1), lambda i: (0, i, 0)),
            pl.BlockSpec((nb, D), lambda i: (i, 0)),
            pl.BlockSpec((R, D, D), lambda i: (0, 0, 0)),
            pl.BlockSpec((D, D), lambda i: (0, 0)),
            pl.BlockSpec((1, D), lambda i: (0, 0)),
        ],
        out_specs=[
            pl.BlockSpec((R, nb, D), lambda i: (0, i, 0)),
            pl.BlockSpec((nb, D), lambda i: (i, 0)),
        ],
        out_shape=[
            jax.ShapeDtypeStruct((R, N, D), jnp.float32),
            jax.ShapeDtypeStruct((N, D), jnp.float32),
        ],
    )


def _combine_body(relu, p_ref, cnt_ref, rt_ref, o_ref):
    sm = p_ref[0] + p_ref[1]
    cn = cnt_ref[0] + cnt_ref[1]
    o = sm / jnp.maximum(cn, 1.0) + rt_ref[...]
    if relu:
        o = jnp.maximum(o, 0.0)
    o_ref[...] = o


def _make_combine(N, D, ACC, nb, relu):
    grid = (N // nb,)
    return pl.pallas_call(
        functools.partial(_combine_body, relu),
        grid=grid,
        in_specs=[
            pl.BlockSpec((NC, nb, D), lambda i: (0, i, 0)),
            pl.BlockSpec((NC, nb, 1), lambda i: (0, i, 0)),
            pl.BlockSpec((nb, D), lambda i: (i, 0)),
        ],
        out_specs=pl.BlockSpec((nb, D), lambda i: (i, 0)),
        out_shape=jax.ShapeDtypeStruct((N, D), jnp.float32),
    )


def kernel(x, edge_index, edge_type,
           bases0, comp0, root0, bias0,
           bases1, comp1, root1, bias1,
           bases2, comp2, root2, bias2):
    N, D = x.shape
    E = edge_type.shape[0]
    R, B = comp0.shape

    epw = -(-E // (NW * 2 * CH)) * 2 * CH
    n_chunks = epw // CH
    EP = epw * NW
    padn = EP - E
    ACC = -(-N // (NS * 32)) * (NS * 32)

    src = edge_index[0]
    dst = edge_index[1]
    ar = jnp.arange(padn, dtype=jnp.int32)
    src_p = jnp.concatenate([src, ar % N])
    et_p = jnp.concatenate([edge_type, jnp.zeros((padn,), jnp.int32)])
    dst_p = jnp.concatenate([dst, jnp.zeros((padn,), jnp.int32)])

    prep = _make_prep(N, EP // CH)
    pk_p = prep(src_p.reshape(EP // CH, CH),
                et_p.reshape(EP // CH, CH),
                dst_p.reshape(EP // CH, CH)).reshape(NW, n_chunks, CH)

    nb = 2000
    wprep = _make_wprep(D, R, B, 3)
    expand0 = _make_expand0(N, D, R, nb)
    expandf = _make_expandf(N, D, R, ACC, nb)
    sc0 = _make_sc_scatter(N, D, ACC, E, epw, n_chunks, with_cnt=True)
    sc1 = _make_sc_scatter(N, D, ACC, E, epw, n_chunks, with_cnt=False)

    comps = jnp.stack([comp0, comp1, comp2])
    basess = jnp.stack([bases0, bases1, bases2])
    Ws = wprep(comps, basess)

    roots = [root0, root1, root2]
    biases = [bias0, bias1, bias2]

    parts = cnt3 = rt = None
    for li in range(3):
        if li == 0:
            hx, rt = expand0(x, Ws[0], roots[0], biases[0].reshape(1, D))
        else:
            hx, rt = expandf(parts, cnt3, rt, Ws[li], roots[li],
                             biases[li].reshape(1, D))
        hx_flat = hx.reshape(R * N, D)
        if li == 0:
            parts, cnt = sc0(pk_p, hx_flat)
            cnt3 = cnt.reshape(NC, ACC, 1)
        else:
            (parts,) = sc1(pk_p, hx_flat)
    combine = _make_combine(N, D, ACC, nb=nb, relu=False)
    return combine(parts, cnt3, rt)

# --- scband reference (transcript-rebuilt; emitter-appended) ---
"""Pipeline reference for scband-fastrgcn-19722489823543 (READ-ONLY COPY).

The authoritative reference and input builder live on the scoring server;
editing this copy changes nothing except your own understanding.
"""

import jax, jax.numpy as jnp
import numpy as np

NUM_RELATIONS = 8
NUM_BASES = 4


def _init_layer(key, din, dout, R, B):
    k1, k2, k3 = jax.random.split(key, 3)
    bases = jax.random.normal(k1, (B, din, dout), dtype=jnp.float32) * (1.0 / np.sqrt(din))
    comp = jax.random.normal(k2, (R, B), dtype=jnp.float32) * (1.0 / np.sqrt(B))
    root = jax.random.normal(k3, (din, dout), dtype=jnp.float32) * (1.0 / np.sqrt(din))
    bias = jnp.zeros((dout,), dtype=jnp.float32)
    return bases, comp, root, bias


def setup_inputs(seed: int = 0) -> dict:
    key = jax.random.key(seed)
    N, E, D, H, O = 10000, 320000, 128, 128, 128
    R, B = NUM_RELATIONS, NUM_BASES
    ks = jax.random.split(key, 6)
    x = jax.random.normal(ks[0], (N, D), dtype=jnp.float32)
    edge_index = jax.random.randint(ks[1], (2, E), 0, N, dtype=jnp.int32)
    edge_type = jax.random.randint(ks[2], (E,), 0, R, dtype=jnp.int32)
    inp = {"x": x, "edge_index": edge_index, "edge_type": edge_type}
    dims = [(D, H), (H, H), (H, O)]
    for i, (din, dout) in enumerate(dims):
        b, c, r, bi = _init_layer(ks[3 + i], din, dout, R, B)
        inp[f"bases{i}"] = b
        inp[f"comp{i}"] = c
        inp[f"root{i}"] = r
        inp[f"bias{i}"] = bi
    return inp


def _rgcn_conv(x, src, dst, et, bases, comp, root, bias):
    # FastRGCNConv with basis decomposition: W_r = sum_b comp[r,b] * bases[b]
    W = jnp.einsum('rb,bio->rio', comp, bases)          # [R, din, dout]
    Hx = jnp.einsum('ni,rio->rno', x, W)                # [R, N, dout] (x @ W_r for all r)
    m = Hx[et, src]                                     # per-edge message x_src @ W_{edge_type} (gather)
    N = x.shape[0]
    agg = jax.ops.segment_sum(m, dst, num_segments=N)   # scatter-add by destination node
    cnt = jax.ops.segment_sum(jnp.ones_like(dst, dtype=x.dtype), dst, num_segments=N)
    agg = agg / jnp.clip(cnt, 1.0, None)[:, None]       # mean aggregation (PyG default)
    return agg + x @ root + bias


def reference(x, edge_index, edge_type,
              bases0, comp0, root0, bias0,
              bases1, comp1, root1, bias1,
              bases2, comp2, root2, bias2):
    src, dst = edge_index[0], edge_index[1]
    params = [(bases0, comp0, root0, bias0),
              (bases1, comp1, root1, bias1),
              (bases2, comp2, root2, bias2)]
    h = x
    for i, (b, c, r, bi) in enumerate(params):
        h = _rgcn_conv(h, src, dst, edge_type, b, c, r, bi)
        if i < len(params) - 1:
            h = jax.nn.relu(h)
            # dropout(p=0.4) is identity in eval mode
    return h

if __name__ == "__main__":
    import jax
    _d = setup_inputs()
    print(jax.jit(kernel)(*tuple(_d.values())))

</pallas_src>

<mosaic_0001>
#map = affine_map<(d0, d1) -> (0, 0, 0)>
#map1 = affine_map<(d0, d1) -> (0, 0)>
module attributes {stable_mosaic.version = 14 : i64} {
  func.func @body(%arg0: i32, %arg1: i32, %arg2: memref<32x80x128xi32, #tpu.memory_space<hbm>>, %arg3: memref<80000x128xf32, #tpu.memory_space<hbm>>, %arg4: memref<2x10240x128xf32, #tpu.memory_space<hbm>>, %arg5: memref<2x10240xf32, #tpu.memory_space<hbm>>, %arg6: memref<80x128xi32, #tpu.memory_space<vmem>>, %arg7: memref<128xi32, #tpu.memory_space<vmem>>, %arg8: memref<128xi32, #tpu.memory_space<vmem>>, %arg9: memref<128xi32, #tpu.memory_space<vmem>>, %arg10: memref<128xi32, #tpu.memory_space<vmem>>, %arg11: memref<128x128xf32, #tpu.memory_space<vmem>>, %arg12: memref<128x128xf32, #tpu.memory_space<vmem>>, %arg13: memref<128xf32, #tpu.memory_space<vmem>>, %arg14: memref<640xf32, #tpu.memory_space<vmem>>, %arg15: memref<10240x128xf32, #tpu.memory_space<vmem_shared>>, %arg16: memref<10240xf32, #tpu.memory_space<vmem_shared>>, %arg17: memref<!tpu.dma_semaphore, #tpu.memory_space<semaphore_mem>>, %arg18: memref<!tpu.dma_semaphore, #tpu.memory_space<semaphore_mem>>, %arg19: memref<!tpu.dma_semaphore, #tpu.memory_space<semaphore_mem>>, %arg20: memref<!tpu.dma_semaphore, #tpu.memory_space<semaphore_mem>>, %arg21: memref<!tpu.dma_semaphore, #tpu.memory_space<semaphore_mem>>, %arg22: memref<!tpu.dma_semaphore, #tpu.memory_space<semaphore_mem>>) attributes {dimension_semantics = [#tpu.dimension_semantics<core_parallel>, #tpu.dimension_semantics<subcore_parallel>], iteration_bounds = array<i64: 2, 16>, scalar_prefetch = 0 : i64, scratch_operands = 17 : i64, tpu.core_type = #tpu.core_type<sc_vector_subcore>, window_params = [{transform_indices = #map}, {transform_indices = #map1}, {transform_indices = #map}, {transform_indices = #map1}]} {
    %mul3A = arith.constant 2 : i32
    %mul3A_0 = arith.muli %arg1, %mul3A : i32
    %add3A = arith.addi %mul3A_0, %arg0 : i32
    %mul3A_1 = arith.constant 10240 : i32
    %mul3A_2 = arith.muli %add3A, %mul3A_1 : i32
    %sub3A = arith.constant 320000 : i32
    %sub3A_3 = arith.subi %sub3A, %mul3A_2 : i32
    %jit3A = arith.constant 128 : i32
    %div3A = arith.divsi %sub3A_3, %jit3A : i32
    %sign3A = arith.constant 0 : i32
    %sign3A_4 = arith.cmpi sgt, %sub3A_3, %sign3A : i32
    %sign3A_5 = arith.extui %sign3A_4 : i1 to i32
    %sign3A_6 = arith.constant 0 : i32
    %sign3A_7 = arith.cmpi slt, %sub3A_3, %sign3A_6 : i32
    %sign3A_8 = arith.extui %sign3A_7 : i1 to i32
    %sign3A_9 = arith.subi %sign3A_5, %sign3A_8 : i32
    %sign3A_10 = arith.constant 0 : i32
    %sign3A_11 = arith.cmpi sgt, %jit3A, %sign3A_10 : i32
    %sign3A_12 = arith.extui %sign3A_11 : i1 to i32
    %sign3A_13 = arith.constant 0 : i32
    %sign3A_14 = arith.cmpi slt, %jit3A, %sign3A_13 : i32
    %sign3A_15 = arith.extui %sign3A_14 : i1 to i32
    %sign3A_16 = arith.subi %sign3A_12, %sign3A_15 : i32
    %ne3A = arith.cmpi ne, %sign3A_9, %sign3A_16 : i32
    %rem3A = arith.remsi %sub3A_3, %jit3A : i32
    %ne3A_17 = arith.constant 0 : i32
    %ne3A_18 = arith.cmpi ne, %rem3A, %ne3A_17 : i32
    %and3A = arith.andi %ne3A, %ne3A_18 : i1
    %sub3A_19 = arith.constant 1 : i32
    %sub3A_20 = arith.subi %div3A, %sub3A_19 : i32
    %select_n3A = arith.select %and3A, %sub3A_20, %div3A : i32
    %jit3A_21 = arith.constant 0 : i32
    %jit3A_22 = arith.constant 80 : i32
    %max3A = arith.maxsi %jit3A_21, %select_n3A : i32
    %min3A = arith.minsi %jit3A_22, %max3A : i32
    "tpu.region"() ({
      %run_scoped3A = tpu.sem_alloc : memref<!tpu.dma_semaphore, #tpu.memory_space<semaphore_mem>>
      %dma_start3A_131 = arith.constant 0 : i32
      %dma_start3A_132 = arith.constant 0 : i32
      %dma_start3A_133 = tpu.memref_slice %arg2[%add3A, %dma_start3A_131, %dma_start3A_132] : memref<32x80x128xi32, #tpu.memory_space<hbm>> -> memref<1x80x128xi32, #tpu.memory_space<hbm>>
      %dma_start3A_134 = tpu.memref_squeeze %dma_start3A_133 : memref<1x80x128xi32, #tpu.memory_space<hbm>> -> memref<80x128xi32, #tpu.memory_space<hbm>>
      %dma_start3A_135 = arith.constant 0 : i32
      %dma_start3A_136 = arith.constant 0 : i32
      %dma_start3A_137 = tpu.memref_slice %arg2[%add3A, %dma_start3A_135, %dma_start3A_136] : memref<32x80x128xi32, #tpu.memory_space<hbm>> -> memref<1x80x128xi32, #tpu.memory_space<hbm>>
      %dma_start3A_138 = tpu.memref_squeeze %dma_start3A_137 : memref<1x80x128xi32, #tpu.memory_space<hbm>> -> memref<80x128xi32, #tpu.memory_space<hbm>>
      tpu.enqueue_dma source(%dma_start3A_138 : memref<80x128xi32, #tpu.memory_space<hbm>>) target(%arg6 : memref<80x128xi32, #tpu.memory_space<vmem>>) target_semaphore(%run_scoped3A : memref<!tpu.dma_semaphore, #tpu.memory_space<semaphore_mem>>)
      %dma_wait3A = arith.constant 0 : i32
      %dma_wait3A_139 = arith.constant 0 : i32
      %dma_wait3A_140 = tpu.memref_slice %arg2[%add3A, %dma_wait3A, %dma_wait3A_139] : memref<32x80x128xi32, #tpu.memory_space<hbm>> -> memref<1x80x128xi32, #tpu.memory_space<hbm>>
      %dma_wait3A_141 = tpu.memref_squeeze %dma_wait3A_140 : memref<1x80x128xi32, #tpu.memory_space<hbm>> -> memref<80x128xi32, #tpu.memory_space<hbm>>
      %dma_wait3A_142 = arith.constant 0 : i32
      %dma_wait3A_143 = arith.constant 0 : i32
      %dma_wait3A_144 = tpu.memref_slice %arg2[%add3A, %dma_wait3A_142, %dma_wait3A_143] : memref<32x80x128xi32, #tpu.memory_space<hbm>> -> memref<1x80x128xi32, #tpu.memory_space<hbm>>
      %dma_wait3A_145 = tpu.memref_squeeze %dma_wait3A_144 : memref<1x80x128xi32, #tpu.memory_space<hbm>> -> memref<80x128xi32, #tpu.memory_space<hbm>>
      tpu.wait_dma2 semaphore(%run_scoped3A : memref<!tpu.dma_semaphore, #tpu.memory_space<semaphore_mem>>) src(%dma_wait3A_145 : memref<80x128xi32, #tpu.memory_space<hbm>>) dst(%arg6 : memref<80x128xi32, #tpu.memory_space<vmem>>)
      tpu.yield
    }) : () -> ()
    %broadcast_in_dim3A = arith.constant 0.000000e+00 : f32
    %broadcast_in_dim3A_23 = vector.broadcast %broadcast_in_dim3A : f32 to vector<16xf32>
    %scan3A = arith.constant 0 : i32
    %scan3A_24 = arith.constant 0 : i32
    %scan3A_25 = arith.constant 128 : i32
    %scan3A_26 = arith.addi %scan3A_24, %scan3A_25 : i32
    %scan3A_27 = arith.constant 1 : i32
    %scan3A_28 = scf.for %scan3A_131 = %scan3A_24 to %scan3A_26 step %scan3A_27 iter_args(%scan3A_132 = %scan3A) -> (i32)  : i32 {
      %swap3A_133 = arith.index_cast %scan3A_131 : i32 to index
      %swap3A_134 = arith.constant 0 : index
      %swap3A_135 = tpu.vector_load %arg11[%swap3A_133, %swap3A_134] {strides = array<i32>} : memref<128x128xf32, #tpu.memory_space<vmem>>, vector<1x16xf32>,
      %swap3A_136 = vector.shape_cast %swap3A_135 : vector<1x16xf32> to vector<16xf32>
      %swap3A_137 = vector.shape_cast %broadcast_in_dim3A_23 : vector<16xf32> to vector<1x16xf32>
      tpu.vector_store %arg11[%swap3A_133, %swap3A_134], %swap3A_137 {strides = array<i32>} : memref<128x128xf32, #tpu.memory_space<vmem>>, vector<1x16xf32>,
      %swap3A_138 = arith.index_cast %scan3A_131 : i32 to index
      %swap3A_139 = arith.constant 16 : index
      %swap3A_140 = tpu.vector_load %arg11[%swap3A_138, %swap3A_139] {strides = array<i32>} : memref<128x128xf32, #tpu.memory_space<vmem>>, vector<1x16xf32>,
      %swap3A_141 = vector.shape_cast %swap3A_140 : vector<1x16xf32> to vector<16xf32>
      %swap3A_142 = vector.shape_cast %broadcast_in_dim3A_23 : vector<16xf32> to vector<1x16xf32>
      tpu.vector_store %arg11[%swap3A_138, %swap3A_139], %swap3A_142 {strides = array<i32>} : memref<128x128xf32, #tpu.memory_space<vmem>>, vector<1x16xf32>,
      %swap3A_143 = arith.index_cast %scan3A_131 : i32 to index
      %swap3A_144 = arith.constant 32 : index
      %swap3A_145 = tpu.vector_load %arg11[%swap3A_143, %swap3A_144] {strides = array<i32>} : memref<128x128xf32, #tpu.memory_space<vmem>>, vector<1x16xf32>,
      %swap3A_146 = vector.shape_cast %swap3A_145 : vector<1x16xf32> to vector<16xf32>
      %swap3A_147 = vector.shape_cast %broadcast_in_dim3A_23 : vector<16xf32> to vector<1x16xf32>
      tpu.vector_store %arg11[%swap3A_143, %swap3A_144], %swap3A_147 {strides = array<i32>} : memref<128x128xf32, #tpu.memory_space<vmem>>, vector<1x16xf32>,
      %swap3A_148 = arith.index_cast %scan3A_131 : i32 to index
      %swap3A_149 = arith.constant 48 : index
      %swap3A_150 = tpu.vector_load %arg11[%swap3A_148, %swap3A_149] {strides = array<i32>} : memref<128x128xf32, #tpu.memory_space<vmem>>, vector<1x16xf32>,
      %swap3A_151 = vector.shape_cast %swap3A_150 : vector<1x16xf32> to vector<16xf32>
      %swap3A_152 = vector.shape_cast %broadcast_in_dim3A_23 : vector<16xf32> to vector<1x16xf32>
      tpu.vector_store %arg11[%swap3A_148, %swap3A_149], %swap3A_152 {strides = array<i32>} : memref<128x128xf32, #tpu.memory_space<vmem>>, vector<1x16xf32>,
      %swap3A_153 = arith.index_cast %scan3A_131 : i32 to index
      %swap3A_154 = arith.constant 64 : index
      %swap3A_155 = tpu.vector_load %arg11[%swap3A_153, %swap3A_154] {strides = array<i32>} : memref<128x128xf32, #tpu.memory_space<vmem>>, vector<1x16xf32>,
      %swap3A_156 = vector.shape_cast %swap3A_155 : vector<1x16xf32> to vector<16xf32>
      %swap3A_157 = vector.shape_cast %broadcast_in_dim3A_23 : vector<16xf32> to vector<1x16xf32>
      tpu.vector_store %arg11[%swap3A_153, %swap3A_154], %swap3A_157 {strides = array<i32>} : memref<128x128xf32, #tpu.memory_space<vmem>>, vector<1x16xf32>,
      %swap3A_158 = arith.index_cast %scan3A_131 : i32 to index
      %swap3A_159 = arith.constant 80 : index
      %swap3A_160 = tpu.vector_load %arg11[%swap3A_158, %swap3A_159] {strides = array<i32>} : memref<128x128xf32, #tpu.memory_space<vmem>>, vector<1x16xf32>,
      %swap3A_161 = vector.shape_cast %swap3A_160 : vector<1x16xf32> to vector<16xf32>
      %swap3A_162 = vector.shape_cast %broadcast_in_dim3A_23 : vector<16xf32> to vector<1x16xf32>
      tpu.vector_store %arg11[%swap3A_158, %swap3A_159], %swap3A_162 {strides = array<i32>} : memref<128x128xf32, #tpu.memory_space<vmem>>, vector<1x16xf32>,
      %swap3A_163 = arith.index_cast %scan3A_131 : i32 to index
      %swap3A_164 = arith.constant 96 : index
      %swap3A_165 = tpu.vector_load %arg11[%swap3A_163, %swap3A_164] {strides = array<i32>} : memref<128x128xf32, #tpu.memory_space<vmem>>, vector<1x16xf32>,
      %swap3A_166 = vector.shape_cast %swap3A_165 : vector<1x16xf32> to vector<16xf32>
      %swap3A_167 = vector.shape_cast %broadcast_in_dim3A_23 : vector<16xf32> to vector<1x16xf32>
      tpu.vector_store %arg11[%swap3A_163, %swap3A_164], %swap3A_167 {strides = array<i32>} : memref<128x128xf32, #tpu.memory_space<vmem>>, vector<1x16xf32>,
      %swap3A_168 = arith.index_cast %scan3A_131 : i32 to index
      %swap3A_169 = arith.constant 112 : index
      %swap3A_170 = tpu.vector_load %arg11[%swap3A_168, %swap3A_169] {strides = array<i32>} : memref<128x128xf32, #tpu.memory_space<vmem>>, vector<1x16xf32>,
      %swap3A_171 = vector.shape_cast %swap3A_170 : vector<1x16xf32> to vector<16xf32>
      %swap3A_172 = vector.shape_cast %broadcast_in_dim3A_23 : vector<16xf32> to vector<1x16xf32>
      tpu.vector_store %arg11[%swap3A_168, %swap3A_169], %swap3A_172 {strides = array<i32>} : memref<128x128xf32, #tpu.memory_space<vmem>>, vector<1x16xf32>,
      %scan3A_173 = arith.constant 0 : i32
      scf.yield %scan3A_173 : i32
    }
    %scan3A_29 = arith.constant 128 : i32
    %broadcast_in_dim3A_30 = arith.constant 1.000000e+00 : f32
    %broadcast_in_dim3A_31 = vector.broadcast %broadcast_in_dim3A_30 : f32 to vector<16xf32>
    %swap3A = arith.constant 0 : index
    %swap3A_32 = tpu.vector_load %arg13[%swap3A] {strides = array<i32>} : memref<128xf32, #tpu.memory_space<vmem>>, vector<16xf32>,
    %swap3A_33 = vector.shape_cast %swap3A_32 : vector<16xf32> to vector<16xf32>
    %swap3A_34 = vector.shape_cast %broadcast_in_dim3A_31 : vector<16xf32> to vector<16xf32>
    tpu.vector_store %arg13[%swap3A], %swap3A_34 {strides = array<i32>} : memref<128xf32, #tpu.memory_space<vmem>>, vector<16xf32>,
    %broadcast_in_dim3A_35 = arith.constant 1.000000e+00 : f32
    %broadcast_in_dim3A_36 = vector.broadcast %broadcast_in_dim3A_35 : f32 to vector<16xf32>
    %swap3A_37 = arith.constant 16 : index
    %swap3A_38 = tpu.vector_load %arg13[%swap3A_37] {strides = array<i32>} : memref<128xf32, #tpu.memory_space<vmem>>, vector<16xf32>,
    %swap3A_39 = vector.shape_cast %swap3A_38 : vector<16xf32> to vector<16xf32>
    %swap3A_40 = vector.shape_cast %broadcast_in_dim3A_36 : vector<16xf32> to vector<16xf32>
    tpu.vector_store %arg13[%swap3A_37], %swap3A_40 {strides = array<i32>} : memref<128xf32, #tpu.memory_space<vmem>>, vector<16xf32>,
    %broadcast_in_dim3A_41 = arith.constant 1.000000e+00 : f32
    %broadcast_in_dim3A_42 = vector.broadcast %broadcast_in_dim3A_41 : f32 to vector<16xf32>
    %swap3A_43 = arith.constant 32 : index
    %swap3A_44 = tpu.vector_load %arg13[%swap3A_43] {strides = array<i32>} : memref<128xf32, #tpu.memory_space<vmem>>, vector<16xf32>,
    %swap3A_45 = vector.shape_cast %swap3A_44 : vector<16xf32> to vector<16xf32>
    %swap3A_46 = vector.shape_cast %broadcast_in_dim3A_42 : vector<16xf32> to vector<16xf32>
    tpu.vector_store %arg13[%swap3A_43], %swap3A_46 {strides = array<i32>} : memref<128xf32, #tpu.memory_space<vmem>>, vector<16xf32>,
    %broadcast_in_dim3A_47 = arith.constant 1.000000e+00 : f32
    %broadcast_in_dim3A_48 = vector.broadcast %broadcast_in_dim3A_47 : f32 to vector<16xf32>
    %swap3A_49 = arith.constant 48 : index
    %swap3A_50 = tpu.vector_load %arg13[%swap3A_49] {strides = array<i32>} : memref<128xf32, #tpu.memory_space<vmem>>, vector<16xf32>,
    %swap3A_51 = vector.shape_cast %swap3A_50 : vector<16xf32> to vector<16xf32>
    %swap3A_52 = vector.shape_cast %broadcast_in_dim3A_48 : vector<16xf32> to vector<16xf32>
    tpu.vector_store %arg13[%swap3A_49], %swap3A_52 {strides = array<i32>} : memref<128xf32, #tpu.memory_space<vmem>>, vector<16xf32>,
    %broadcast_in_dim3A_53 = arith.constant 1.000000e+00 : f32
    %broadcast_in_dim3A_54 = vector.broadcast %broadcast_in_dim3A_53 : f32 to vector<16xf32>
    %swap3A_55 = arith.constant 64 : index
    %swap3A_56 = tpu.vector_load %arg13[%swap3A_55] {strides = array<i32>} : memref<128xf32, #tpu.memory_space<vmem>>, vector<16xf32>,
    %swap3A_57 = vector.shape_cast %swap3A_56 : vector<16xf32> to vector<16xf32>
    %swap3A_58 = vector.shape_cast %broadcast_in_dim3A_54 : vector<16xf32> to vector<16xf32>
    tpu.vector_store %arg13[%swap3A_55], %swap3A_58 {strides = array<i32>} : memref<128xf32, #tpu.memory_space<vmem>>, vector<16xf32>,
    %broadcast_in_dim3A_59 = arith.constant 1.000000e+00 : f32
    %broadcast_in_dim3A_60 = vector.broadcast %broadcast_in_dim3A_59 : f32 to vector<16xf32>
    %swap3A_61 = arith.constant 80 : index
    %swap3A_62 = tpu.vector_load %arg13[%swap3A_61] {strides = array<i32>} : memref<128xf32, #tpu.memory_space<vmem>>, vector<16xf32>,
    %swap3A_63 = vector.shape_cast %swap3A_62 : vector<16xf32> to vector<16xf32>
    %swap3A_64 = vector.shape_cast %broadcast_in_dim3A_60 : vector<16xf32> to vector<16xf32>
    tpu.vector_store %arg13[%swap3A_61], %swap3A_64 {strides = array<i32>} : memref<128xf32, #tpu.memory_space<vmem>>, vector<16xf32>,
    %broadcast_in_dim3A_65 = arith.constant 1.000000e+00 : f32
    %broadcast_in_dim3A_66 = vector.broadcast %broadcast_in_dim3A_65 : f32 to vector<16xf32>
    %swap3A_67 = arith.constant 96 : index
    %swap3A_68 = tpu.vector_load %arg13[%swap3A_67] {strides = array<i32>} : memref<128xf32, #tpu.memory_space<vmem>>, vector<16xf32>,
    %swap3A_69 = vector.shape_cast %swap3A_68 : vector<16xf32> to vector<16xf32>
    %swap3A_70 = vector.shape_cast %broadcast_in_dim3A_66 : vector<16xf32> to vector<16xf32>
    tpu.vector_store %arg13[%swap3A_67], %swap3A_70 {strides = array<i32>} : memref<128xf32, #tpu.memory_space<vmem>>, vector<16xf32>,
    %broadcast_in_dim3A_71 = arith.constant 1.000000e+00 : f32
    %broadcast_in_dim3A_72 = vector.broadcast %broadcast_in_dim3A_71 : f32 to vector<16xf32>
    %swap3A_73 = arith.constant 112 : index
    %swap3A_74 = tpu.vector_load %arg13[%swap3A_73] {strides = array<i32>} : memref<128xf32, #tpu.memory_space<vmem>>, vector<16xf32>,
    %swap3A_75 = vector.shape_cast %swap3A_74 : vector<16xf32> to vector<16xf32>
    %swap3A_76 = vector.shape_cast %broadcast_in_dim3A_72 : vector<16xf32> to vector<16xf32>
    tpu.vector_store %arg13[%swap3A_73], %swap3A_76 {strides = array<i32>} : memref<128xf32, #tpu.memory_space<vmem>>, vector<16xf32>,
    %scan3A_77 = arith.constant 0 : i32
    %scan3A_78 = arith.constant 0 : i32
    %scan3A_79 = arith.constant 40 : i32
    %scan3A_80 = arith.addi %scan3A_78, %scan3A_79 : i32
    %scan3A_81 = arith.constant 1 : i32
    %scan3A_82 = scf.for %scan3A_131 = %scan3A_78 to %scan3A_80 step %scan3A_81 iter_args(%scan3A_132 = %scan3A_77) -> (i32)  : i32 {
      %mul3A_133 = arith.constant 16 : i32
      %mul3A_134 = arith.muli %scan3A_131, %mul3A_133 : i32
      %swap3A_135 = arith.index_cast %mul3A_134 : i32 to index
      %swap3A_136 = tpu.vector_load %arg14[%swap3A_135] {strides = array<i32>} : memref<640xf32, #tpu.memory_space<vmem>>, vector<16xf32>,
      %swap3A_137 = vector.shape_cast %swap3A_136 : vector<16xf32> to vector<16xf32>
      %swap3A_138 = vector.shape_cast %broadcast_in_dim3A_23 : vector<16xf32> to vector<16xf32>
      tpu.vector_store %arg14[%swap3A_135], %swap3A_138 {strides = array<i32>} : memref<640xf32, #tpu.memory_space<vmem>>, vector<16xf32>,
      %scan3A_139 = arith.constant 0 : i32
      scf.yield %scan3A_139 : i32
    }
    %scan3A_83 = arith.constant 40 : i32
    %mul3A_84 = arith.constant 640 : i32
    %mul3A_85 = arith.muli %arg1, %mul3A_84 : i32
    %add3A_86 = arith.constant 0 : i32
    %add3A_87 = arith.addi %mul3A_85, %add3A_86 : i32
    "tpu.region"() ({
      %run_scoped3A = tpu.sem_alloc : memref<!tpu.dma_semaphore, #tpu.memory_space<semaphore_mem>>
      %dma_start3A_131 = arith.constant 0 : i32
      %dma_start3A_132 = arith.constant 0 : i32
      %dma_start3A_133 = tpu.memref_slice %arg11[%dma_start3A_131, %dma_start3A_132] : memref<128x128xf32, #tpu.memory_space<vmem>> -> memref<128x128xf32, #tpu.memory_space<vmem>>
      %dma_start3A_134 = arith.constant 0 : i32
      %dma_start3A_135 = tpu.memref_slice %arg15[%add3A_87, %dma_start3A_134] : memref<10240x128xf32, #tpu.memory_space<vmem_shared>> -> memref<128x128xf32, #tpu.memory_space<vmem_shared>>
      %dma_start3A_136 = arith.constant 0 : i32
      %dma_start3A_137 = tpu.memref_slice %arg15[%add3A_87, %dma_start3A_136] : memref<10240x128xf32, #tpu.memory_space<vmem_shared>> -> memref<128x128xf32, #tpu.memory_space<vmem_shared>>
      %dma_start3A_138 = arith.constant 0 : i32
      %dma_start3A_139 = arith.constant 0 : i32
      %dma_start3A_140 = tpu.memref_slice %arg11[%dma_start3A_138, %dma_start3A_139] : memref<128x128xf32, #tpu.memory_space<vmem>> -> memref<128x128xf32, #tpu.memory_space<vmem>>
      tpu.enqueue_dma source(%dma_start3A_140 : memref<128x128xf32, #tpu.memory_space<vmem>>) target(%dma_start3A_137 : memref<128x128xf32, #tpu.memory_space<vmem_shared>>) target_semaphore(%run_scoped3A : memref<!tpu.dma_semaphore, #tpu.memory_space<semaphore_mem>>)
      %dma_wait3A = arith.constant 0 : i32
      %dma_wait3A_141 = arith.constant 0 : i32
      %dma_wait3A_142 = tpu.memref_slice %arg11[%dma_wait3A, %dma_wait3A_141] : memref<128x128xf32, #tpu.memory_space<vmem>> -> memref<128x128xf32, #tpu.memory_space<vmem>>
      %dma_wait3A_143 = arith.constant 0 : i32
      %dma_wait3A_144 = tpu.memref_slice %arg15[%add3A_87, %dma_wait3A_143] : memref<10240x128xf32, #tpu.memory_space<vmem_shared>> -> memref<128x128xf32, #tpu.memory_space<vmem_shared>>
      %dma_wait3A_145 = arith.constant 0 : i32
      %dma_wait3A_146 = tpu.memref_slice %arg15[%add3A_87, %dma_wait3A_145] : memref<10240x128xf32, #tpu.memory_space<vmem_shared>> -> memref<128x128xf32, #tpu.memory_space<vmem_shared>>
      %dma_wait3A_147 = arith.constant 0 : i32
      %dma_wait3A_148 = arith.constant 0 : i32
      %dma_wait3A_149 = tpu.memref_slice %arg11[%dma_wait3A_147, %dma_wait3A_148] : memref<128x128xf32, #tpu.memory_space<vmem>> -> memref<128x128xf32, #tpu.memory_space<vmem>>
      tpu.wait_dma2 semaphore(%run_scoped3A : memref<!tpu.dma_semaphore, #tpu.memory_space<semaphore_mem>>) src(%dma_wait3A_149 : memref<128x128xf32, #tpu.memory_space<vmem>>) dst(%dma_wait3A_146 : memref<128x128xf32, #tpu.memory_space<vmem_shared>>)
      tpu.yield
    }) : () -> ()
    %mul3A_88 = arith.constant 640 : i32
    %mul3A_89 = arith.muli %arg1, %mul3A_88 : i32
    %add3A_90 = arith.constant 128 : i32
    %add3A_91 = arith.addi %mul3A_89, %add3A_90 : i32
    "tpu.region"() ({
      %run_scoped3A = tpu.sem_alloc : memref<!tpu.dma_semaphore, #tpu.memory_space<semaphore_mem>>
      %dma_start3A_131 = arith.constant 0 : i32
      %dma_start3A_132 = arith.constant 0 : i32
      %dma_start3A_133 = tpu.memref_slice %arg11[%dma_start3A_131, %dma_start3A_132] : memref<128x128xf32, #tpu.memory_space<vmem>> -> memref<128x128xf32, #tpu.memory_space<vmem>>
      %dma_start3A_134 = arith.constant 0 : i32
      %dma_start3A_135 = tpu.memref_slice %arg15[%add3A_91, %dma_start3A_134] : memref<10240x128xf32, #tpu.memory_space<vmem_shared>> -> memref<128x128xf32, #tpu.memory_space<vmem_shared>>
      %dma_start3A_136 = arith.constant 0 : i32
      %dma_start3A_137 = tpu.memref_slice %arg15[%add3A_91, %dma_start3A_136] : memref<10240x128xf32, #tpu.memory_space<vmem_shared>> -> memref<128x128xf32, #tpu.memory_space<vmem_shared>>
      %dma_start3A_138 = arith.constant 0 : i32
      %dma_start3A_139 = arith.constant 0 : i32
      %dma_start3A_140 = tpu.memref_slice %arg11[%dma_start3A_138, %dma_start3A_139] : memref<128x128xf32, #tpu.memory_space<vmem>> -> memref<128x128xf32, #tpu.memory_space<vmem>>
      tpu.enqueue_dma source(%dma_start3A_140 : memref<128x128xf32, #tpu.memory_space<vmem>>) target(%dma_start3A_137 : memref<128x128xf32, #tpu.memory_space<vmem_shared>>) target_semaphore(%run_scoped3A : memref<!tpu.dma_semaphore, #tpu.memory_space<semaphore_mem>>)
      %dma_wait3A = arith.constant 0 : i32
      %dma_wait3A_141 = arith.constant 0 : i32
      %dma_wait3A_142 = tpu.memref_slice %arg11[%dma_wait3A, %dma_wait3A_141] : memref<128x128xf32, #tpu.memory_space<vmem>> -> memref<128x128xf32, #tpu.memory_space<vmem>>
      %dma_wait3A_143 = arith.constant 0 : i32
      %dma_wait3A_144 = tpu.memref_slice %arg15[%add3A_91, %dma_wait3A_143] : memref<10240x128xf32, #tpu.memory_space<vmem_shared>> -> memref<128x128xf32, #tpu.memory_space<vmem_shared>>
      %dma_wait3A_145 = arith.constant 0 : i32
      %dma_wait3A_146 = tpu.memref_slice %arg15[%add3A_91, %dma_wait3A_145] : memref<10240x128xf32, #tpu.memory_space<vmem_shared>> -> memref<128x128xf32, #tpu.memory_space<vmem_shared>>
      %dma_wait3A_147 = arith.constant 0 : i32
      %dma_wait3A_148 = arith.constant 0 : i32
      %dma_wait3A_149 = tpu.memref_slice %arg11[%dma_wait3A_147, %dma_wait3A_148] : memref<128x128xf32, #tpu.memory_space<vmem>> -> memref<128x128xf32, #tpu.memory_space<vmem>>
      tpu.wait_dma2 semaphore(%run_scoped3A : memref<!tpu.dma_semaphore, #tpu.memory_space<semaphore_mem>>) src(%dma_wait3A_149 : memref<128x128xf32, #tpu.memory_space<vmem>>) dst(%dma_wait3A_146 : memref<128x128xf32, #tpu.memory_space<vmem_shared>>)
      tpu.yield
    }) : () -> ()
    %mul3A_92 = arith.constant 640 : i32
    %mul3A_93 = arith.muli %arg1, %mul3A_92 : i32
    %add3A_94 = arith.constant 256 : i32
    %add3A_95 = arith.addi %mul3A_93, %add3A_94 : i32
    "tpu.region"() ({
      %run_scoped3A = tpu.sem_alloc : memref<!tpu.dma_semaphore, #tpu.memory_space<semaphore_mem>>
      %dma_start3A_131 = arith.constant 0 : i32
      %dma_start3A_132 = arith.constant 0 : i32
      %dma_start3A_133 = tpu.memref_slice %arg11[%dma_start3A_131, %dma_start3A_132] : memref<128x128xf32, #tpu.memory_space<vmem>> -> memref<128x128xf32, #tpu.memory_space<vmem>>
      %dma_start3A_134 = arith.constant 0 : i32
      %dma_start3A_135 = tpu.memref_slice %arg15[%add3A_95, %dma_start3A_134] : memref<10240x128xf32, #tpu.memory_space<vmem_shared>> -> memref<128x128xf32, #tpu.memory_space<vmem_shared>>
      %dma_start3A_136 = arith.constant 0 : i32
      %dma_start3A_137 = tpu.memref_slice %arg15[%add3A_95, %dma_start3A_136] : memref<10240x128xf32, #tpu.memory_space<vmem_shared>> -> memref<128x128xf32, #tpu.memory_space<vmem_shared>>
      %dma_start3A_138 = arith.constant 0 : i32
      %dma_start3A_139 = arith.constant 0 : i32
      %dma_start3A_140 = tpu.memref_slice %arg11[%dma_start3A_138, %dma_start3A_139] : memref<128x128xf32, #tpu.memory_space<vmem>> -> memref<128x128xf32, #tpu.memory_space<vmem>>
      tpu.enqueue_dma source(%dma_start3A_140 : memref<128x128xf32, #tpu.memory_space<vmem>>) target(%dma_start3A_137 : memref<128x128xf32, #tpu.memory_space<vmem_shared>>) target_semaphore(%run_scoped3A : memref<!tpu.dma_semaphore, #tpu.memory_space<semaphore_mem>>)
      %dma_wait3A = arith.constant 0 : i32
      %dma_wait3A_141 = arith.constant 0 : i32
      %dma_wait3A_142 = tpu.memref_slice %arg11[%dma_wait3A, %dma_wait3A_141] : memref<128x128xf32, #tpu.memory_space<vmem>> -> memref<128x128xf32, #tpu.memory_space<vmem>>
      %dma_wait3A_143 = arith.constant 0 : i32
      %dma_wait3A_144 = tpu.memref_slice %arg15[%add3A_95, %dma_wait3A_143] : memref<10240x128xf32, #tpu.memory_space<vmem_shared>> -> memref<128x128xf32, #tpu.memory_space<vmem_shared>>
      %dma_wait3A_145 = arith.constant 0 : i32
      %dma_wait3A_146 = tpu.memref_slice %arg15[%add3A_95, %dma_wait3A_145] : memref<10240x128xf32, #tpu.memory_space<vmem_shared>> -> memref<128x128xf32, #tpu.memory_space<vmem_shared>>
      %dma_wait3A_147 = arith.constant 0 : i32
      %dma_wait3A_148 = arith.constant 0 : i32
      %dma_wait3A_149 = tpu.memref_slice %arg11[%dma_wait3A_147, %dma_wait3A_148] : memref<128x128xf32, #tpu.memory_space<vmem>> -> memref<128x128xf32, #tpu.memory_space<vmem>>
      tpu.wait_dma2 semaphore(%run_scoped3A : memref<!tpu.dma_semaphore, #tpu.memory_space<semaphore_mem>>) src(%dma_wait3A_149 : memref<128x128xf32, #tpu.memory_space<vmem>>) dst(%dma_wait3A_146 : memref<128x128xf32, #tpu.memory_space<vmem_shared>>)
      tpu.yield
    }) : () -> ()
    %mul3A_96 = arith.constant 640 : i32
    %mul3A_97 = arith.muli %arg1, %mul3A_96 : i32
    %add3A_98 = arith.constant 384 : i32
    %add3A_99 = arith.addi %mul3A_97, %add3A_98 : i32
    "tpu.region"() ({
      %run_scoped3A = tpu.sem_alloc : memref<!tpu.dma_semaphore, #tpu.memory_space<semaphore_mem>>
      %dma_start3A_131 = arith.constant 0 : i32
      %dma_start3A_132 = arith.constant 0 : i32
      %dma_start3A_133 = tpu.memref_slice %arg11[%dma_start3A_131, %dma_start3A_132] : memref<128x128xf32, #tpu.memory_space<vmem>> -> memref<128x128xf32, #tpu.memory_space<vmem>>
      %dma_start3A_134 = arith.constant 0 : i32
      %dma_start3A_135 = tpu.memref_slice %arg15[%add3A_99, %dma_start3A_134] : memref<10240x128xf32, #tpu.memory_space<vmem_shared>> -> memref<128x128xf32, #tpu.memory_space<vmem_shared>>
      %dma_start3A_136 = arith.constant 0 : i32
      %dma_start3A_137 = tpu.memref_slice %arg15[%add3A_99, %dma_start3A_136] : memref<10240x128xf32, #tpu.memory_space<vmem_shared>> -> memref<128x128xf32, #tpu.memory_space<vmem_shared>>
      %dma_start3A_138 = arith.constant 0 : i32
      %dma_start3A_139 = arith.constant 0 : i32
      %dma_start3A_140 = tpu.memref_slice %arg11[%dma_start3A_138, %dma_start3A_139] : memref<128x128xf32, #tpu.memory_space<vmem>> -> memref<128x128xf32, #tpu.memory_space<vmem>>
      tpu.enqueue_dma source(%dma_start3A_140 : memref<128x128xf32, #tpu.memory_space<vmem>>) target(%dma_start3A_137 : memref<128x128xf32, #tpu.memory_space<vmem_shared>>) target_semaphore(%run_scoped3A : memref<!tpu.dma_semaphore, #tpu.memory_space<semaphore_mem>>)
      %dma_wait3A = arith.constant 0 : i32
      %dma_wait3A_141 = arith.constant 0 : i32
      %dma_wait3A_142 = tpu.memref_slice %arg11[%dma_wait3A, %dma_wait3A_141] : memref<128x128xf32, #tpu.memory_space<vmem>> -> memref<128x128xf32, #tpu.memory_space<vmem>>
      %dma_wait3A_143 = arith.constant 0 : i32
      %dma_wait3A_144 = tpu.memref_slice %arg15[%add3A_99, %dma_wait3A_143] : memref<10240x128xf32, #tpu.memory_space<vmem_shared>> -> memref<128x128xf32, #tpu.memory_space<vmem_shared>>
      %dma_wait3A_145 = arith.constant 0 : i32
      %dma_wait3A_146 = tpu.memref_slice %arg15[%add3A_99, %dma_wait3A_145] : memref<10240x128xf32, #tpu.memory_space<vmem_shared>> -> memref<128x128xf32, #tpu.memory_space<vmem_shared>>
      %dma_wait3A_147 = arith.constant 0 : i32
      %dma_wait3A_148 = arith.constant 0 : i32
      %dma_wait3A_149 = tpu.memref_slice %arg11[%dma_wait3A_147, %dma_wait3A_148] : memref<128x128xf32, #tpu.memory_space<vmem>> -> memref<128x128xf32, #tpu.memory_space<vmem>>
      tpu.wait_dma2 semaphore(%run_scoped3A : memref<!tpu.dma_semaphore, #tpu.memory_space<semaphore_mem>>) src(%dma_wait3A_149 : memref<128x128xf32, #tpu.memory_space<vmem>>) dst(%dma_wait3A_146 : memref<128x128xf32, #tpu.memory_space<vmem_shared>>)
      tpu.yield
    }) : () -> ()
    %mul3A_100 = arith.constant 640 : i32
    %mul3A_101 = arith.muli %arg1, %mul3A_100 : i32
    %add3A_102 = arith.constant 512 : i32
    %add3A_103 = arith.addi %mul3A_101, %add3A_102 : i32
    "tpu.region"() ({
      %run_scoped3A = tpu.sem_alloc : memref<!tpu.dma_semaphore, #tpu.memory_space<semaphore_mem>>
      %dma_start3A_131 = arith.constant 0 : i32
      %dma_start3A_132 = arith.constant 0 : i32
      %dma_start3A_133 = tpu.memref_slice %arg11[%dma_start3A_131, %dma_start3A_132] : memref<128x128xf32, #tpu.memory_space<vmem>> -> memref<128x128xf32, #tpu.memory_space<vmem>>
      %dma_start3A_134 = arith.constant 0 : i32
      %dma_start3A_135 = tpu.memref_slice %arg15[%add3A_103, %dma_start3A_134] : memref<10240x128xf32, #tpu.memory_space<vmem_shared>> -> memref<128x128xf32, #tpu.memory_space<vmem_shared>>
      %dma_start3A_136 = arith.constant 0 : i32
      %dma_start3A_137 = tpu.memref_slice %arg15[%add3A_103, %dma_start3A_136] : memref<10240x128xf32, #tpu.memory_space<vmem_shared>> -> memref<128x128xf32, #tpu.memory_space<vmem_shared>>
      %dma_start3A_138 = arith.constant 0 : i32
      %dma_start3A_139 = arith.constant 0 : i32
      %dma_start3A_140 = tpu.memref_slice %arg11[%dma_start3A_138, %dma_start3A_139] : memref<128x128xf32, #tpu.memory_space<vmem>> -> memref<128x128xf32, #tpu.memory_space<vmem>>
      tpu.enqueue_dma source(%dma_start3A_140 : memref<128x128xf32, #tpu.memory_space<vmem>>) target(%dma_start3A_137 : memref<128x128xf32, #tpu.memory_space<vmem_shared>>) target_semaphore(%run_scoped3A : memref<!tpu.dma_semaphore, #tpu.memory_space<semaphore_mem>>)
      %dma_wait3A = arith.constant 0 : i32
      %dma_wait3A_141 = arith.constant 0 : i32
      %dma_wait3A_142 = tpu.memref_slice %arg11[%dma_wait3A, %dma_wait3A_141] : memref<128x128xf32, #tpu.memory_space<vmem>> -> memref<128x128xf32, #tpu.memory_space<vmem>>
      %dma_wait3A_143 = arith.constant 0 : i32
      %dma_wait3A_144 = tpu.memref_slice %arg15[%add3A_103, %dma_wait3A_143] : memref<10240x128xf32, #tpu.memory_space<vmem_shared>> -> memref<128x128xf32, #tpu.memory_space<vmem_shared>>
      %dma_wait3A_145 = arith.constant 0 : i32
      %dma_wait3A_146 = tpu.memref_slice %arg15[%add3A_103, %dma_wait3A_145] : memref<10240x128xf32, #tpu.memory_space<vmem_shared>> -> memref<128x128xf32, #tpu.memory_space<vmem_shared>>
      %dma_wait3A_147 = arith.constant 0 : i32
      %dma_wait3A_148 = arith.constant 0 : i32
      %dma_wait3A_149 = tpu.memref_slice %arg11[%dma_wait3A_147, %dma_wait3A_148] : memref<128x128xf32, #tpu.memory_space<vmem>> -> memref<128x128xf32, #tpu.memory_space<vmem>>
      tpu.wait_dma2 semaphore(%run_scoped3A : memref<!tpu.dma_semaphore, #tpu.memory_space<semaphore_mem>>) src(%dma_wait3A_149 : memref<128x128xf32, #tpu.memory_space<vmem>>) dst(%dma_wait3A_146 : memref<128x128xf32, #tpu.memory_space<vmem_shared>>)
      tpu.yield
    }) : () -> ()
    %mul3A_104 = arith.constant 640 : i32
    %mul3A_105 = arith.muli %arg1, %mul3A_104 : i32
    "tpu.region"() ({
      %run_scoped3A = tpu.sem_alloc : memref<!tpu.dma_semaphore, #tpu.memory_space<semaphore_mem>>
      %dma_start3A_131 = tpu.memref_slice %arg16[%mul3A_105] : memref<10240xf32, #tpu.memory_space<vmem_shared>> -> memref<640xf32, #tpu.memory_space<vmem_shared>>
      %dma_start3A_132 = tpu.memref_slice %arg16[%mul3A_105] : memref<10240xf32, #tpu.memory_space<vmem_shared>> -> memref<640xf32, #tpu.memory_space<vmem_shared>>
      tpu.enqueue_dma source(%arg14 : memref<640xf32, #tpu.memory_space<vmem>>) target(%dma_start3A_132 : memref<640xf32, #tpu.memory_space<vmem_shared>>) target_semaphore(%run_scoped3A : memref<!tpu.dma_semaphore, #tpu.memory_space<semaphore_mem>>)
      %dma_wait3A = tpu.memref_slice %arg16[%mul3A_105] : memref<10240xf32, #tpu.memory_space<vmem_shared>> -> memref<640xf32, #tpu.memory_space<vmem_shared>>
      %dma_wait3A_133 = tpu.memref_slice %arg16[%mul3A_105] : memref<10240xf32, #tpu.memory_space<vmem_shared>> -> memref<640xf32, #tpu.memory_space<vmem_shared>>
      tpu.wait_dma2 semaphore(%run_scoped3A : memref<!tpu.dma_semaphore, #tpu.memory_space<semaphore_mem>>) src(%arg14 : memref<640xf32, #tpu.memory_space<vmem>>) dst(%dma_wait3A_133 : memref<640xf32, #tpu.memory_space<vmem_shared>>)
      tpu.yield
    }) : () -> ()
    %scan3A_106 = arith.constant 0 : i32
    %scan3A_107 = arith.constant 0 : i32
    %scan3A_108 = arith.constant 8 : i32
    %scan3A_109 = arith.addi %scan3A_107, %scan3A_108 : i32
    %scan3A_110 = arith.constant 1 : i32
    %scan3A_111 = scf.for %scan3A_131 = %scan3A_107 to %scan3A_109 step %scan3A_110 iter_args(%scan3A_132 = %scan3A_106) -> (i32)  : i32 {
      %mul3A_133 = arith.constant 16 : i32
      %mul3A_134 = arith.muli %scan3A_131, %mul3A_133 : i32
      %get3A = arith.constant 0 : i32
      %get3A_135 = arith.index_cast %get3A : i32 to index
      %get3A_136 = arith.index_cast %mul3A_134 : i32 to index
      %get3A_137 = tpu.vector_load %arg6[%get3A_135, %get3A_136] {strides = array<i32>} : memref<80x128xi32, #tpu.memory_space<vmem>>, vector<1x16xi32>,
      %get3A_138 = vector.shape_cast %get3A_137 : vector<1x16xi32> to vector<16xi32>
      %and3A_139 = arith.constant 131071 : i32
      %and3A_140 = vector.broadcast %and3A_139 : i32 to vector<16xi32>
      %and3A_141 = arith.andi %get3A_138, %and3A_140 : vector<16xi32>
      %mul3A_142 = arith.constant 16 : i32
      %mul3A_143 = arith.muli %scan3A_131, %mul3A_142 : i32
      %swap3A_144 = arith.index_cast %mul3A_143 : i32 to index
      %swap3A_145 = tpu.vector_load %arg7[%swap3A_144] {strides = array<i32>} : memref<128xi32, #tpu.memory_space<vmem>>, vector<16xi32>,
      %swap3A_146 = vector.shape_cast %swap3A_145 : vector<16xi32> to vector<16xi32>
      %swap3A_147 = vector.shape_cast %and3A_141 : vector<16xi32> to vector<16xi32>
      tpu.vector_store %arg7[%swap3A_144], %swap3A_147 {strides = array<i32>} : memref<128xi32, #tpu.memory_space<vmem>>, vector<16xi32>,
      %shift_right_arithmetic3A = arith.constant 17 : i32
      %shift_right_arithmetic3A_148 = vector.broadcast %shift_right_arithmetic3A : i32 to vector<16xi32>
      %shift_right_arithmetic3A_149 = arith.shrsi %get3A_138, %shift_right_arithmetic3A_148 : vector<16xi32>
      %mul3A_150 = arith.constant 16 : i32
      %mul3A_151 = arith.muli %scan3A_131, %mul3A_150 : i32
      %swap3A_152 = arith.index_cast %mul3A_151 : i32 to index
      %swap3A_153 = tpu.vector_load %arg9[%swap3A_152] {strides = array<i32>} : memref<128xi32, #tpu.memory_space<vmem>>, vector<16xi32>,
      %swap3A_154 = vector.shape_cast %swap3A_153 : vector<16xi32> to vector<16xi32>
      %swap3A_155 = vector.shape_cast %shift_right_arithmetic3A_149 : vector<16xi32> to vector<16xi32>
      tpu.vector_store %arg9[%swap3A_152], %swap3A_155 {strides = array<i32>} : memref<128xi32, #tpu.memory_space<vmem>>, vector<16xi32>,
      %scan3A_156 = arith.constant 0 : i32
      scf.yield %scan3A_156 : i32
    }
    %scan3A_112 = arith.constant 8 : i32
    %dma_start3A = arith.constant 0 : i32
    %dma_start3A_113 = arith.constant 0 : i32
    %dma_start3A_114 = tpu.memref_slice %arg3[%dma_start3A, %dma_start3A_113] : memref<80000x128xf32, #tpu.memory_space<hbm>> -> memref<80000x128xf32, #tpu.memory_space<hbm>>
    tpu.enqueue_indirect_dma source(%dma_start3A_114 : memref<80000x128xf32, #tpu.memory_space<hbm>>) target(%arg11 : memref<128x128xf32, #tpu.memory_space<vmem>>) offsets(%arg7 : memref<128xi32, #tpu.memory_space<vmem>>) semaphore(%arg17 : memref<!tpu.dma_semaphore, #tpu.memory_space<semaphore_mem>>)
    %barrier3A = arith.constant 0 : index
    tpu.barrier barrier_id(%barrier3A)
    %scan3A_115 = arith.constant 0 : i32
    %scan3A_116 = arith.constant 0 : i32
    %scan3A_117 = arith.constant 40 : i32
    %scan3A_118 = arith.addi %scan3A_116, %scan3A_117 : i32
    %scan3A_119 = arith.constant 1 : i32
    %scan3A_120 = scf.for %scan3A_131 = %scan3A_116 to %scan3A_118 step %scan3A_119 iter_args(%scan3A_132 = %scan3A_115) -> (i32)  : i32 {
      %mul3A_133 = arith.constant 2 : i32
      %mul3A_134 = arith.muli %mul3A_133, %scan3A_131 : i32
      %add3A_135 = arith.constant 1 : i32
      %add3A_136 = arith.addi %mul3A_134, %add3A_135 : i32
      %lt3A = arith.cmpi slt, %add3A_136, %min3A : i32
      %convert_element_type3A = arith.extui %lt3A : i1 to i32
      %cond3A = arith.constant 0 : i32
      %cond3A_137 = arith.cmpi ne, %convert_element_type3A, %cond3A : i32
      scf.if %cond3A_137 {
        %add3A_168 = arith.constant 1 : i32
        %add3A_169 = arith.addi %mul3A_134, %add3A_168 : i32
        %scan3A_170 = arith.constant 0 : i32
        %scan3A_171 = arith.constant 0 : i32
        %scan3A_172 = arith.constant 8 : i32
        %scan3A_173 = arith.addi %scan3A_171, %scan3A_172 : i32
        %scan3A_174 = arith.constant 1 : i32
        %scan3A_175 = scf.for %scan3A_180 = %scan3A_171 to %scan3A_173 step %scan3A_174 iter_args(%scan3A_181 = %scan3A_170) -> (i32)  : i32 {
          %mul3A_182 = arith.constant 16 : i32
          %mul3A_183 = arith.muli %scan3A_180, %mul3A_182 : i32
          %get3A = arith.index_cast %add3A_169 : i32 to index
          %get3A_184 = arith.index_cast %mul3A_183 : i32 to index
          %get3A_185 = tpu.vector_load %arg6[%get3A, %get3A_184] {strides = array<i32>} : memref<80x128xi32, #tpu.memory_space<vmem>>, vector<1x16xi32>,
          %get3A_186 = vector.shape_cast %get3A_185 : vector<1x16xi32> to vector<16xi32>
          %and3A_187 = arith.constant 131071 : i32
          %and3A_188 = vector.broadcast %and3A_187 : i32 to vector<16xi32>
          %and3A_189 = arith.andi %get3A_186, %and3A_188 : vector<16xi32>
          %mul3A_190 = arith.constant 16 : i32
          %mul3A_191 = arith.muli %scan3A_180, %mul3A_190 : i32
          %swap3A_192 = arith.index_cast %mul3A_191 : i32 to index
          %swap3A_193 = tpu.vector_load %arg8[%swap3A_192] {strides = array<i32>} : memref<128xi32, #tpu.memory_space<vmem>>, vector<16xi32>,
          %swap3A_194 = vector.shape_cast %swap3A_193 : vector<16xi32> to vector<16xi32>
          %swap3A_195 = vector.shape_cast %and3A_189 : vector<16xi32> to vector<16xi32>
          tpu.vector_store %arg8[%swap3A_192], %swap3A_195 {strides = array<i32>} : memref<128xi32, #tpu.memory_space<vmem>>, vector<16xi32>,
          %shift_right_arithmetic3A = arith.constant 17 : i32
          %shift_right_arithmetic3A_196 = vector.broadcast %shift_right_arithmetic3A : i32 to vector<16xi32>
          %shift_right_arithmetic3A_197 = arith.shrsi %get3A_186, %shift_right_arithmetic3A_196 : vector<16xi32>
          %mul3A_198 = arith.constant 16 : i32
          %mul3A_199 = arith.muli %scan3A_180, %mul3A_198 : i32
          %swap3A_200 = arith.index_cast %mul3A_199 : i32 to index
          %swap3A_201 = tpu.vector_load %arg10[%swap3A_200] {strides = array<i32>} : memref<128xi32, #tpu.memory_space<vmem>>, vector<16xi32>,
          %swap3A_202 = vector.shape_cast %swap3A_201 : vector<16xi32> to vector<16xi32>
          %swap3A_203 = vector.shape_cast %shift_right_arithmetic3A_197 : vector<16xi32> to vector<16xi32>
          tpu.vector_store %arg10[%swap3A_200], %swap3A_203 {strides = array<i32>} : memref<128xi32, #tpu.memory_space<vmem>>, vector<16xi32>,
          %scan3A_204 = arith.constant 0 : i32
          scf.yield %scan3A_204 : i32
        }
        %scan3A_176 = arith.constant 8 : i32
        %dma_start3A_177 = arith.constant 0 : i32
        %dma_start3A_178 = arith.constant 0 : i32
        %dma_start3A_179 = tpu.memref_slice %arg3[%dma_start3A_177, %dma_start3A_178] : memref<80000x128xf32, #tpu.memory_space<hbm>> -> memref<80000x128xf32, #tpu.memory_space<hbm>>
        tpu.enqueue_indirect_dma source(%dma_start3A_179 : memref<80000x128xf32, #tpu.memory_space<hbm>>) target(%arg12 : memref<128x128xf32, #tpu.memory_space<vmem>>) offsets(%arg8 : memref<128xi32, #tpu.memory_space<vmem>>) semaphore(%arg18 : memref<!tpu.dma_semaphore, #tpu.memory_space<semaphore_mem>>)
      } else {
      }
      %lt3A_138 = arith.cmpi slt, %mul3A_134, %min3A : i32
      %convert_element_type3A_139 = arith.extui %lt3A_138 : i1 to i32
      %cond3A_140 = arith.constant 0 : i32
      %cond3A_141 = arith.cmpi ne, %convert_element_type3A_139, %cond3A_140 : i32
      scf.if %cond3A_141 {
        %dma_wait3A = arith.constant 0 : i32
        %dma_wait3A_168 = arith.constant 0 : i32
        %dma_wait3A_169 = tpu.memref_slice %arg3[%dma_wait3A, %dma_wait3A_168] : memref<80000x128xf32, #tpu.memory_space<hbm>> -> memref<80000x128xf32, #tpu.memory_space<hbm>>
        tpu.wait_indirect_dma semaphore(%arg17 : memref<!tpu.dma_semaphore, #tpu.memory_space<semaphore_mem>>) src(%dma_wait3A_169 : memref<80000x128xf32, #tpu.memory_space<hbm>>) dst(%arg11 : memref<128x128xf32, #tpu.memory_space<vmem>>)
        %dma_start3A_170 = arith.constant 0 : i32
        %dma_start3A_171 = arith.constant 0 : i32
        %dma_start3A_172 = tpu.memref_slice %arg15[%dma_start3A_170, %dma_start3A_171] : memref<10240x128xf32, #tpu.memory_space<vmem_shared>> -> memref<10240x128xf32, #tpu.memory_space<vmem_shared>>
        tpu.enqueue_indirect_dma source(%arg11 : memref<128x128xf32, #tpu.memory_space<vmem>>) target(%dma_start3A_172 : memref<10240x128xf32, #tpu.memory_space<vmem_shared>>) offsets(%arg9 : memref<128xi32, #tpu.memory_space<vmem>>) semaphore(%arg19 : memref<!tpu.dma_semaphore, #tpu.memory_space<semaphore_mem>>) {add = true}
        %dma_start3A_173 = arith.constant 0 : i32
        %dma_start3A_174 = tpu.memref_slice %arg16[%dma_start3A_173] : memref<10240xf32, #tpu.memory_space<vmem_shared>> -> memref<10240xf32, #tpu.memory_space<vmem_shared>>
        tpu.enqueue_indirect_dma source(%arg13 : memref<128xf32, #tpu.memory_space<vmem>>) target(%dma_start3A_174 : memref<10240xf32, #tpu.memory_space<vmem_shared>>) offsets(%arg9 : memref<128xi32, #tpu.memory_space<vmem>>) semaphore(%arg21 : memref<!tpu.dma_semaphore, #tpu.memory_space<semaphore_mem>>) {add = true}
      } else {
      }
      %add3A_142 = arith.constant 1 : i32
      %add3A_143 = arith.addi %mul3A_134, %add3A_142 : i32
      %lt3A_144 = arith.cmpi slt, %add3A_143, %min3A : i32
      %convert_element_type3A_145 = arith.extui %lt3A_144 : i1 to i32
      %cond3A_146 = arith.constant 0 : i32
      %cond3A_147 = arith.cmpi ne, %convert_element_type3A_145, %cond3A_146 : i32
      scf.if %cond3A_147 {
        %dma_wait3A = arith.constant 0 : i32
        %dma_wait3A_168 = arith.constant 0 : i32
        %dma_wait3A_169 = tpu.memref_slice %arg3[%dma_wait3A, %dma_wait3A_168] : memref<80000x128xf32, #tpu.memory_space<hbm>> -> memref<80000x128xf32, #tpu.memory_space<hbm>>
        tpu.wait_indirect_dma semaphore(%arg18 : memref<!tpu.dma_semaphore, #tpu.memory_space<semaphore_mem>>) src(%dma_wait3A_169 : memref<80000x128xf32, #tpu.memory_space<hbm>>) dst(%arg12 : memref<128x128xf32, #tpu.memory_space<vmem>>)
        %dma_start3A_170 = arith.constant 0 : i32
        %dma_start3A_171 = arith.constant 0 : i32
        %dma_start3A_172 = tpu.memref_slice %arg15[%dma_start3A_170, %dma_start3A_171] : memref<10240x128xf32, #tpu.memory_space<vmem_shared>> -> memref<10240x128xf32, #tpu.memory_space<vmem_shared>>
        tpu.enqueue_indirect_dma source(%arg12 : memref<128x128xf32, #tpu.memory_space<vmem>>) target(%dma_start3A_172 : memref<10240x128xf32, #tpu.memory_space<vmem_shared>>) offsets(%arg10 : memref<128xi32, #tpu.memory_space<vmem>>) semaphore(%arg20 : memref<!tpu.dma_semaphore, #tpu.memory_space<semaphore_mem>>) {add = true}
        %dma_start3A_173 = arith.constant 0 : i32
        %dma_start3A_174 = tpu.memref_slice %arg16[%dma_start3A_173] : memref<10240xf32, #tpu.memory_space<vmem_shared>> -> memref<10240xf32, #tpu.memory_space<vmem_shared>>
        tpu.enqueue_indirect_dma source(%arg13 : memref<128xf32, #tpu.memory_space<vmem>>) target(%dma_start3A_174 : memref<10240xf32, #tpu.memory_space<vmem_shared>>) offsets(%arg10 : memref<128xi32, #tpu.memory_space<vmem>>) semaphore(%arg22 : memref<!tpu.dma_semaphore, #tpu.memory_space<semaphore_mem>>) {add = true}
      } else {
      }
      %lt3A_148 = arith.cmpi slt, %mul3A_134, %min3A : i32
      %convert_element_type3A_149 = arith.extui %lt3A_148 : i1 to i32
      %cond3A_150 = arith.constant 0 : i32
      %cond3A_151 = arith.cmpi ne, %convert_element_type3A_149, %cond3A_150 : i32
      scf.if %cond3A_151 {
        %dma_wait3A = arith.constant 0 : i32
        %dma_wait3A_168 = arith.constant 0 : i32
        %dma_wait3A_169 = tpu.memref_slice %arg15[%dma_wait3A, %dma_wait3A_168] : memref<10240x128xf32, #tpu.memory_space<vmem_shared>> -> memref<10240x128xf32, #tpu.memory_space<vmem_shared>>
        tpu.wait_indirect_dma semaphore(%arg19 : memref<!tpu.dma_semaphore, #tpu.memory_space<semaphore_mem>>) src(%arg11 : memref<128x128xf32, #tpu.memory_space<vmem>>) dst(%dma_wait3A_169 : memref<10240x128xf32, #tpu.memory_space<vmem_shared>>)
        %dma_wait3A_170 = arith.constant 0 : i32
        %dma_wait3A_171 = tpu.memref_slice %arg16[%dma_wait3A_170] : memref<10240xf32, #tpu.memory_space<vmem_shared>> -> memref<10240xf32, #tpu.memory_space<vmem_shared>>
        tpu.wait_indirect_dma semaphore(%arg21 : memref<!tpu.dma_semaphore, #tpu.memory_space<semaphore_mem>>) src(%arg13 : memref<128xf32, #tpu.memory_space<vmem>>) dst(%dma_wait3A_171 : memref<10240xf32, #tpu.memory_space<vmem_shared>>)
      } else {
      }
      %lt3A_152 = arith.constant 39 : i32
      %lt3A_153 = arith.cmpi slt, %scan3A_131, %lt3A_152 : i32
      %add3A_154 = arith.constant 2 : i32
      %add3A_155 = arith.addi %mul3A_134, %add3A_154 : i32
      %lt3A_156 = arith.cmpi slt, %add3A_155, %min3A : i32
      %and3A_157 = arith.andi %lt3A_153, %lt3A_156 : i1
      %convert_element_type3A_158 = arith.extui %and3A_157 : i1 to i32
      %cond3A_159 = arith.constant 0 : i32
      %cond3A_160 = arith.cmpi ne, %convert_element_type3A_158, %cond3A_159 : i32
      scf.if %cond3A_160 {
        %add3A_168 = arith.constant 2 : i32
        %add3A_169 = arith.addi %mul3A_134, %add3A_168 : i32
        %scan3A_170 = arith.constant 0 : i32
        %scan3A_171 = arith.constant 0 : i32
        %scan3A_172 = arith.constant 8 : i32
        %scan3A_173 = arith.addi %scan3A_171, %scan3A_172 : i32
        %scan3A_174 = arith.constant 1 : i32
        %scan3A_175 = scf.for %scan3A_180 = %scan3A_171 to %scan3A_173 step %scan3A_174 iter_args(%scan3A_181 = %scan3A_170) -> (i32)  : i32 {
          %mul3A_182 = arith.constant 16 : i32
          %mul3A_183 = arith.muli %scan3A_180, %mul3A_182 : i32
          %get3A = arith.index_cast %add3A_169 : i32 to index
          %get3A_184 = arith.index_cast %mul3A_183 : i32 to index
          %get3A_185 = tpu.vector_load %arg6[%get3A, %get3A_184] {strides = array<i32>} : memref<80x128xi32, #tpu.memory_space<vmem>>, vector<1x16xi32>,
          %get3A_186 = vector.shape_cast %get3A_185 : vector<1x16xi32> to vector<16xi32>
          %and3A_187 = arith.constant 131071 : i32
          %and3A_188 = vector.broadcast %and3A_187 : i32 to vector<16xi32>
          %and3A_189 = arith.andi %get3A_186, %and3A_188 : vector<16xi32>
          %mul3A_190 = arith.constant 16 : i32
          %mul3A_191 = arith.muli %scan3A_180, %mul3A_190 : i32
          %swap3A_192 = arith.index_cast %mul3A_191 : i32 to index
          %swap3A_193 = tpu.vector_load %arg7[%swap3A_192] {strides = array<i32>} : memref<128xi32, #tpu.memory_space<vmem>>, vector<16xi32>,
          %swap3A_194 = vector.shape_cast %swap3A_193 : vector<16xi32> to vector<16xi32>
          %swap3A_195 = vector.shape_cast %and3A_189 : vector<16xi32> to vector<16xi32>
          tpu.vector_store %arg7[%swap3A_192], %swap3A_195 {strides = array<i32>} : memref<128xi32, #tpu.memory_space<vmem>>, vector<16xi32>,
          %shift_right_arithmetic3A = arith.constant 17 : i32
          %shift_right_arithmetic3A_196 = vector.broadcast %shift_right_arithmetic3A : i32 to vector<16xi32>
          %shift_right_arithmetic3A_197 = arith.shrsi %get3A_186, %shift_right_arithmetic3A_196 : vector<16xi32>
          %mul3A_198 = arith.constant 16 : i32
          %mul3A_199 = arith.muli %scan3A_180, %mul3A_198 : i32
          %swap3A_200 = arith.index_cast %mul3A_199 : i32 to index
          %swap3A_201 = tpu.vector_load %arg9[%swap3A_200] {strides = array<i32>} : memref<128xi32, #tpu.memory_space<vmem>>, vector<16xi32>,
          %swap3A_202 = vector.shape_cast %swap3A_201 : vector<16xi32> to vector<16xi32>
          %swap3A_203 = vector.shape_cast %shift_right_arithmetic3A_197 : vector<16xi32> to vector<16xi32>
          tpu.vector_store %arg9[%swap3A_200], %swap3A_203 {strides = array<i32>} : memref<128xi32, #tpu.memory_space<vmem>>, vector<16xi32>,
          %scan3A_204 = arith.constant 0 : i32
          scf.yield %scan3A_204 : i32
        }
        %scan3A_176 = arith.constant 8 : i32
        %dma_start3A_177 = arith.constant 0 : i32
        %dma_start3A_178 = arith.constant 0 : i32
        %dma_start3A_179 = tpu.memref_slice %arg3[%dma_start3A_177, %dma_start3A_178] : memref<80000x128xf32, #tpu.memory_space<hbm>> -> memref<80000x128xf32, #tpu.memory_space<hbm>>
        tpu.enqueue_indirect_dma source(%dma_start3A_179 : memref<80000x128xf32, #tpu.memory_space<hbm>>) target(%arg11 : memref<128x128xf32, #tpu.memory_space<vmem>>) offsets(%arg7 : memref<128xi32, #tpu.memory_space<vmem>>) semaphore(%arg17 : memref<!tpu.dma_semaphore, #tpu.memory_space<semaphore_mem>>)
      } else {
      }
      %add3A_161 = arith.constant 1 : i32
      %add3A_162 = arith.addi %mul3A_134, %add3A_161 : i32
      %lt3A_163 = arith.cmpi slt, %add3A_162, %min3A : i32
      %convert_element_type3A_164 = arith.extui %lt3A_163 : i1 to i32
      %cond3A_165 = arith.constant 0 : i32
      %cond3A_166 = arith.cmpi ne, %convert_element_type3A_164, %cond3A_165 : i32
      scf.if %cond3A_166 {
        %dma_wait3A = arith.constant 0 : i32
        %dma_wait3A_168 = arith.constant 0 : i32
        %dma_wait3A_169 = tpu.memref_slice %arg15[%dma_wait3A, %dma_wait3A_168] : memref<10240x128xf32, #tpu.memory_space<vmem_shared>> -> memref<10240x128xf32, #tpu.memory_space<vmem_shared>>
        tpu.wait_indirect_dma semaphore(%arg20 : memref<!tpu.dma_semaphore, #tpu.memory_space<semaphore_mem>>) src(%arg12 : memref<128x128xf32, #tpu.memory_space<vmem>>) dst(%dma_wait3A_169 : memref<10240x128xf32, #tpu.memory_space<vmem_shared>>)
        %dma_wait3A_170 = arith.constant 0 : i32
        %dma_wait3A_171 = tpu.memref_slice %arg16[%dma_wait3A_170] : memref<10240xf32, #tpu.memory_space<vmem_shared>> -> memref<10240xf32, #tpu.memory_space<vmem_shared>>
        tpu.wait_indirect_dma semaphore(%arg22 : memref<!tpu.dma_semaphore, #tpu.memory_space<semaphore_mem>>) src(%arg13 : memref<128xf32, #tpu.memory_space<vmem>>) dst(%dma_wait3A_171 : memref<10240xf32, #tpu.memory_space<vmem_shared>>)
      } else {
      }
      %scan3A_167 = arith.constant 0 : i32
      scf.yield %scan3A_167 : i32
    }
    %scan3A_121 = arith.constant 40 : i32
    %barrier3A_122 = arith.constant 0 : index
    tpu.barrier barrier_id(%barrier3A_122)
    %mul3A_123 = arith.constant 640 : i32
    %mul3A_124 = arith.muli %arg1, %mul3A_123 : i32
    %mul3A_125 = arith.constant 640 : i32
    %mul3A_126 = arith.muli %arg1, %mul3A_125 : i32
    "tpu.region"() ({
      %run_scoped3A = tpu.sem_alloc : memref<!tpu.dma_semaphore, #tpu.memory_space<semaphore_mem>>
      %dma_start3A_131 = arith.constant 0 : i32
      %dma_start3A_132 = tpu.memref_slice %arg4[%arg0, %mul3A_126, %dma_start3A_131] : memref<2x10240x128xf32, #tpu.memory_space<hbm>> -> memref<1x640x128xf32, #tpu.memory_space<hbm>>
      %dma_start3A_133 = tpu.memref_squeeze %dma_start3A_132 : memref<1x640x128xf32, #tpu.memory_space<hbm>> -> memref<640x128xf32, #tpu.memory_space<hbm>>
      %dma_start3A_134 = arith.constant 0 : i32
      %dma_start3A_135 = tpu.memref_slice %arg15[%mul3A_124, %dma_start3A_134] : memref<10240x128xf32, #tpu.memory_space<vmem_shared>> -> memref<640x128xf32, #tpu.memory_space<vmem_shared>>
      tpu.enqueue_dma source(%dma_start3A_135 : memref<640x128xf32, #tpu.memory_space<vmem_shared>>) target(%dma_start3A_133 : memref<640x128xf32, #tpu.memory_space<hbm>>) target_semaphore(%run_scoped3A : memref<!tpu.dma_semaphore, #tpu.memory_space<semaphore_mem>>)
      %dma_wait3A = arith.constant 0 : i32
      %dma_wait3A_136 = tpu.memref_slice %arg4[%arg0, %mul3A_126, %dma_wait3A] : memref<2x10240x128xf32, #tpu.memory_space<hbm>> -> memref<1x640x128xf32, #tpu.memory_space<hbm>>
      %dma_wait3A_137 = tpu.memref_squeeze %dma_wait3A_136 : memref<1x640x128xf32, #tpu.memory_space<hbm>> -> memref<640x128xf32, #tpu.memory_space<hbm>>
      %dma_wait3A_138 = arith.constant 0 : i32
      %dma_wait3A_139 = tpu.memref_slice %arg15[%mul3A_124, %dma_wait3A_138] : memref<10240x128xf32, #tpu.memory_space<vmem_shared>> -> memref<640x128xf32, #tpu.memory_space<vmem_shared>>
      tpu.wait_dma2 semaphore(%run_scoped3A : memref<!tpu.dma_semaphore, #tpu.memory_space<semaphore_mem>>) src(%dma_wait3A_139 : memref<640x128xf32, #tpu.memory_space<vmem_shared>>) dst(%dma_wait3A_137 : memref<640x128xf32, #tpu.memory_space<hbm>>)
      tpu.yield
    }) : () -> ()
    %mul3A_127 = arith.constant 640 : i32
    %mul3A_128 = arith.muli %arg1, %mul3A_127 : i32
    %mul3A_129 = arith.constant 640 : i32
    %mul3A_130 = arith.muli %arg1, %mul3A_129 : i32
    "tpu.region"() ({
      %run_scoped3A = tpu.sem_alloc : memref<!tpu.dma_semaphore, #tpu.memory_space<semaphore_mem>>
      %dma_start3A_131 = tpu.memref_slice %arg5[%arg0, %mul3A_130] : memref<2x10240xf32, #tpu.memory_space<hbm>> -> memref<1x640xf32, #tpu.memory_space<hbm>>
      %dma_start3A_132 = tpu.memref_squeeze %dma_start3A_131 : memref<1x640xf32, #tpu.memory_space<hbm>> -> memref<640xf32, #tpu.memory_space<hbm>>
      %dma_start3A_133 = tpu.memref_slice %arg16[%mul3A_128] : memref<10240xf32, #tpu.memory_space<vmem_shared>> -> memref<640xf32, #tpu.memory_space<vmem_shared>>
      tpu.enqueue_dma source(%dma_start3A_133 : memref<640xf32, #tpu.memory_space<vmem_shared>>) target(%dma_start3A_132 : memref<640xf32, #tpu.memory_space<hbm>>) target_semaphore(%run_scoped3A : memref<!tpu.dma_semaphore, #tpu.memory_space<semaphore_mem>>)
      %dma_wait3A = tpu.memref_slice %arg5[%arg0, %mul3A_130] : memref<2x10240xf32, #tpu.memory_space<hbm>> -> memref<1x640xf32, #tpu.memory_space<hbm>>
      %dma_wait3A_134 = tpu.memref_squeeze %dma_wait3A : memref<1x640xf32, #tpu.memory_space<hbm>> -> memref<640xf32, #tpu.memory_space<hbm>>
      %dma_wait3A_135 = tpu.memref_slice %arg16[%mul3A_128] : memref<10240xf32, #tpu.memory_space<vmem_shared>> -> memref<640xf32, #tpu.memory_space<vmem_shared>>
      tpu.wait_dma2 semaphore(%run_scoped3A : memref<!tpu.dma_semaphore, #tpu.memory_space<semaphore_mem>>) src(%dma_wait3A_135 : memref<640xf32, #tpu.memory_space<vmem_shared>>) dst(%dma_wait3A_134 : memref<640xf32, #tpu.memory_space<hbm>>)
      tpu.yield
    }) : () -> ()
    return
  }
}

#map = affine_map<(d0, d1) -> (0, 0, 0)>
#map1 = affine_map<(d0, d1) -> (0, 0)>
module attributes {stable_mosaic.version = 14 : i64} {
  func.func @body(%arg0: i32, %arg1: i32, %arg2: memref<32x80x128xi32, #tpu.memory_space<hbm>>, %arg3: memref<80000x128xf32, #tpu.memory_space<hbm>>, %arg4: memref<2x10240x128xf32, #tpu.memory_space<hbm>>, %arg5: memref<80x128xi32, #tpu.memory_space<vmem>>, %arg6: memref<128xi32, #tpu.memory_space<vmem>>, %arg7: memref<128xi32, #tpu.memory_space<vmem>>, %arg8: memref<128xi32, #tpu.memory_space<vmem>>, %arg9: memref<128xi32, #tpu.memory_space<vmem>>, %arg10: memref<128x128xf32, #tpu.memory_space<vmem>>, %arg11: memref<128x128xf32, #tpu.memory_space<vmem>>, %arg12: memref<128xf32, #tpu.memory_space<vmem>>, %arg13: memref<640xf32, #tpu.memory_space<vmem>>, %arg14: memref<10240x128xf32, #tpu.memory_space<vmem_shared>>, %arg15: memref<10240xf32, #tpu.memory_space<vmem_shared>>, %arg16: memref<!tpu.dma_semaphore, #tpu.memory_space<semaphore_mem>>, %arg17: memref<!tpu.dma_semaphore, #tpu.memory_space<semaphore_mem>>, %arg18: memref<!tpu.dma_semaphore, #tpu.memory_space<semaphore_mem>>, %arg19: memref<!tpu.dma_semaphore, #tpu.memory_space<semaphore_mem>>, %arg20: memref<!tpu.dma_semaphore, #tpu.memory_space<semaphore_mem>>, %arg21: memref<!tpu.dma_semaphore, #tpu.memory_space<semaphore_mem>>) attributes {dimension_semantics = [#tpu.dimension_semantics<core_parallel>, #tpu.dimension_semantics<subcore_parallel>], iteration_bounds = array<i64: 2, 16>, scalar_prefetch = 0 : i64, scratch_operands = 17 : i64, tpu.core_type = #tpu.core_type<sc_vector_subcore>, window_params = [{transform_indices = #map}, {transform_indices = #map1}, {transform_indices = #map}]} {
    %mul3A = arith.constant 2 : i32
    %mul3A_0 = arith.muli %arg1, %mul3A : i32
    %add3A = arith.addi %mul3A_0, %arg0 : i32
    %mul3A_1 = arith.constant 10240 : i32
    %mul3A_2 = arith.muli %add3A, %mul3A_1 : i32
    %sub3A = arith.constant 320000 : i32
    %sub3A_3 = arith.subi %sub3A, %mul3A_2 : i32
    %jit3A = arith.constant 128 : i32
    %div3A = arith.divsi %sub3A_3, %jit3A : i32
    %sign3A = arith.constant 0 : i32
    %sign3A_4 = arith.cmpi sgt, %sub3A_3, %sign3A : i32
    %sign3A_5 = arith.extui %sign3A_4 : i1 to i32
    %sign3A_6 = arith.constant 0 : i32
    %sign3A_7 = arith.cmpi slt, %sub3A_3, %sign3A_6 : i32
    %sign3A_8 = arith.extui %sign3A_7 : i1 to i32
    %sign3A_9 = arith.subi %sign3A_5, %sign3A_8 : i32
    %sign3A_10 = arith.constant 0 : i32
    %sign3A_11 = arith.cmpi sgt, %jit3A, %sign3A_10 : i32
    %sign3A_12 = arith.extui %sign3A_11 : i1 to i32
    %sign3A_13 = arith.constant 0 : i32
    %sign3A_14 = arith.cmpi slt, %jit3A, %sign3A_13 : i32
    %sign3A_15 = arith.extui %sign3A_14 : i1 to i32
    %sign3A_16 = arith.subi %sign3A_12, %sign3A_15 : i32
    %ne3A = arith.cmpi ne, %sign3A_9, %sign3A_16 : i32
    %rem3A = arith.remsi %sub3A_3, %jit3A : i32
    %ne3A_17 = arith.constant 0 : i32
    %ne3A_18 = arith.cmpi ne, %rem3A, %ne3A_17 : i32
    %and3A = arith.andi %ne3A, %ne3A_18 : i1
    %sub3A_19 = arith.constant 1 : i32
    %sub3A_20 = arith.subi %div3A, %sub3A_19 : i32
    %select_n3A = arith.select %and3A, %sub3A_20, %div3A : i32
    %jit3A_21 = arith.constant 0 : i32
    %jit3A_22 = arith.constant 80 : i32
    %max3A = arith.maxsi %jit3A_21, %select_n3A : i32
    %min3A = arith.minsi %jit3A_22, %max3A : i32
    "tpu.region"() ({
      %run_scoped3A = tpu.sem_alloc : memref<!tpu.dma_semaphore, #tpu.memory_space<semaphore_mem>>
      %dma_start3A_127 = arith.constant 0 : i32
      %dma_start3A_128 = arith.constant 0 : i32
      %dma_start3A_129 = tpu.memref_slice %arg2[%add3A, %dma_start3A_127, %dma_start3A_128] : memref<32x80x128xi32, #tpu.memory_space<hbm>> -> memref<1x80x128xi32, #tpu.memory_space<hbm>>
      %dma_start3A_130 = tpu.memref_squeeze %dma_start3A_129 : memref<1x80x128xi32, #tpu.memory_space<hbm>> -> memref<80x128xi32, #tpu.memory_space<hbm>>
      %dma_start3A_131 = arith.constant 0 : i32
      %dma_start3A_132 = arith.constant 0 : i32
      %dma_start3A_133 = tpu.memref_slice %arg2[%add3A, %dma_start3A_131, %dma_start3A_132] : memref<32x80x128xi32, #tpu.memory_space<hbm>> -> memref<1x80x128xi32, #tpu.memory_space<hbm>>
      %dma_start3A_134 = tpu.memref_squeeze %dma_start3A_133 : memref<1x80x128xi32, #tpu.memory_space<hbm>> -> memref<80x128xi32, #tpu.memory_space<hbm>>
      tpu.enqueue_dma source(%dma_start3A_134 : memref<80x128xi32, #tpu.memory_space<hbm>>) target(%arg5 : memref<80x128xi32, #tpu.memory_space<vmem>>) target_semaphore(%run_scoped3A : memref<!tpu.dma_semaphore, #tpu.memory_space<semaphore_mem>>)
      %dma_wait3A = arith.constant 0 : i32
      %dma_wait3A_135 = arith.constant 0 : i32
      %dma_wait3A_136 = tpu.memref_slice %arg2[%add3A, %dma_wait3A, %dma_wait3A_135] : memref<32x80x128xi32, #tpu.memory_space<hbm>> -> memref<1x80x128xi32, #tpu.memory_space<hbm>>
      %dma_wait3A_137 = tpu.memref_squeeze %dma_wait3A_136 : memref<1x80x128xi32, #tpu.memory_space<hbm>> -> memref<80x128xi32, #tpu.memory_space<hbm>>
      %dma_wait3A_138 = arith.constant 0 : i32
      %dma_wait3A_139 = arith.constant 0 : i32
      %dma_wait3A_140 = tpu.memref_slice %arg2[%add3A, %dma_wait3A_138, %dma_wait3A_139] : memref<32x80x128xi32, #tpu.memory_space<hbm>> -> memref<1x80x128xi32, #tpu.memory_space<hbm>>
      %dma_wait3A_141 = tpu.memref_squeeze %dma_wait3A_140 : memref<1x80x128xi32, #tpu.memory_space<hbm>> -> memref<80x128xi32, #tpu.memory_space<hbm>>
      tpu.wait_dma2 semaphore(%run_scoped3A : memref<!tpu.dma_semaphore, #tpu.memory_space<semaphore_mem>>) src(%dma_wait3A_141 : memref<80x128xi32, #tpu.memory_space<hbm>>) dst(%arg5 : memref<80x128xi32, #tpu.memory_space<vmem>>)
      tpu.yield
    }) : () -> ()
    %broadcast_in_dim3A = arith.constant 0.000000e+00 : f32
    %broadcast_in_dim3A_23 = vector.broadcast %broadcast_in_dim3A : f32 to vector<16xf32>
    %scan3A = arith.constant 0 : i32
    %scan3A_24 = arith.constant 0 : i32
    %scan3A_25 = arith.constant 128 : i32
    %scan3A_26 = arith.addi %scan3A_24, %scan3A_25 : i32
    %scan3A_27 = arith.constant 1 : i32
    %scan3A_28 = scf.for %scan3A_127 = %scan3A_24 to %scan3A_26 step %scan3A_27 iter_args(%scan3A_128 = %scan3A) -> (i32)  : i32 {
      %swap3A_129 = arith.index_cast %scan3A_127 : i32 to index
      %swap3A_130 = arith.constant 0 : index
      %swap3A_131 = tpu.vector_load %arg10[%swap3A_129, %swap3A_130] {strides = array<i32>} : memref<128x128xf32, #tpu.memory_space<vmem>>, vector<1x16xf32>,
      %swap3A_132 = vector.shape_cast %swap3A_131 : vector<1x16xf32> to vector<16xf32>
      %swap3A_133 = vector.shape_cast %broadcast_in_dim3A_23 : vector<16xf32> to vector<1x16xf32>
      tpu.vector_store %arg10[%swap3A_129, %swap3A_130], %swap3A_133 {strides = array<i32>} : memref<128x128xf32, #tpu.memory_space<vmem>>, vector<1x16xf32>,
      %swap3A_134 = arith.index_cast %scan3A_127 : i32 to index
      %swap3A_135 = arith.constant 16 : index
      %swap3A_136 = tpu.vector_load %arg10[%swap3A_134, %swap3A_135] {strides = array<i32>} : memref<128x128xf32, #tpu.memory_space<vmem>>, vector<1x16xf32>,
      %swap3A_137 = vector.shape_cast %swap3A_136 : vector<1x16xf32> to vector<16xf32>
      %swap3A_138 = vector.shape_cast %broadcast_in_dim3A_23 : vector<16xf32> to vector<1x16xf32>
      tpu.vector_store %arg10[%swap3A_134, %swap3A_135], %swap3A_138 {strides = array<i32>} : memref<128x128xf32, #tpu.memory_space<vmem>>, vector<1x16xf32>,
      %swap3A_139 = arith.index_cast %scan3A_127 : i32 to index
      %swap3A_140 = arith.constant 32 : index
      %swap3A_141 = tpu.vector_load %arg10[%swap3A_139, %swap3A_140] {strides = array<i32>} : memref<128x128xf32, #tpu.memory_space<vmem>>, vector<1x16xf32>,
      %swap3A_142 = vector.shape_cast %swap3A_141 : vector<1x16xf32> to vector<16xf32>
      %swap3A_143 = vector.shape_cast %broadcast_in_dim3A_23 : vector<16xf32> to vector<1x16xf32>
      tpu.vector_store %arg10[%swap3A_139, %swap3A_140], %swap3A_143 {strides = array<i32>} : memref<128x128xf32, #tpu.memory_space<vmem>>, vector<1x16xf32>,
      %swap3A_144 = arith.index_cast %scan3A_127 : i32 to index
      %swap3A_145 = arith.constant 48 : index
      %swap3A_146 = tpu.vector_load %arg10[%swap3A_144, %swap3A_145] {strides = array<i32>} : memref<128x128xf32, #tpu.memory_space<vmem>>, vector<1x16xf32>,
      %swap3A_147 = vector.shape_cast %swap3A_146 : vector<1x16xf32> to vector<16xf32>
      %swap3A_148 = vector.shape_cast %broadcast_in_dim3A_23 : vector<16xf32> to vector<1x16xf32>
      tpu.vector_store %arg10[%swap3A_144, %swap3A_145], %swap3A_148 {strides = array<i32>} : memref<128x128xf32, #tpu.memory_space<vmem>>, vector<1x16xf32>,
      %swap3A_149 = arith.index_cast %scan3A_127 : i32 to index
      %swap3A_150 = arith.constant 64 : index
      %swap3A_151 = tpu.vector_load %arg10[%swap3A_149, %swap3A_150] {strides = array<i32>} : memref<128x128xf32, #tpu.memory_space<vmem>>, vector<1x16xf32>,
      %swap3A_152 = vector.shape_cast %swap3A_151 : vector<1x16xf32> to vector<16xf32>
      %swap3A_153 = vector.shape_cast %broadcast_in_dim3A_23 : vector<16xf32> to vector<1x16xf32>
      tpu.vector_store %arg10[%swap3A_149, %swap3A_150], %swap3A_153 {strides = array<i32>} : memref<128x128xf32, #tpu.memory_space<vmem>>, vector<1x16xf32>,
      %swap3A_154 = arith.index_cast %scan3A_127 : i32 to index
      %swap3A_155 = arith.constant 80 : index
      %swap3A_156 = tpu.vector_load %arg10[%swap3A_154, %swap3A_155] {strides = array<i32>} : memref<128x128xf32, #tpu.memory_space<vmem>>, vector<1x16xf32>,
      %swap3A_157 = vector.shape_cast %swap3A_156 : vector<1x16xf32> to vector<16xf32>
      %swap3A_158 = vector.shape_cast %broadcast_in_dim3A_23 : vector<16xf32> to vector<1x16xf32>
      tpu.vector_store %arg10[%swap3A_154, %swap3A_155], %swap3A_158 {strides = array<i32>} : memref<128x128xf32, #tpu.memory_space<vmem>>, vector<1x16xf32>,
      %swap3A_159 = arith.index_cast %scan3A_127 : i32 to index
      %swap3A_160 = arith.constant 96 : index
      %swap3A_161 = tpu.vector_load %arg10[%swap3A_159, %swap3A_160] {strides = array<i32>} : memref<128x128xf32, #tpu.memory_space<vmem>>, vector<1x16xf32>,
      %swap3A_162 = vector.shape_cast %swap3A_161 : vector<1x16xf32> to vector<16xf32>
      %swap3A_163 = vector.shape_cast %broadcast_in_dim3A_23 : vector<16xf32> to vector<1x16xf32>
      tpu.vector_store %arg10[%swap3A_159, %swap3A_160], %swap3A_163 {strides = array<i32>} : memref<128x128xf32, #tpu.memory_space<vmem>>, vector<1x16xf32>,
      %swap3A_164 = arith.index_cast %scan3A_127 : i32 to index
      %swap3A_165 = arith.constant 112 : index
      %swap3A_166 = tpu.vector_load %arg10[%swap3A_164, %swap3A_165] {strides = array<i32>} : memref<128x128xf32, #tpu.memory_space<vmem>>, vector<1x16xf32>,
      %swap3A_167 = vector.shape_cast %swap3A_166 : vector<1x16xf32> to vector<16xf32>
      %swap3A_168 = vector.shape_cast %broadcast_in_dim3A_23 : vector<16xf32> to vector<1x16xf32>
      tpu.vector_store %arg10[%swap3A_164, %swap3A_165], %swap3A_168 {strides = array<i32>} : memref<128x128xf32, #tpu.memory_space<vmem>>, vector<1x16xf32>,
      %scan3A_169 = arith.constant 0 : i32
      scf.yield %scan3A_169 : i32
    }
    %scan3A_29 = arith.constant 128 : i32
    %broadcast_in_dim3A_30 = arith.constant 1.000000e+00 : f32
    %broadcast_in_dim3A_31 = vector.broadcast %broadcast_in_dim3A_30 : f32 to vector<16xf32>
    %swap3A = arith.constant 0 : index
    %swap3A_32 = tpu.vector_load %arg12[%swap3A] {strides = array<i32>} : memref<128xf32, #tpu.memory_space<vmem>>, vector<16xf32>,
    %swap3A_33 = vector.shape_cast %swap3A_32 : vector<16xf32> to vector<16xf32>
    %swap3A_34 = vector.shape_cast %broadcast_in_dim3A_31 : vector<16xf32> to vector<16xf32>
    tpu.vector_store %arg12[%swap3A], %swap3A_34 {strides = array<i32>} : memref<128xf32, #tpu.memory_space<vmem>>, vector<16xf32>,
    %broadcast_in_dim3A_35 = arith.constant 1.000000e+00 : f32
    %broadcast_in_dim3A_36 = vector.broadcast %broadcast_in_dim3A_35 : f32 to vector<16xf32>
    %swap3A_37 = arith.constant 16 : index
    %swap3A_38 = tpu.vector_load %arg12[%swap3A_37] {strides = array<i32>} : memref<128xf32, #tpu.memory_space<vmem>>, vector<16xf32>,
    %swap3A_39 = vector.shape_cast %swap3A_38 : vector<16xf32> to vector<16xf32>
    %swap3A_40 = vector.shape_cast %broadcast_in_dim3A_36 : vector<16xf32> to vector<16xf32>
    tpu.vector_store %arg12[%swap3A_37], %swap3A_40 {strides = array<i32>} : memref<128xf32, #tpu.memory_space<vmem>>, vector<16xf32>,
    %broadcast_in_dim3A_41 = arith.constant 1.000000e+00 : f32
    %broadcast_in_dim3A_42 = vector.broadcast %broadcast_in_dim3A_41 : f32 to vector<16xf32>
    %swap3A_43 = arith.constant 32 : index
    %swap3A_44 = tpu.vector_load %arg12[%swap3A_43] {strides = array<i32>} : memref<128xf32, #tpu.memory_space<vmem>>, vector<16xf32>,
    %swap3A_45 = vector.shape_cast %swap3A_44 : vector<16xf32> to vector<16xf32>
    %swap3A_46 = vector.shape_cast %broadcast_in_dim3A_42 : vector<16xf32> to vector<16xf32>
    tpu.vector_store %arg12[%swap3A_43], %swap3A_46 {strides = array<i32>} : memref<128xf32, #tpu.memory_space<vmem>>, vector<16xf32>,
    %broadcast_in_dim3A_47 = arith.constant 1.000000e+00 : f32
    %broadcast_in_dim3A_48 = vector.broadcast %broadcast_in_dim3A_47 : f32 to vector<16xf32>
    %swap3A_49 = arith.constant 48 : index
    %swap3A_50 = tpu.vector_load %arg12[%swap3A_49] {strides = array<i32>} : memref<128xf32, #tpu.memory_space<vmem>>, vector<16xf32>,
    %swap3A_51 = vector.shape_cast %swap3A_50 : vector<16xf32> to vector<16xf32>
    %swap3A_52 = vector.shape_cast %broadcast_in_dim3A_48 : vector<16xf32> to vector<16xf32>
    tpu.vector_store %arg12[%swap3A_49], %swap3A_52 {strides = array<i32>} : memref<128xf32, #tpu.memory_space<vmem>>, vector<16xf32>,
    %broadcast_in_dim3A_53 = arith.constant 1.000000e+00 : f32
    %broadcast_in_dim3A_54 = vector.broadcast %broadcast_in_dim3A_53 : f32 to vector<16xf32>
    %swap3A_55 = arith.constant 64 : index
    %swap3A_56 = tpu.vector_load %arg12[%swap3A_55] {strides = array<i32>} : memref<128xf32, #tpu.memory_space<vmem>>, vector<16xf32>,
    %swap3A_57 = vector.shape_cast %swap3A_56 : vector<16xf32> to vector<16xf32>
    %swap3A_58 = vector.shape_cast %broadcast_in_dim3A_54 : vector<16xf32> to vector<16xf32>
    tpu.vector_store %arg12[%swap3A_55], %swap3A_58 {strides = array<i32>} : memref<128xf32, #tpu.memory_space<vmem>>, vector<16xf32>,
    %broadcast_in_dim3A_59 = arith.constant 1.000000e+00 : f32
    %broadcast_in_dim3A_60 = vector.broadcast %broadcast_in_dim3A_59 : f32 to vector<16xf32>
    %swap3A_61 = arith.constant 80 : index
    %swap3A_62 = tpu.vector_load %arg12[%swap3A_61] {strides = array<i32>} : memref<128xf32, #tpu.memory_space<vmem>>, vector<16xf32>,
    %swap3A_63 = vector.shape_cast %swap3A_62 : vector<16xf32> to vector<16xf32>
    %swap3A_64 = vector.shape_cast %broadcast_in_dim3A_60 : vector<16xf32> to vector<16xf32>
    tpu.vector_store %arg12[%swap3A_61], %swap3A_64 {strides = array<i32>} : memref<128xf32, #tpu.memory_space<vmem>>, vector<16xf32>,
    %broadcast_in_dim3A_65 = arith.constant 1.000000e+00 : f32
    %broadcast_in_dim3A_66 = vector.broadcast %broadcast_in_dim3A_65 : f32 to vector<16xf32>
    %swap3A_67 = arith.constant 96 : index
    %swap3A_68 = tpu.vector_load %arg12[%swap3A_67] {strides = array<i32>} : memref<128xf32, #tpu.memory_space<vmem>>, vector<16xf32>,
    %swap3A_69 = vector.shape_cast %swap3A_68 : vector<16xf32> to vector<16xf32>
    %swap3A_70 = vector.shape_cast %broadcast_in_dim3A_66 : vector<16xf32> to vector<16xf32>
    tpu.vector_store %arg12[%swap3A_67], %swap3A_70 {strides = array<i32>} : memref<128xf32, #tpu.memory_space<vmem>>, vector<16xf32>,
    %broadcast_in_dim3A_71 = arith.constant 1.000000e+00 : f32
    %broadcast_in_dim3A_72 = vector.broadcast %broadcast_in_dim3A_71 : f32 to vector<16xf32>
    %swap3A_73 = arith.constant 112 : index
    %swap3A_74 = tpu.vector_load %arg12[%swap3A_73] {strides = array<i32>} : memref<128xf32, #tpu.memory_space<vmem>>, vector<16xf32>,
    %swap3A_75 = vector.shape_cast %swap3A_74 : vector<16xf32> to vector<16xf32>
    %swap3A_76 = vector.shape_cast %broadcast_in_dim3A_72 : vector<16xf32> to vector<16xf32>
    tpu.vector_store %arg12[%swap3A_73], %swap3A_76 {strides = array<i32>} : memref<128xf32, #tpu.memory_space<vmem>>, vector<16xf32>,
    %scan3A_77 = arith.constant 0 : i32
    %scan3A_78 = arith.constant 0 : i32
    %scan3A_79 = arith.constant 40 : i32
    %scan3A_80 = arith.addi %scan3A_78, %scan3A_79 : i32
    %scan3A_81 = arith.constant 1 : i32
    %scan3A_82 = scf.for %scan3A_127 = %scan3A_78 to %scan3A_80 step %scan3A_81 iter_args(%scan3A_128 = %scan3A_77) -> (i32)  : i32 {
      %mul3A_129 = arith.constant 16 : i32
      %mul3A_130 = arith.muli %scan3A_127, %mul3A_129 : i32
      %swap3A_131 = arith.index_cast %mul3A_130 : i32 to index
      %swap3A_132 = tpu.vector_load %arg13[%swap3A_131] {strides = array<i32>} : memref<640xf32, #tpu.memory_space<vmem>>, vector<16xf32>,
      %swap3A_133 = vector.shape_cast %swap3A_132 : vector<16xf32> to vector<16xf32>
      %swap3A_134 = vector.shape_cast %broadcast_in_dim3A_23 : vector<16xf32> to vector<16xf32>
      tpu.vector_store %arg13[%swap3A_131], %swap3A_134 {strides = array<i32>} : memref<640xf32, #tpu.memory_space<vmem>>, vector<16xf32>,
      %scan3A_135 = arith.constant 0 : i32
      scf.yield %scan3A_135 : i32
    }
    %scan3A_83 = arith.constant 40 : i32
    %mul3A_84 = arith.constant 640 : i32
    %mul3A_85 = arith.muli %arg1, %mul3A_84 : i32
    %add3A_86 = arith.constant 0 : i32
    %add3A_87 = arith.addi %mul3A_85, %add3A_86 : i32
    "tpu.region"() ({
      %run_scoped3A = tpu.sem_alloc : memref<!tpu.dma_semaphore, #tpu.memory_space<semaphore_mem>>
      %dma_start3A_127 = arith.constant 0 : i32
      %dma_start3A_128 = arith.constant 0 : i32
      %dma_start3A_129 = tpu.memref_slice %arg10[%dma_start3A_127, %dma_start3A_128] : memref<128x128xf32, #tpu.memory_space<vmem>> -> memref<128x128xf32, #tpu.memory_space<vmem>>
      %dma_start3A_130 = arith.constant 0 : i32
      %dma_start3A_131 = tpu.memref_slice %arg14[%add3A_87, %dma_start3A_130] : memref<10240x128xf32, #tpu.memory_space<vmem_shared>> -> memref<128x128xf32, #tpu.memory_space<vmem_shared>>
      %dma_start3A_132 = arith.constant 0 : i32
      %dma_start3A_133 = tpu.memref_slice %arg14[%add3A_87, %dma_start3A_132] : memref<10240x128xf32, #tpu.memory_space<vmem_shared>> -> memref<128x128xf32, #tpu.memory_space<vmem_shared>>
      %dma_start3A_134 = arith.constant 0 : i32
      %dma_start3A_135 = arith.constant 0 : i32
      %dma_start3A_136 = tpu.memref_slice %arg10[%dma_start3A_134, %dma_start3A_135] : memref<128x128xf32, #tpu.memory_space<vmem>> -> memref<128x128xf32, #tpu.memory_space<vmem>>
      tpu.enqueue_dma source(%dma_start3A_136 : memref<128x128xf32, #tpu.memory_space<vmem>>) target(%dma_start3A_133 : memref<128x128xf32, #tpu.memory_space<vmem_shared>>) target_semaphore(%run_scoped3A : memref<!tpu.dma_semaphore, #tpu.memory_space<semaphore_mem>>)
      %dma_wait3A = arith.constant 0 : i32
      %dma_wait3A_137 = arith.constant 0 : i32
      %dma_wait3A_138 = tpu.memref_slice %arg10[%dma_wait3A, %dma_wait3A_137] : memref<128x128xf32, #tpu.memory_space<vmem>> -> memref<128x128xf32, #tpu.memory_space<vmem>>
      %dma_wait3A_139 = arith.constant 0 : i32
      %dma_wait3A_140 = tpu.memref_slice %arg14[%add3A_87, %dma_wait3A_139] : memref<10240x128xf32, #tpu.memory_space<vmem_shared>> -> memref<128x128xf32, #tpu.memory_space<vmem_shared>>
      %dma_wait3A_141 = arith.constant 0 : i32
      %dma_wait3A_142 = tpu.memref_slice %arg14[%add3A_87, %dma_wait3A_141] : memref<10240x128xf32, #tpu.memory_space<vmem_shared>> -> memref<128x128xf32, #tpu.memory_space<vmem_shared>>
      %dma_wait3A_143 = arith.constant 0 : i32
      %dma_wait3A_144 = arith.constant 0 : i32
      %dma_wait3A_145 = tpu.memref_slice %arg10[%dma_wait3A_143, %dma_wait3A_144] : memref<128x128xf32, #tpu.memory_space<vmem>> -> memref<128x128xf32, #tpu.memory_space<vmem>>
      tpu.wait_dma2 semaphore(%run_scoped3A : memref<!tpu.dma_semaphore, #tpu.memory_space<semaphore_mem>>) src(%dma_wait3A_145 : memref<128x128xf32, #tpu.memory_space<vmem>>) dst(%dma_wait3A_142 : memref<128x128xf32, #tpu.memory_space<vmem_shared>>)
      tpu.yield
    }) : () -> ()
    %mul3A_88 = arith.constant 640 : i32
    %mul3A_89 = arith.muli %arg1, %mul3A_88 : i32
    %add3A_90 = arith.constant 128 : i32
    %add3A_91 = arith.addi %mul3A_89, %add3A_90 : i32
    "tpu.region"() ({
      %run_scoped3A = tpu.sem_alloc : memref<!tpu.dma_semaphore, #tpu.memory_space<semaphore_mem>>
      %dma_start3A_127 = arith.constant 0 : i32
      %dma_start3A_128 = arith.constant 0 : i32
      %dma_start3A_129 = tpu.memref_slice %arg10[%dma_start3A_127, %dma_start3A_128] : memref<128x128xf32, #tpu.memory_space<vmem>> -> memref<128x128xf32, #tpu.memory_space<vmem>>
      %dma_start3A_130 = arith.constant 0 : i32
      %dma_start3A_131 = tpu.memref_slice %arg14[%add3A_91, %dma_start3A_130] : memref<10240x128xf32, #tpu.memory_space<vmem_shared>> -> memref<128x128xf32, #tpu.memory_space<vmem_shared>>
      %dma_start3A_132 = arith.constant 0 : i32
      %dma_start3A_133 = tpu.memref_slice %arg14[%add3A_91, %dma_start3A_132] : memref<10240x128xf32, #tpu.memory_space<vmem_shared>> -> memref<128x128xf32, #tpu.memory_space<vmem_shared>>
      %dma_start3A_134 = arith.constant 0 : i32
      %dma_start3A_135 = arith.constant 0 : i32
      %dma_start3A_136 = tpu.memref_slice %arg10[%dma_start3A_134, %dma_start3A_135] : memref<128x128xf32, #tpu.memory_space<vmem>> -> memref<128x128xf32, #tpu.memory_space<vmem>>
      tpu.enqueue_dma source(%dma_start3A_136 : memref<128x128xf32, #tpu.memory_space<vmem>>) target(%dma_start3A_133 : memref<128x128xf32, #tpu.memory_space<vmem_shared>>) target_semaphore(%run_scoped3A : memref<!tpu.dma_semaphore, #tpu.memory_space<semaphore_mem>>)
      %dma_wait3A = arith.constant 0 : i32
      %dma_wait3A_137 = arith.constant 0 : i32
      %dma_wait3A_138 = tpu.memref_slice %arg10[%dma_wait3A, %dma_wait3A_137] : memref<128x128xf32, #tpu.memory_space<vmem>> -> memref<128x128xf32, #tpu.memory_space<vmem>>
      %dma_wait3A_139 = arith.constant 0 : i32
      %dma_wait3A_140 = tpu.memref_slice %arg14[%add3A_91, %dma_wait3A_139] : memref<10240x128xf32, #tpu.memory_space<vmem_shared>> -> memref<128x128xf32, #tpu.memory_space<vmem_shared>>
      %dma_wait3A_141 = arith.constant 0 : i32
      %dma_wait3A_142 = tpu.memref_slice %arg14[%add3A_91, %dma_wait3A_141] : memref<10240x128xf32, #tpu.memory_space<vmem_shared>> -> memref<128x128xf32, #tpu.memory_space<vmem_shared>>
      %dma_wait3A_143 = arith.constant 0 : i32
      %dma_wait3A_144 = arith.constant 0 : i32
      %dma_wait3A_145 = tpu.memref_slice %arg10[%dma_wait3A_143, %dma_wait3A_144] : memref<128x128xf32, #tpu.memory_space<vmem>> -> memref<128x128xf32, #tpu.memory_space<vmem>>
      tpu.wait_dma2 semaphore(%run_scoped3A : memref<!tpu.dma_semaphore, #tpu.memory_space<semaphore_mem>>) src(%dma_wait3A_145 : memref<128x128xf32, #tpu.memory_space<vmem>>) dst(%dma_wait3A_142 : memref<128x128xf32, #tpu.memory_space<vmem_shared>>)
      tpu.yield
    }) : () -> ()
    %mul3A_92 = arith.constant 640 : i32
    %mul3A_93 = arith.muli %arg1, %mul3A_92 : i32
    %add3A_94 = arith.constant 256 : i32
    %add3A_95 = arith.addi %mul3A_93, %add3A_94 : i32
    "tpu.region"() ({
      %run_scoped3A = tpu.sem_alloc : memref<!tpu.dma_semaphore, #tpu.memory_space<semaphore_mem>>
      %dma_start3A_127 = arith.constant 0 : i32
      %dma_start3A_128 = arith.constant 0 : i32
      %dma_start3A_129 = tpu.memref_slice %arg10[%dma_start3A_127, %dma_start3A_128] : memref<128x128xf32, #tpu.memory_space<vmem>> -> memref<128x128xf32, #tpu.memory_space<vmem>>
      %dma_start3A_130 = arith.constant 0 : i32
      %dma_start3A_131 = tpu.memref_slice %arg14[%add3A_95, %dma_start3A_130] : memref<10240x128xf32, #tpu.memory_space<vmem_shared>> -> memref<128x128xf32, #tpu.memory_space<vmem_shared>>
      %dma_start3A_132 = arith.constant 0 : i32
      %dma_start3A_133 = tpu.memref_slice %arg14[%add3A_95, %dma_start3A_132] : memref<10240x128xf32, #tpu.memory_space<vmem_shared>> -> memref<128x128xf32, #tpu.memory_space<vmem_shared>>
      %dma_start3A_134 = arith.constant 0 : i32
      %dma_start3A_135 = arith.constant 0 : i32
      %dma_start3A_136 = tpu.memref_slice %arg10[%dma_start3A_134, %dma_start3A_135] : memref<128x128xf32, #tpu.memory_space<vmem>> -> memref<128x128xf32, #tpu.memory_space<vmem>>
      tpu.enqueue_dma source(%dma_start3A_136 : memref<128x128xf32, #tpu.memory_space<vmem>>) target(%dma_start3A_133 : memref<128x128xf32, #tpu.memory_space<vmem_shared>>) target_semaphore(%run_scoped3A : memref<!tpu.dma_semaphore, #tpu.memory_space<semaphore_mem>>)
      %dma_wait3A = arith.constant 0 : i32
      %dma_wait3A_137 = arith.constant 0 : i32
      %dma_wait3A_138 = tpu.memref_slice %arg10[%dma_wait3A, %dma_wait3A_137] : memref<128x128xf32, #tpu.memory_space<vmem>> -> memref<128x128xf32, #tpu.memory_space<vmem>>
      %dma_wait3A_139 = arith.constant 0 : i32
      %dma_wait3A_140 = tpu.memref_slice %arg14[%add3A_95, %dma_wait3A_139] : memref<10240x128xf32, #tpu.memory_space<vmem_shared>> -> memref<128x128xf32, #tpu.memory_space<vmem_shared>>
      %dma_wait3A_141 = arith.constant 0 : i32
      %dma_wait3A_142 = tpu.memref_slice %arg14[%add3A_95, %dma_wait3A_141] : memref<10240x128xf32, #tpu.memory_space<vmem_shared>> -> memref<128x128xf32, #tpu.memory_space<vmem_shared>>
      %dma_wait3A_143 = arith.constant 0 : i32
      %dma_wait3A_144 = arith.constant 0 : i32
      %dma_wait3A_145 = tpu.memref_slice %arg10[%dma_wait3A_143, %dma_wait3A_144] : memref<128x128xf32, #tpu.memory_space<vmem>> -> memref<128x128xf32, #tpu.memory_space<vmem>>
      tpu.wait_dma2 semaphore(%run_scoped3A : memref<!tpu.dma_semaphore, #tpu.memory_space<semaphore_mem>>) src(%dma_wait3A_145 : memref<128x128xf32, #tpu.memory_space<vmem>>) dst(%dma_wait3A_142 : memref<128x128xf32, #tpu.memory_space<vmem_shared>>)
      tpu.yield
    }) : () -> ()
    %mul3A_96 = arith.constant 640 : i32
    %mul3A_97 = arith.muli %arg1, %mul3A_96 : i32
    %add3A_98 = arith.constant 384 : i32
    %add3A_99 = arith.addi %mul3A_97, %add3A_98 : i32
    "tpu.region"() ({
      %run_scoped3A = tpu.sem_alloc : memref<!tpu.dma_semaphore, #tpu.memory_space<semaphore_mem>>
      %dma_start3A_127 = arith.constant 0 : i32
      %dma_start3A_128 = arith.constant 0 : i32
      %dma_start3A_129 = tpu.memref_slice %arg10[%dma_start3A_127, %dma_start3A_128] : memref<128x128xf32, #tpu.memory_space<vmem>> -> memref<128x128xf32, #tpu.memory_space<vmem>>
      %dma_start3A_130 = arith.constant 0 : i32
      %dma_start3A_131 = tpu.memref_slice %arg14[%add3A_99, %dma_start3A_130] : memref<10240x128xf32, #tpu.memory_space<vmem_shared>> -> memref<128x128xf32, #tpu.memory_space<vmem_shared>>
      %dma_start3A_132 = arith.constant 0 : i32
      %dma_start3A_133 = tpu.memref_slice %arg14[%add3A_99, %dma_start3A_132] : memref<10240x128xf32, #tpu.memory_space<vmem_shared>> -> memref<128x128xf32, #tpu.memory_space<vmem_shared>>
      %dma_start3A_134 = arith.constant 0 : i32
      %dma_start3A_135 = arith.constant 0 : i32
      %dma_start3A_136 = tpu.memref_slice %arg10[%dma_start3A_134, %dma_start3A_135] : memref<128x128xf32, #tpu.memory_space<vmem>> -> memref<128x128xf32, #tpu.memory_space<vmem>>
      tpu.enqueue_dma source(%dma_start3A_136 : memref<128x128xf32, #tpu.memory_space<vmem>>) target(%dma_start3A_133 : memref<128x128xf32, #tpu.memory_space<vmem_shared>>) target_semaphore(%run_scoped3A : memref<!tpu.dma_semaphore, #tpu.memory_space<semaphore_mem>>)
      %dma_wait3A = arith.constant 0 : i32
      %dma_wait3A_137 = arith.constant 0 : i32
      %dma_wait3A_138 = tpu.memref_slice %arg10[%dma_wait3A, %dma_wait3A_137] : memref<128x128xf32, #tpu.memory_space<vmem>> -> memref<128x128xf32, #tpu.memory_space<vmem>>
      %dma_wait3A_139 = arith.constant 0 : i32
      %dma_wait3A_140 = tpu.memref_slice %arg14[%add3A_99, %dma_wait3A_139] : memref<10240x128xf32, #tpu.memory_space<vmem_shared>> -> memref<128x128xf32, #tpu.memory_space<vmem_shared>>
      %dma_wait3A_141 = arith.constant 0 : i32
      %dma_wait3A_142 = tpu.memref_slice %arg14[%add3A_99, %dma_wait3A_141] : memref<10240x128xf32, #tpu.memory_space<vmem_shared>> -> memref<128x128xf32, #tpu.memory_space<vmem_shared>>
      %dma_wait3A_143 = arith.constant 0 : i32
      %dma_wait3A_144 = arith.constant 0 : i32
      %dma_wait3A_145 = tpu.memref_slice %arg10[%dma_wait3A_143, %dma_wait3A_144] : memref<128x128xf32, #tpu.memory_space<vmem>> -> memref<128x128xf32, #tpu.memory_space<vmem>>
      tpu.wait_dma2 semaphore(%run_scoped3A : memref<!tpu.dma_semaphore, #tpu.memory_space<semaphore_mem>>) src(%dma_wait3A_145 : memref<128x128xf32, #tpu.memory_space<vmem>>) dst(%dma_wait3A_142 : memref<128x128xf32, #tpu.memory_space<vmem_shared>>)
      tpu.yield
    }) : () -> ()
    %mul3A_100 = arith.constant 640 : i32
    %mul3A_101 = arith.muli %arg1, %mul3A_100 : i32
    %add3A_102 = arith.constant 512 : i32
    %add3A_103 = arith.addi %mul3A_101, %add3A_102 : i32
    "tpu.region"() ({
      %run_scoped3A = tpu.sem_alloc : memref<!tpu.dma_semaphore, #tpu.memory_space<semaphore_mem>>
      %dma_start3A_127 = arith.constant 0 : i32
      %dma_start3A_128 = arith.constant 0 : i32
      %dma_start3A_129 = tpu.memref_slice %arg10[%dma_start3A_127, %dma_start3A_128] : memref<128x128xf32, #tpu.memory_space<vmem>> -> memref<128x128xf32, #tpu.memory_space<vmem>>
      %dma_start3A_130 = arith.constant 0 : i32
      %dma_start3A_131 = tpu.memref_slice %arg14[%add3A_103, %dma_start3A_130] : memref<10240x128xf32, #tpu.memory_space<vmem_shared>> -> memref<128x128xf32, #tpu.memory_space<vmem_shared>>
      %dma_start3A_132 = arith.constant 0 : i32
      %dma_start3A_133 = tpu.memref_slice %arg14[%add3A_103, %dma_start3A_132] : memref<10240x128xf32, #tpu.memory_space<vmem_shared>> -> memref<128x128xf32, #tpu.memory_space<vmem_shared>>
      %dma_start3A_134 = arith.constant 0 : i32
      %dma_start3A_135 = arith.constant 0 : i32
      %dma_start3A_136 = tpu.memref_slice %arg10[%dma_start3A_134, %dma_start3A_135] : memref<128x128xf32, #tpu.memory_space<vmem>> -> memref<128x128xf32, #tpu.memory_space<vmem>>
      tpu.enqueue_dma source(%dma_start3A_136 : memref<128x128xf32, #tpu.memory_space<vmem>>) target(%dma_start3A_133 : memref<128x128xf32, #tpu.memory_space<vmem_shared>>) target_semaphore(%run_scoped3A : memref<!tpu.dma_semaphore, #tpu.memory_space<semaphore_mem>>)
      %dma_wait3A = arith.constant 0 : i32
      %dma_wait3A_137 = arith.constant 0 : i32
      %dma_wait3A_138 = tpu.memref_slice %arg10[%dma_wait3A, %dma_wait3A_137] : memref<128x128xf32, #tpu.memory_space<vmem>> -> memref<128x128xf32, #tpu.memory_space<vmem>>
      %dma_wait3A_139 = arith.constant 0 : i32
      %dma_wait3A_140 = tpu.memref_slice %arg14[%add3A_103, %dma_wait3A_139] : memref<10240x128xf32, #tpu.memory_space<vmem_shared>> -> memref<128x128xf32, #tpu.memory_space<vmem_shared>>
      %dma_wait3A_141 = arith.constant 0 : i32
      %dma_wait3A_142 = tpu.memref_slice %arg14[%add3A_103, %dma_wait3A_141] : memref<10240x128xf32, #tpu.memory_space<vmem_shared>> -> memref<128x128xf32, #tpu.memory_space<vmem_shared>>
      %dma_wait3A_143 = arith.constant 0 : i32
      %dma_wait3A_144 = arith.constant 0 : i32
      %dma_wait3A_145 = tpu.memref_slice %arg10[%dma_wait3A_143, %dma_wait3A_144] : memref<128x128xf32, #tpu.memory_space<vmem>> -> memref<128x128xf32, #tpu.memory_space<vmem>>
      tpu.wait_dma2 semaphore(%run_scoped3A : memref<!tpu.dma_semaphore, #tpu.memory_space<semaphore_mem>>) src(%dma_wait3A_145 : memref<128x128xf32, #tpu.memory_space<vmem>>) dst(%dma_wait3A_142 : memref<128x128xf32, #tpu.memory_space<vmem_shared>>)
      tpu.yield
    }) : () -> ()
    %mul3A_104 = arith.constant 640 : i32
    %mul3A_105 = arith.muli %arg1, %mul3A_104 : i32
    "tpu.region"() ({
      %run_scoped3A = tpu.sem_alloc : memref<!tpu.dma_semaphore, #tpu.memory_space<semaphore_mem>>
      %dma_start3A_127 = tpu.memref_slice %arg15[%mul3A_105] : memref<10240xf32, #tpu.memory_space<vmem_shared>> -> memref<640xf32, #tpu.memory_space<vmem_shared>>
      %dma_start3A_128 = tpu.memref_slice %arg15[%mul3A_105] : memref<10240xf32, #tpu.memory_space<vmem_shared>> -> memref<640xf32, #tpu.memory_space<vmem_shared>>
      tpu.enqueue_dma source(%arg13 : memref<640xf32, #tpu.memory_space<vmem>>) target(%dma_start3A_128 : memref<640xf32, #tpu.memory_space<vmem_shared>>) target_semaphore(%run_scoped3A : memref<!tpu.dma_semaphore, #tpu.memory_space<semaphore_mem>>)
      %dma_wait3A = tpu.memref_slice %arg15[%mul3A_105] : memref<10240xf32, #tpu.memory_space<vmem_shared>> -> memref<640xf32, #tpu.memory_space<vmem_shared>>
      %dma_wait3A_129 = tpu.memref_slice %arg15[%mul3A_105] : memref<10240xf32, #tpu.memory_space<vmem_shared>> -> memref<640xf32, #tpu.memory_space<vmem_shared>>
      tpu.wait_dma2 semaphore(%run_scoped3A : memref<!tpu.dma_semaphore, #tpu.memory_space<semaphore_mem>>) src(%arg13 : memref<640xf32, #tpu.memory_space<vmem>>) dst(%dma_wait3A_129 : memref<640xf32, #tpu.memory_space<vmem_shared>>)
      tpu.yield
    }) : () -> ()
    %scan3A_106 = arith.constant 0 : i32
    %scan3A_107 = arith.constant 0 : i32
    %scan3A_108 = arith.constant 8 : i32
    %scan3A_109 = arith.addi %scan3A_107, %scan3A_108 : i32
    %scan3A_110 = arith.constant 1 : i32
    %scan3A_111 = scf.for %scan3A_127 = %scan3A_107 to %scan3A_109 step %scan3A_110 iter_args(%scan3A_128 = %scan3A_106) -> (i32)  : i32 {
      %mul3A_129 = arith.constant 16 : i32
      %mul3A_130 = arith.muli %scan3A_127, %mul3A_129 : i32
      %get3A = arith.constant 0 : i32
      %get3A_131 = arith.index_cast %get3A : i32 to index
      %get3A_132 = arith.index_cast %mul3A_130 : i32 to index
      %get3A_133 = tpu.vector_load %arg5[%get3A_131, %get3A_132] {strides = array<i32>} : memref<80x128xi32, #tpu.memory_space<vmem>>, vector<1x16xi32>,
      %get3A_134 = vector.shape_cast %get3A_133 : vector<1x16xi32> to vector<16xi32>
      %and3A_135 = arith.constant 131071 : i32
      %and3A_136 = vector.broadcast %and3A_135 : i32 to vector<16xi32>
      %and3A_137 = arith.andi %get3A_134, %and3A_136 : vector<16xi32>
      %mul3A_138 = arith.constant 16 : i32
      %mul3A_139 = arith.muli %scan3A_127, %mul3A_138 : i32
      %swap3A_140 = arith.index_cast %mul3A_139 : i32 to index
      %swap3A_141 = tpu.vector_load %arg6[%swap3A_140] {strides = array<i32>} : memref<128xi32, #tpu.memory_space<vmem>>, vector<16xi32>,
      %swap3A_142 = vector.shape_cast %swap3A_141 : vector<16xi32> to vector<16xi32>
      %swap3A_143 = vector.shape_cast %and3A_137 : vector<16xi32> to vector<16xi32>
      tpu.vector_store %arg6[%swap3A_140], %swap3A_143 {strides = array<i32>} : memref<128xi32, #tpu.memory_space<vmem>>, vector<16xi32>,
      %shift_right_arithmetic3A = arith.constant 17 : i32
      %shift_right_arithmetic3A_144 = vector.broadcast %shift_right_arithmetic3A : i32 to vector<16xi32>
      %shift_right_arithmetic3A_145 = arith.shrsi %get3A_134, %shift_right_arithmetic3A_144 : vector<16xi32>
      %mul3A_146 = arith.constant 16 : i32
      %mul3A_147 = arith.muli %scan3A_127, %mul3A_146 : i32
      %swap3A_148 = arith.index_cast %mul3A_147 : i32 to index
      %swap3A_149 = tpu.vector_load %arg8[%swap3A_148] {strides = array<i32>} : memref<128xi32, #tpu.memory_space<vmem>>, vector<16xi32>,
      %swap3A_150 = vector.shape_cast %swap3A_149 : vector<16xi32> to vector<16xi32>
      %swap3A_151 = vector.shape_cast %shift_right_arithmetic3A_145 : vector<16xi32> to vector<16xi32>
      tpu.vector_store %arg8[%swap3A_148], %swap3A_151 {strides = array<i32>} : memref<128xi32, #tpu.memory_space<vmem>>, vector<16xi32>,
      %scan3A_152 = arith.constant 0 : i32
      scf.yield %scan3A_152 : i32
    }
    %scan3A_112 = arith.constant 8 : i32
    %dma_start3A = arith.constant 0 : i32
    %dma_start3A_113 = arith.constant 0 : i32
    %dma_start3A_114 = tpu.memref_slice %arg3[%dma_start3A, %dma_start3A_113] : memref<80000x128xf32, #tpu.memory_space<hbm>> -> memref<80000x128xf32, #tpu.memory_space<hbm>>
    tpu.enqueue_indirect_dma source(%dma_start3A_114 : memref<80000x128xf32, #tpu.memory_space<hbm>>) target(%arg10 : memref<128x128xf32, #tpu.memory_space<vmem>>) offsets(%arg6 : memref<128xi32, #tpu.memory_space<vmem>>) semaphore(%arg16 : memref<!tpu.dma_semaphore, #tpu.memory_space<semaphore_mem>>)
    %barrier3A = arith.constant 0 : index
    tpu.barrier barrier_id(%barrier3A)
    %scan3A_115 = arith.constant 0 : i32
    %scan3A_116 = arith.constant 0 : i32
    %scan3A_117 = arith.constant 40 : i32
    %scan3A_118 = arith.addi %scan3A_116, %scan3A_117 : i32
    %scan3A_119 = arith.constant 1 : i32
    %scan3A_120 = scf.for %scan3A_127 = %scan3A_116 to %scan3A_118 step %scan3A_119 iter_args(%scan3A_128 = %scan3A_115) -> (i32)  : i32 {
      %mul3A_129 = arith.constant 2 : i32
      %mul3A_130 = arith.muli %mul3A_129, %scan3A_127 : i32
      %add3A_131 = arith.constant 1 : i32
      %add3A_132 = arith.addi %mul3A_130, %add3A_131 : i32
      %lt3A = arith.cmpi slt, %add3A_132, %min3A : i32
      %convert_element_type3A = arith.extui %lt3A : i1 to i32
      %cond3A = arith.constant 0 : i32
      %cond3A_133 = arith.cmpi ne, %convert_element_type3A, %cond3A : i32
      scf.if %cond3A_133 {
        %add3A_164 = arith.constant 1 : i32
        %add3A_165 = arith.addi %mul3A_130, %add3A_164 : i32
        %scan3A_166 = arith.constant 0 : i32
        %scan3A_167 = arith.constant 0 : i32
        %scan3A_168 = arith.constant 8 : i32
        %scan3A_169 = arith.addi %scan3A_167, %scan3A_168 : i32
        %scan3A_170 = arith.constant 1 : i32
        %scan3A_171 = scf.for %scan3A_176 = %scan3A_167 to %scan3A_169 step %scan3A_170 iter_args(%scan3A_177 = %scan3A_166) -> (i32)  : i32 {
          %mul3A_178 = arith.constant 16 : i32
          %mul3A_179 = arith.muli %scan3A_176, %mul3A_178 : i32
          %get3A = arith.index_cast %add3A_165 : i32 to index
          %get3A_180 = arith.index_cast %mul3A_179 : i32 to index
          %get3A_181 = tpu.vector_load %arg5[%get3A, %get3A_180] {strides = array<i32>} : memref<80x128xi32, #tpu.memory_space<vmem>>, vector<1x16xi32>,
          %get3A_182 = vector.shape_cast %get3A_181 : vector<1x16xi32> to vector<16xi32>
          %and3A_183 = arith.constant 131071 : i32
          %and3A_184 = vector.broadcast %and3A_183 : i32 to vector<16xi32>
          %and3A_185 = arith.andi %get3A_182, %and3A_184 : vector<16xi32>
          %mul3A_186 = arith.constant 16 : i32
          %mul3A_187 = arith.muli %scan3A_176, %mul3A_186 : i32
          %swap3A_188 = arith.index_cast %mul3A_187 : i32 to index
          %swap3A_189 = tpu.vector_load %arg7[%swap3A_188] {strides = array<i32>} : memref<128xi32, #tpu.memory_space<vmem>>, vector<16xi32>,
          %swap3A_190 = vector.shape_cast %swap3A_189 : vector<16xi32> to vector<16xi32>
          %swap3A_191 = vector.shape_cast %and3A_185 : vector<16xi32> to vector<16xi32>
          tpu.vector_store %arg7[%swap3A_188], %swap3A_191 {strides = array<i32>} : memref<128xi32, #tpu.memory_space<vmem>>, vector<16xi32>,
          %shift_right_arithmetic3A = arith.constant 17 : i32
          %shift_right_arithmetic3A_192 = vector.broadcast %shift_right_arithmetic3A : i32 to vector<16xi32>
          %shift_right_arithmetic3A_193 = arith.shrsi %get3A_182, %shift_right_arithmetic3A_192 : vector<16xi32>
          %mul3A_194 = arith.constant 16 : i32
          %mul3A_195 = arith.muli %scan3A_176, %mul3A_194 : i32
          %swap3A_196 = arith.index_cast %mul3A_195 : i32 to index
          %swap3A_197 = tpu.vector_load %arg9[%swap3A_196] {strides = array<i32>} : memref<128xi32, #tpu.memory_space<vmem>>, vector<16xi32>,
          %swap3A_198 = vector.shape_cast %swap3A_197 : vector<16xi32> to vector<16xi32>
          %swap3A_199 = vector.shape_cast %shift_right_arithmetic3A_193 : vector<16xi32> to vector<16xi32>
          tpu.vector_store %arg9[%swap3A_196], %swap3A_199 {strides = array<i32>} : memref<128xi32, #tpu.memory_space<vmem>>, vector<16xi32>,
          %scan3A_200 = arith.constant 0 : i32
          scf.yield %scan3A_200 : i32
        }
        %scan3A_172 = arith.constant 8 : i32
        %dma_start3A_173 = arith.constant 0 : i32
        %dma_start3A_174 = arith.constant 0 : i32
        %dma_start3A_175 = tpu.memref_slice %arg3[%dma_start3A_173, %dma_start3A_174] : memref<80000x128xf32, #tpu.memory_space<hbm>> -> memref<80000x128xf32, #tpu.memory_space<hbm>>
        tpu.enqueue_indirect_dma source(%dma_start3A_175 : memref<80000x128xf32, #tpu.memory_space<hbm>>) target(%arg11 : memref<128x128xf32, #tpu.memory_space<vmem>>) offsets(%arg7 : memref<128xi32, #tpu.memory_space<vmem>>) semaphore(%arg17 : memref<!tpu.dma_semaphore, #tpu.memory_space<semaphore_mem>>)
      } else {
      }
      %lt3A_134 = arith.cmpi slt, %mul3A_130, %min3A : i32
      %convert_element_type3A_135 = arith.extui %lt3A_134 : i1 to i32
      %cond3A_136 = arith.constant 0 : i32
      %cond3A_137 = arith.cmpi ne, %convert_element_type3A_135, %cond3A_136 : i32
      scf.if %cond3A_137 {
        %dma_wait3A = arith.constant 0 : i32
        %dma_wait3A_164 = arith.constant 0 : i32
        %dma_wait3A_165 = tpu.memref_slice %arg3[%dma_wait3A, %dma_wait3A_164] : memref<80000x128xf32, #tpu.memory_space<hbm>> -> memref<80000x128xf32, #tpu.memory_space<hbm>>
        tpu.wait_indirect_dma semaphore(%arg16 : memref<!tpu.dma_semaphore, #tpu.memory_space<semaphore_mem>>) src(%dma_wait3A_165 : memref<80000x128xf32, #tpu.memory_space<hbm>>) dst(%arg10 : memref<128x128xf32, #tpu.memory_space<vmem>>)
        %dma_start3A_166 = arith.constant 0 : i32
        %dma_start3A_167 = arith.constant 0 : i32
        %dma_start3A_168 = tpu.memref_slice %arg14[%dma_start3A_166, %dma_start3A_167] : memref<10240x128xf32, #tpu.memory_space<vmem_shared>> -> memref<10240x128xf32, #tpu.memory_space<vmem_shared>>
        tpu.enqueue_indirect_dma source(%arg10 : memref<128x128xf32, #tpu.memory_space<vmem>>) target(%dma_start3A_168 : memref<10240x128xf32, #tpu.memory_space<vmem_shared>>) offsets(%arg8 : memref<128xi32, #tpu.memory_space<vmem>>) semaphore(%arg18 : memref<!tpu.dma_semaphore, #tpu.memory_space<semaphore_mem>>) {add = true}
      } else {
      }
      %add3A_138 = arith.constant 1 : i32
      %add3A_139 = arith.addi %mul3A_130, %add3A_138 : i32
      %lt3A_140 = arith.cmpi slt, %add3A_139, %min3A : i32
      %convert_element_type3A_141 = arith.extui %lt3A_140 : i1 to i32
      %cond3A_142 = arith.constant 0 : i32
      %cond3A_143 = arith.cmpi ne, %convert_element_type3A_141, %cond3A_142 : i32
      scf.if %cond3A_143 {
        %dma_wait3A = arith.constant 0 : i32
        %dma_wait3A_164 = arith.constant 0 : i32
        %dma_wait3A_165 = tpu.memref_slice %arg3[%dma_wait3A, %dma_wait3A_164] : memref<80000x128xf32, #tpu.memory_space<hbm>> -> memref<80000x128xf32, #tpu.memory_space<hbm>>
        tpu.wait_indirect_dma semaphore(%arg17 : memref<!tpu.dma_semaphore, #tpu.memory_space<semaphore_mem>>) src(%dma_wait3A_165 : memref<80000x128xf32, #tpu.memory_space<hbm>>) dst(%arg11 : memref<128x128xf32, #tpu.memory_space<vmem>>)
        %dma_start3A_166 = arith.constant 0 : i32
        %dma_start3A_167 = arith.constant 0 : i32
        %dma_start3A_168 = tpu.memref_slice %arg14[%dma_start3A_166, %dma_start3A_167] : memref<10240x128xf32, #tpu.memory_space<vmem_shared>> -> memref<10240x128xf32, #tpu.memory_space<vmem_shared>>
        tpu.enqueue_indirect_dma source(%arg11 : memref<128x128xf32, #tpu.memory_space<vmem>>) target(%dma_start3A_168 : memref<10240x128xf32, #tpu.memory_space<vmem_shared>>) offsets(%arg9 : memref<128xi32, #tpu.memory_space<vmem>>) semaphore(%arg19 : memref<!tpu.dma_semaphore, #tpu.memory_space<semaphore_mem>>) {add = true}
      } else {
      }
      %lt3A_144 = arith.cmpi slt, %mul3A_130, %min3A : i32
      %convert_element_type3A_145 = arith.extui %lt3A_144 : i1 to i32
      %cond3A_146 = arith.constant 0 : i32
      %cond3A_147 = arith.cmpi ne, %convert_element_type3A_145, %cond3A_146 : i32
      scf.if %cond3A_147 {
        %dma_wait3A = arith.constant 0 : i32
        %dma_wait3A_164 = arith.constant 0 : i32
        %dma_wait3A_165 = tpu.memref_slice %arg14[%dma_wait3A, %dma_wait3A_164] : memref<10240x128xf32, #tpu.memory_space<vmem_shared>> -> memref<10240x128xf32, #tpu.memory_space<vmem_shared>>
        tpu.wait_indirect_dma semaphore(%arg18 : memref<!tpu.dma_semaphore, #tpu.memory_space<semaphore_mem>>) src(%arg10 : memref<128x128xf32, #tpu.memory_space<vmem>>) dst(%dma_wait3A_165 : memref<10240x128xf32, #tpu.memory_space<vmem_shared>>)
      } else {
      }
      %lt3A_148 = arith.constant 39 : i32
      %lt3A_149 = arith.cmpi slt, %scan3A_127, %lt3A_148 : i32
      %add3A_150 = arith.constant 2 : i32
      %add3A_151 = arith.addi %mul3A_130, %add3A_150 : i32
      %lt3A_152 = arith.cmpi slt, %add3A_151, %min3A : i32
      %and3A_153 = arith.andi %lt3A_149, %lt3A_152 : i1
      %convert_element_type3A_154 = arith.extui %and3A_153 : i1 to i32
      %cond3A_155 = arith.constant 0 : i32
      %cond3A_156 = arith.cmpi ne, %convert_element_type3A_154, %cond3A_155 : i32
      scf.if %cond3A_156 {
        %add3A_164 = arith.constant 2 : i32
        %add3A_165 = arith.addi %mul3A_130, %add3A_164 : i32
        %scan3A_166 = arith.constant 0 : i32
        %scan3A_167 = arith.constant 0 : i32
        %scan3A_168 = arith.constant 8 : i32
        %scan3A_169 = arith.addi %scan3A_167, %scan3A_168 : i32
        %scan3A_170 = arith.constant 1 : i32
        %scan3A_171 = scf.for %scan3A_176 = %scan3A_167 to %scan3A_169 step %scan3A_170 iter_args(%scan3A_177 = %scan3A_166) -> (i32)  : i32 {
          %mul3A_178 = arith.constant 16 : i32
          %mul3A_179 = arith.muli %scan3A_176, %mul3A_178 : i32
          %get3A = arith.index_cast %add3A_165 : i32 to index
          %get3A_180 = arith.index_cast %mul3A_179 : i32 to index
          %get3A_181 = tpu.vector_load %arg5[%get3A, %get3A_180] {strides = array<i32>} : memref<80x128xi32, #tpu.memory_space<vmem>>, vector<1x16xi32>,
          %get3A_182 = vector.shape_cast %get3A_181 : vector<1x16xi32> to vector<16xi32>
          %and3A_183 = arith.constant 131071 : i32
          %and3A_184 = vector.broadcast %and3A_183 : i32 to vector<16xi32>
          %and3A_185 = arith.andi %get3A_182, %and3A_184 : vector<16xi32>
          %mul3A_186 = arith.constant 16 : i32
          %mul3A_187 = arith.muli %scan3A_176, %mul3A_186 : i32
          %swap3A_188 = arith.index_cast %mul3A_187 : i32 to index
          %swap3A_189 = tpu.vector_load %arg6[%swap3A_188] {strides = array<i32>} : memref<128xi32, #tpu.memory_space<vmem>>, vector<16xi32>,
          %swap3A_190 = vector.shape_cast %swap3A_189 : vector<16xi32> to vector<16xi32>
          %swap3A_191 = vector.shape_cast %and3A_185 : vector<16xi32> to vector<16xi32>
          tpu.vector_store %arg6[%swap3A_188], %swap3A_191 {strides = array<i32>} : memref<128xi32, #tpu.memory_space<vmem>>, vector<16xi32>,
          %shift_right_arithmetic3A = arith.constant 17 : i32
          %shift_right_arithmetic3A_192 = vector.broadcast %shift_right_arithmetic3A : i32 to vector<16xi32>
          %shift_right_arithmetic3A_193 = arith.shrsi %get3A_182, %shift_right_arithmetic3A_192 : vector<16xi32>
          %mul3A_194 = arith.constant 16 : i32
          %mul3A_195 = arith.muli %scan3A_176, %mul3A_194 : i32
          %swap3A_196 = arith.index_cast %mul3A_195 : i32 to index
          %swap3A_197 = tpu.vector_load %arg8[%swap3A_196] {strides = array<i32>} : memref<128xi32, #tpu.memory_space<vmem>>, vector<16xi32>,
          %swap3A_198 = vector.shape_cast %swap3A_197 : vector<16xi32> to vector<16xi32>
          %swap3A_199 = vector.shape_cast %shift_right_arithmetic3A_193 : vector<16xi32> to vector<16xi32>
          tpu.vector_store %arg8[%swap3A_196], %swap3A_199 {strides = array<i32>} : memref<128xi32, #tpu.memory_space<vmem>>, vector<16xi32>,
          %scan3A_200 = arith.constant 0 : i32
          scf.yield %scan3A_200 : i32
        }
        %scan3A_172 = arith.constant 8 : i32
        %dma_start3A_173 = arith.constant 0 : i32
        %dma_start3A_174 = arith.constant 0 : i32
        %dma_start3A_175 = tpu.memref_slice %arg3[%dma_start3A_173, %dma_start3A_174] : memref<80000x128xf32, #tpu.memory_space<hbm>> -> memref<80000x128xf32, #tpu.memory_space<hbm>>
        tpu.enqueue_indirect_dma source(%dma_start3A_175 : memref<80000x128xf32, #tpu.memory_space<hbm>>) target(%arg10 : memref<128x128xf32, #tpu.memory_space<vmem>>) offsets(%arg6 : memref<128xi32, #tpu.memory_space<vmem>>) semaphore(%arg16 : memref<!tpu.dma_semaphore, #tpu.memory_space<semaphore_mem>>)
      } else {
      }
      %add3A_157 = arith.constant 1 : i32
      %add3A_158 = arith.addi %mul3A_130, %add3A_157 : i32
      %lt3A_159 = arith.cmpi slt, %add3A_158, %min3A : i32
      %convert_element_type3A_160 = arith.extui %lt3A_159 : i1 to i32
      %cond3A_161 = arith.constant 0 : i32
      %cond3A_162 = arith.cmpi ne, %convert_element_type3A_160, %cond3A_161 : i32
      scf.if %cond3A_162 {
        %dma_wait3A = arith.constant 0 : i32
        %dma_wait3A_164 = arith.constant 0 : i32
        %dma_wait3A_165 = tpu.memref_slice %arg14[%dma_wait3A, %dma_wait3A_164] : memref<10240x128xf32, #tpu.memory_space<vmem_shared>> -> memref<10240x128xf32, #tpu.memory_space<vmem_shared>>
        tpu.wait_indirect_dma semaphore(%arg19 : memref<!tpu.dma_semaphore, #tpu.memory_space<semaphore_mem>>) src(%arg11 : memref<128x128xf32, #tpu.memory_space<vmem>>) dst(%dma_wait3A_165 : memref<10240x128xf32, #tpu.memory_space<vmem_shared>>)
      } else {
      }
      %scan3A_163 = arith.constant 0 : i32
      scf.yield %scan3A_163 : i32
    }
    %scan3A_121 = arith.constant 40 : i32
    %barrier3A_122 = arith.constant 0 : index
    tpu.barrier barrier_id(%barrier3A_122)
    %mul3A_123 = arith.constant 640 : i32
    %mul3A_124 = arith.muli %arg1, %mul3A_123 : i32
    %mul3A_125 = arith.constant 640 : i32
    %mul3A_126 = arith.muli %arg1, %mul3A_125 : i32
    "tpu.region"() ({
      %run_scoped3A = tpu.sem_alloc : memref<!tpu.dma_semaphore, #tpu.memory_space<semaphore_mem>>
      %dma_start3A_127 = arith.constant 0 : i32
      %dma_start3A_128 = tpu.memref_slice %arg4[%arg0, %mul3A_126, %dma_start3A_127] : memref<2x10240x128xf32, #tpu.memory_space<hbm>> -> memref<1x640x128xf32, #tpu.memory_space<hbm>>
      %dma_start3A_129 = tpu.memref_squeeze %dma_start3A_128 : memref<1x640x128xf32, #tpu.memory_space<hbm>> -> memref<640x128xf32, #tpu.memory_space<hbm>>
      %dma_start3A_130 = arith.constant 0 : i32
      %dma_start3A_131 = tpu.memref_slice %arg14[%mul3A_124, %dma_start3A_130] : memref<10240x128xf32, #tpu.memory_space<vmem_shared>> -> memref<640x128xf32, #tpu.memory_space<vmem_shared>>
      tpu.enqueue_dma source(%dma_start3A_131 : memref<640x128xf32, #tpu.memory_space<vmem_shared>>) target(%dma_start3A_129 : memref<640x128xf32, #tpu.memory_space<hbm>>) target_semaphore(%run_scoped3A : memref<!tpu.dma_semaphore, #tpu.memory_space<semaphore_mem>>)
      %dma_wait3A = arith.constant 0 : i32
      %dma_wait3A_132 = tpu.memref_slice %arg4[%arg0, %mul3A_126, %dma_wait3A] : memref<2x10240x128xf32, #tpu.memory_space<hbm>> -> memref<1x640x128xf32, #tpu.memory_space<hbm>>
      %dma_wait3A_133 = tpu.memref_squeeze %dma_wait3A_132 : memref<1x640x128xf32, #tpu.memory_space<hbm>> -> memref<640x128xf32, #tpu.memory_space<hbm>>
      %dma_wait3A_134 = arith.constant 0 : i32
      %dma_wait3A_135 = tpu.memref_slice %arg14[%mul3A_124, %dma_wait3A_134] : memref<10240x128xf32, #tpu.memory_space<vmem_shared>> -> memref<640x128xf32, #tpu.memory_space<vmem_shared>>
      tpu.wait_dma2 semaphore(%run_scoped3A : memref<!tpu.dma_semaphore, #tpu.memory_space<semaphore_mem>>) src(%dma_wait3A_135 : memref<640x128xf32, #tpu.memory_space<vmem_shared>>) dst(%dma_wait3A_133 : memref<640x128xf32, #tpu.memory_space<hbm>>)
      tpu.yield
    }) : () -> ()
    return
  }
}

#map = affine_map<(d0, d1) -> (0, 0, 0)>
#map1 = affine_map<(d0, d1) -> (0, 0)>
module attributes {stable_mosaic.version = 14 : i64} {
  func.func @body(%arg0: i32, %arg1: i32, %arg2: memref<32x80x128xi32, #tpu.memory_space<hbm>>, %arg3: memref<80000x128xf32, #tpu.memory_space<hbm>>, %arg4: memref<2x10240x128xf32, #tpu.memory_space<hbm>>, %arg5: memref<80x128xi32, #tpu.memory_space<vmem>>, %arg6: memref<128xi32, #tpu.memory_space<vmem>>, %arg7: memref<128xi32, #tpu.memory_space<vmem>>, %arg8: memref<128xi32, #tpu.memory_space<vmem>>, %arg9: memref<128xi32, #tpu.memory_space<vmem>>, %arg10: memref<128x128xf32, #tpu.memory_space<vmem>>, %arg11: memref<128x128xf32, #tpu.memory_space<vmem>>, %arg12: memref<128xf32, #tpu.memory_space<vmem>>, %arg13: memref<640xf32, #tpu.memory_space<vmem>>, %arg14: memref<10240x128xf32, #tpu.memory_space<vmem_shared>>, %arg15: memref<10240xf32, #tpu.memory_space<vmem_shared>>, %arg16: memref<!tpu.dma_semaphore, #tpu.memory_space<semaphore_mem>>, %arg17: memref<!tpu.dma_semaphore, #tpu.memory_space<semaphore_mem>>, %arg18: memref<!tpu.dma_semaphore, #tpu.memory_space<semaphore_mem>>, %arg19: memref<!tpu.dma_semaphore, #tpu.memory_space<semaphore_mem>>, %arg20: memref<!tpu.dma_semaphore, #tpu.memory_space<semaphore_mem>>, %arg21: memref<!tpu.dma_semaphore, #tpu.memory_space<semaphore_mem>>) attributes {dimension_semantics = [#tpu.dimension_semantics<core_parallel>, #tpu.dimension_semantics<subcore_parallel>], iteration_bounds = array<i64: 2, 16>, scalar_prefetch = 0 : i64, scratch_operands = 17 : i64, tpu.core_type = #tpu.core_type<sc_vector_subcore>, window_params = [{transform_indices = #map}, {transform_indices = #map1}, {transform_indices = #map}]} {
    %mul3A = arith.constant 2 : i32
    %mul3A_0 = arith.muli %arg1, %mul3A : i32
    %add3A = arith.addi %mul3A_0, %arg0 : i32
    %mul3A_1 = arith.constant 10240 : i32
    %mul3A_2 = arith.muli %add3A, %mul3A_1 : i32
    %sub3A = arith.constant 320000 : i32
    %sub3A_3 = arith.subi %sub3A, %mul3A_2 : i32
    %jit3A = arith.constant 128 : i32
    %div3A = arith.divsi %sub3A_3, %jit3A : i32
    %sign3A = arith.constant 0 : i32
    %sign3A_4 = arith.cmpi sgt, %sub3A_3, %sign3A : i32
    %sign3A_5 = arith.extui %sign3A_4 : i1 to i32
    %sign3A_6 = arith.constant 0 : i32
    %sign3A_7 = arith.cmpi slt, %sub3A_3, %sign3A_6 : i32
    %sign3A_8 = arith.extui %sign3A_7 : i1 to i32
    %sign3A_9 = arith.subi %sign3A_5, %sign3A_8 : i32
    %sign3A_10 = arith.constant 0 : i32
    %sign3A_11 = arith.cmpi sgt, %jit3A, %sign3A_10 : i32
    %sign3A_12 = arith.extui %sign3A_11 : i1 to i32
    %sign3A_13 = arith.constant 0 : i32
    %sign3A_14 = arith.cmpi slt, %jit3A, %sign3A_13 : i32
    %sign3A_15 = arith.extui %sign3A_14 : i1 to i32
    %sign3A_16 = arith.subi %sign3A_12, %sign3A_15 : i32
    %ne3A = arith.cmpi ne, %sign3A_9, %sign3A_16 : i32
    %rem3A = arith.remsi %sub3A_3, %jit3A : i32
    %ne3A_17 = arith.constant 0 : i32
    %ne3A_18 = arith.cmpi ne, %rem3A, %ne3A_17 : i32
    %and3A = arith.andi %ne3A, %ne3A_18 : i1
    %sub3A_19 = arith.constant 1 : i32
    %sub3A_20 = arith.subi %div3A, %sub3A_19 : i32
    %select_n3A = arith.select %and3A, %sub3A_20, %div3A : i32
    %jit3A_21 = arith.constant 0 : i32
    %jit3A_22 = arith.constant 80 : i32
    %max3A = arith.maxsi %jit3A_21, %select_n3A : i32
    %min3A = arith.minsi %jit3A_22, %max3A : i32
    "tpu.region"() ({
      %run_scoped3A = tpu.sem_alloc : memref<!tpu.dma_semaphore, #tpu.memory_space<semaphore_mem>>
      %dma_start3A_127 = arith.constant 0 : i32
      %dma_start3A_128 = arith.constant 0 : i32
      %dma_start3A_129 = tpu.memref_slice %arg2[%add3A, %dma_start3A_127, %dma_start3A_128] : memref<32x80x128xi32, #tpu.memory_space<hbm>> -> memref<1x80x128xi32, #tpu.memory_space<hbm>>
      %dma_start3A_130 = tpu.memref_squeeze %dma_start3A_129 : memref<1x80x128xi32, #tpu.memory_space<hbm>> -> memref<80x128xi32, #tpu.memory_space<hbm>>
      %dma_start3A_131 = arith.constant 0 : i32
      %dma_start3A_132 = arith.constant 0 : i32
      %dma_start3A_133 = tpu.memref_slice %arg2[%add3A, %dma_start3A_131, %dma_start3A_132] : memref<32x80x128xi32, #tpu.memory_space<hbm>> -> memref<1x80x128xi32, #tpu.memory_space<hbm>>
      %dma_start3A_134 = tpu.memref_squeeze %dma_start3A_133 : memref<1x80x128xi32, #tpu.memory_space<hbm>> -> memref<80x128xi32, #tpu.memory_space<hbm>>
      tpu.enqueue_dma source(%dma_start3A_134 : memref<80x128xi32, #tpu.memory_space<hbm>>) target(%arg5 : memref<80x128xi32, #tpu.memory_space<vmem>>) target_semaphore(%run_scoped3A : memref<!tpu.dma_semaphore, #tpu.memory_space<semaphore_mem>>)
      %dma_wait3A = arith.constant 0 : i32
      %dma_wait3A_135 = arith.constant 0 : i32
      %dma_wait3A_136 = tpu.memref_slice %arg2[%add3A, %dma_wait3A, %dma_wait3A_135] : memref<32x80x128xi32, #tpu.memory_space<hbm>> -> memref<1x80x128xi32, #tpu.memory_space<hbm>>
      %dma_wait3A_137 = tpu.memref_squeeze %dma_wait3A_136 : memref<1x80x128xi32, #tpu.memory_space<hbm>> -> memref<80x128xi32, #tpu.memory_space<hbm>>
      %dma_wait3A_138 = arith.constant 0 : i32
      %dma_wait3A_139 = arith.constant 0 : i32
      %dma_wait3A_140 = tpu.memref_slice %arg2[%add3A, %dma_wait3A_138, %dma_wait3A_139] : memref<32x80x128xi32, #tpu.memory_space<hbm>> -> memref<1x80x128xi32, #tpu.memory_space<hbm>>
      %dma_wait3A_141 = tpu.memref_squeeze %dma_wait3A_140 : memref<1x80x128xi32, #tpu.memory_space<hbm>> -> memref<80x128xi32, #tpu.memory_space<hbm>>
      tpu.wait_dma2 semaphore(%run_scoped3A : memref<!tpu.dma_semaphore, #tpu.memory_space<semaphore_mem>>) src(%dma_wait3A_141 : memref<80x128xi32, #tpu.memory_space<hbm>>) dst(%arg5 : memref<80x128xi32, #tpu.memory_space<vmem>>)
      tpu.yield
    }) : () -> ()
    %broadcast_in_dim3A = arith.constant 0.000000e+00 : f32
    %broadcast_in_dim3A_23 = vector.broadcast %broadcast_in_dim3A : f32 to vector<16xf32>
    %scan3A = arith.constant 0 : i32
    %scan3A_24 = arith.constant 0 : i32
    %scan3A_25 = arith.constant 128 : i32
    %scan3A_26 = arith.addi %scan3A_24, %scan3A_25 : i32
    %scan3A_27 = arith.constant 1 : i32
    %scan3A_28 = scf.for %scan3A_127 = %scan3A_24 to %scan3A_26 step %scan3A_27 iter_args(%scan3A_128 = %scan3A) -> (i32)  : i32 {
      %swap3A_129 = arith.index_cast %scan3A_127 : i32 to index
      %swap3A_130 = arith.constant 0 : index
      %swap3A_131 = tpu.vector_load %arg10[%swap3A_129, %swap3A_130] {strides = array<i32>} : memref<128x128xf32, #tpu.memory_space<vmem>>, vector<1x16xf32>,
      %swap3A_132 = vector.shape_cast %swap3A_131 : vector<1x16xf32> to vector<16xf32>
      %swap3A_133 = vector.shape_cast %broadcast_in_dim3A_23 : vector<16xf32> to vector<1x16xf32>
      tpu.vector_store %arg10[%swap3A_129, %swap3A_130], %swap3A_133 {strides = array<i32>} : memref<128x128xf32, #tpu.memory_space<vmem>>, vector<1x16xf32>,
      %swap3A_134 = arith.index_cast %scan3A_127 : i32 to index
      %swap3A_135 = arith.constant 16 : index
      %swap3A_136 = tpu.vector_load %arg10[%swap3A_134, %swap3A_135] {strides = array<i32>} : memref<128x128xf32, #tpu.memory_space<vmem>>, vector<1x16xf32>,
      %swap3A_137 = vector.shape_cast %swap3A_136 : vector<1x16xf32> to vector<16xf32>
      %swap3A_138 = vector.shape_cast %broadcast_in_dim3A_23 : vector<16xf32> to vector<1x16xf32>
      tpu.vector_store %arg10[%swap3A_134, %swap3A_135], %swap3A_138 {strides = array<i32>} : memref<128x128xf32, #tpu.memory_space<vmem>>, vector<1x16xf32>,
      %swap3A_139 = arith.index_cast %scan3A_127 : i32 to index
      %swap3A_140 = arith.constant 32 : index
      %swap3A_141 = tpu.vector_load %arg10[%swap3A_139, %swap3A_140] {strides = array<i32>} : memref<128x128xf32, #tpu.memory_space<vmem>>, vector<1x16xf32>,
      %swap3A_142 = vector.shape_cast %swap3A_141 : vector<1x16xf32> to vector<16xf32>
      %swap3A_143 = vector.shape_cast %broadcast_in_dim3A_23 : vector<16xf32> to vector<1x16xf32>
      tpu.vector_store %arg10[%swap3A_139, %swap3A_140], %swap3A_143 {strides = array<i32>} : memref<128x128xf32, #tpu.memory_space<vmem>>, vector<1x16xf32>,
      %swap3A_144 = arith.index_cast %scan3A_127 : i32 to index
      %swap3A_145 = arith.constant 48 : index
      %swap3A_146 = tpu.vector_load %arg10[%swap3A_144, %swap3A_145] {strides = array<i32>} : memref<128x128xf32, #tpu.memory_space<vmem>>, vector<1x16xf32>,
      %swap3A_147 = vector.shape_cast %swap3A_146 : vector<1x16xf32> to vector<16xf32>
      %swap3A_148 = vector.shape_cast %broadcast_in_dim3A_23 : vector<16xf32> to vector<1x16xf32>
      tpu.vector_store %arg10[%swap3A_144, %swap3A_145], %swap3A_148 {strides = array<i32>} : memref<128x128xf32, #tpu.memory_space<vmem>>, vector<1x16xf32>,
      %swap3A_149 = arith.index_cast %scan3A_127 : i32 to index
      %swap3A_150 = arith.constant 64 : index
      %swap3A_151 = tpu.vector_load %arg10[%swap3A_149, %swap3A_150] {strides = array<i32>} : memref<128x128xf32, #tpu.memory_space<vmem>>, vector<1x16xf32>,
      %swap3A_152 = vector.shape_cast %swap3A_151 : vector<1x16xf32> to vector<16xf32>
      %swap3A_153 = vector.shape_cast %broadcast_in_dim3A_23 : vector<16xf32> to vector<1x16xf32>
      tpu.vector_store %arg10[%swap3A_149, %swap3A_150], %swap3A_153 {strides = array<i32>} : memref<128x128xf32, #tpu.memory_space<vmem>>, vector<1x16xf32>,
      %swap3A_154 = arith.index_cast %scan3A_127 : i32 to index
      %swap3A_155 = arith.constant 80 : index
      %swap3A_156 = tpu.vector_load %arg10[%swap3A_154, %swap3A_155] {strides = array<i32>} : memref<128x128xf32, #tpu.memory_space<vmem>>, vector<1x16xf32>,
      %swap3A_157 = vector.shape_cast %swap3A_156 : vector<1x16xf32> to vector<16xf32>
      %swap3A_158 = vector.shape_cast %broadcast_in_dim3A_23 : vector<16xf32> to vector<1x16xf32>
      tpu.vector_store %arg10[%swap3A_154, %swap3A_155], %swap3A_158 {strides = array<i32>} : memref<128x128xf32, #tpu.memory_space<vmem>>, vector<1x16xf32>,
      %swap3A_159 = arith.index_cast %scan3A_127 : i32 to index
      %swap3A_160 = arith.constant 96 : index
      %swap3A_161 = tpu.vector_load %arg10[%swap3A_159, %swap3A_160] {strides = array<i32>} : memref<128x128xf32, #tpu.memory_space<vmem>>, vector<1x16xf32>,
      %swap3A_162 = vector.shape_cast %swap3A_161 : vector<1x16xf32> to vector<16xf32>
      %swap3A_163 = vector.shape_cast %broadcast_in_dim3A_23 : vector<16xf32> to vector<1x16xf32>
      tpu.vector_store %arg10[%swap3A_159, %swap3A_160], %swap3A_163 {strides = array<i32>} : memref<128x128xf32, #tpu.memory_space<vmem>>, vector<1x16xf32>,
      %swap3A_164 = arith.index_cast %scan3A_127 : i32 to index
      %swap3A_165 = arith.constant 112 : index
      %swap3A_166 = tpu.vector_load %arg10[%swap3A_164, %swap3A_165] {strides = array<i32>} : memref<128x128xf32, #tpu.memory_space<vmem>>, vector<1x16xf32>,
      %swap3A_167 = vector.shape_cast %swap3A_166 : vector<1x16xf32> to vector<16xf32>
      %swap3A_168 = vector.shape_cast %broadcast_in_dim3A_23 : vector<16xf32> to vector<1x16xf32>
      tpu.vector_store %arg10[%swap3A_164, %swap3A_165], %swap3A_168 {strides = array<i32>} : memref<128x128xf32, #tpu.memory_space<vmem>>, vector<1x16xf32>,
      %scan3A_169 = arith.constant 0 : i32
      scf.yield %scan3A_169 : i32
    }
    %scan3A_29 = arith.constant 128 : i32
    %broadcast_in_dim3A_30 = arith.constant 1.000000e+00 : f32
    %broadcast_in_dim3A_31 = vector.broadcast %broadcast_in_dim3A_30 : f32 to vector<16xf32>
    %swap3A = arith.constant 0 : index
    %swap3A_32 = tpu.vector_load %arg12[%swap3A] {strides = array<i32>} : memref<128xf32, #tpu.memory_space<vmem>>, vector<16xf32>,
    %swap3A_33 = vector.shape_cast %swap3A_32 : vector<16xf32> to vector<16xf32>
    %swap3A_34 = vector.shape_cast %broadcast_in_dim3A_31 : vector<16xf32> to vector<16xf32>
    tpu.vector_store %arg12[%swap3A], %swap3A_34 {strides = array<i32>} : memref<128xf32, #tpu.memory_space<vmem>>, vector<16xf32>,
    %broadcast_in_dim3A_35 = arith.constant 1.000000e+00 : f32
    %broadcast_in_dim3A_36 = vector.broadcast %broadcast_in_dim3A_35 : f32 to vector<16xf32>
    %swap3A_37 = arith.constant 16 : index
    %swap3A_38 = tpu.vector_load %arg12[%swap3A_37] {strides = array<i32>} : memref<128xf32, #tpu.memory_space<vmem>>, vector<16xf32>,
    %swap3A_39 = vector.shape_cast %swap3A_38 : vector<16xf32> to vector<16xf32>
    %swap3A_40 = vector.shape_cast %broadcast_in_dim3A_36 : vector<16xf32> to vector<16xf32>
    tpu.vector_store %arg12[%swap3A_37], %swap3A_40 {strides = array<i32>} : memref<128xf32, #tpu.memory_space<vmem>>, vector<16xf32>,
    %broadcast_in_dim3A_41 = arith.constant 1.000000e+00 : f32
    %broadcast_in_dim3A_42 = vector.broadcast %broadcast_in_dim3A_41 : f32 to vector<16xf32>
    %swap3A_43 = arith.constant 32 : index
    %swap3A_44 = tpu.vector_load %arg12[%swap3A_43] {strides = array<i32>} : memref<128xf32, #tpu.memory_space<vmem>>, vector<16xf32>,
    %swap3A_45 = vector.shape_cast %swap3A_44 : vector<16xf32> to vector<16xf32>
    %swap3A_46 = vector.shape_cast %broadcast_in_dim3A_42 : vector<16xf32> to vector<16xf32>
    tpu.vector_store %arg12[%swap3A_43], %swap3A_46 {strides = array<i32>} : memref<128xf32, #tpu.memory_space<vmem>>, vector<16xf32>,
    %broadcast_in_dim3A_47 = arith.constant 1.000000e+00 : f32
    %broadcast_in_dim3A_48 = vector.broadcast %broadcast_in_dim3A_47 : f32 to vector<16xf32>
    %swap3A_49 = arith.constant 48 : index
    %swap3A_50 = tpu.vector_load %arg12[%swap3A_49] {strides = array<i32>} : memref<128xf32, #tpu.memory_space<vmem>>, vector<16xf32>,
    %swap3A_51 = vector.shape_cast %swap3A_50 : vector<16xf32> to vector<16xf32>
    %swap3A_52 = vector.shape_cast %broadcast_in_dim3A_48 : vector<16xf32> to vector<16xf32>
    tpu.vector_store %arg12[%swap3A_49], %swap3A_52 {strides = array<i32>} : memref<128xf32, #tpu.memory_space<vmem>>, vector<16xf32>,
    %broadcast_in_dim3A_53 = arith.constant 1.000000e+00 : f32
    %broadcast_in_dim3A_54 = vector.broadcast %broadcast_in_dim3A_53 : f32 to vector<16xf32>
    %swap3A_55 = arith.constant 64 : index
    %swap3A_56 = tpu.vector_load %arg12[%swap3A_55] {strides = array<i32>} : memref<128xf32, #tpu.memory_space<vmem>>, vector<16xf32>,
    %swap3A_57 = vector.shape_cast %swap3A_56 : vector<16xf32> to vector<16xf32>
    %swap3A_58 = vector.shape_cast %broadcast_in_dim3A_54 : vector<16xf32> to vector<16xf32>
    tpu.vector_store %arg12[%swap3A_55], %swap3A_58 {strides = array<i32>} : memref<128xf32, #tpu.memory_space<vmem>>, vector<16xf32>,
    %broadcast_in_dim3A_59 = arith.constant 1.000000e+00 : f32
    %broadcast_in_dim3A_60 = vector.broadcast %broadcast_in_dim3A_59 : f32 to vector<16xf32>
    %swap3A_61 = arith.constant 80 : index
    %swap3A_62 = tpu.vector_load %arg12[%swap3A_61] {strides = array<i32>} : memref<128xf32, #tpu.memory_space<vmem>>, vector<16xf32>,
    %swap3A_63 = vector.shape_cast %swap3A_62 : vector<16xf32> to vector<16xf32>
    %swap3A_64 = vector.shape_cast %broadcast_in_dim3A_60 : vector<16xf32> to vector<16xf32>
    tpu.vector_store %arg12[%swap3A_61], %swap3A_64 {strides = array<i32>} : memref<128xf32, #tpu.memory_space<vmem>>, vector<16xf32>,
    %broadcast_in_dim3A_65 = arith.constant 1.000000e+00 : f32
    %broadcast_in_dim3A_66 = vector.broadcast %broadcast_in_dim3A_65 : f32 to vector<16xf32>
    %swap3A_67 = arith.constant 96 : index
    %swap3A_68 = tpu.vector_load %arg12[%swap3A_67] {strides = array<i32>} : memref<128xf32, #tpu.memory_space<vmem>>, vector<16xf32>,
    %swap3A_69 = vector.shape_cast %swap3A_68 : vector<16xf32> to vector<16xf32>
    %swap3A_70 = vector.shape_cast %broadcast_in_dim3A_66 : vector<16xf32> to vector<16xf32>
    tpu.vector_store %arg12[%swap3A_67], %swap3A_70 {strides = array<i32>} : memref<128xf32, #tpu.memory_space<vmem>>, vector<16xf32>,
    %broadcast_in_dim3A_71 = arith.constant 1.000000e+00 : f32
    %broadcast_in_dim3A_72 = vector.broadcast %broadcast_in_dim3A_71 : f32 to vector<16xf32>
    %swap3A_73 = arith.constant 112 : index
    %swap3A_74 = tpu.vector_load %arg12[%swap3A_73] {strides = array<i32>} : memref<128xf32, #tpu.memory_space<vmem>>, vector<16xf32>,
    %swap3A_75 = vector.shape_cast %swap3A_74 : vector<16xf32> to vector<16xf32>
    %swap3A_76 = vector.shape_cast %broadcast_in_dim3A_72 : vector<16xf32> to vector<16xf32>
    tpu.vector_store %arg12[%swap3A_73], %swap3A_76 {strides = array<i32>} : memref<128xf32, #tpu.memory_space<vmem>>, vector<16xf32>,
    %scan3A_77 = arith.constant 0 : i32
    %scan3A_78 = arith.constant 0 : i32
    %scan3A_79 = arith.constant 40 : i32
    %scan3A_80 = arith.addi %scan3A_78, %scan3A_79 : i32
    %scan3A_81 = arith.constant 1 : i32
    %scan3A_82 = scf.for %scan3A_127 = %scan3A_78 to %scan3A_80 step %scan3A_81 iter_args(%scan3A_128 = %scan3A_77) -> (i32)  : i32 {
      %mul3A_129 = arith.constant 16 : i32
      %mul3A_130 = arith.muli %scan3A_127, %mul3A_129 : i32
      %swap3A_131 = arith.index_cast %mul3A_130 : i32 to index
      %swap3A_132 = tpu.vector_load %arg13[%swap3A_131] {strides = array<i32>} : memref<640xf32, #tpu.memory_space<vmem>>, vector<16xf32>,
      %swap3A_133 = vector.shape_cast %swap3A_132 : vector<16xf32> to vector<16xf32>
      %swap3A_134 = vector.shape_cast %broadcast_in_dim3A_23 : vector<16xf32> to vector<16xf32>
      tpu.vector_store %arg13[%swap3A_131], %swap3A_134 {strides = array<i32>} : memref<640xf32, #tpu.memory_space<vmem>>, vector<16xf32>,
      %scan3A_135 = arith.constant 0 : i32
      scf.yield %scan3A_135 : i32
    }
    %scan3A_83 = arith.constant 40 : i32
    %mul3A_84 = arith.constant 640 : i32
    %mul3A_85 = arith.muli %arg1, %mul3A_84 : i32
    %add3A_86 = arith.constant 0 : i32
    %add3A_87 = arith.addi %mul3A_85, %add3A_86 : i32
    "tpu.region"() ({
      %run_scoped3A = tpu.sem_alloc : memref<!tpu.dma_semaphore, #tpu.memory_space<semaphore_mem>>
      %dma_start3A_127 = arith.constant 0 : i32
      %dma_start3A_128 = arith.constant 0 : i32
      %dma_start3A_129 = tpu.memref_slice %arg10[%dma_start3A_127, %dma_start3A_128] : memref<128x128xf32, #tpu.memory_space<vmem>> -> memref<128x128xf32, #tpu.memory_space<vmem>>
      %dma_start3A_130 = arith.constant 0 : i32
      %dma_start3A_131 = tpu.memref_slice %arg14[%add3A_87, %dma_start3A_130] : memref<10240x128xf32, #tpu.memory_space<vmem_shared>> -> memref<128x128xf32, #tpu.memory_space<vmem_shared>>
      %dma_start3A_132 = arith.constant 0 : i32
      %dma_start3A_133 = tpu.memref_slice %arg14[%add3A_87, %dma_start3A_132] : memref<10240x128xf32, #tpu.memory_space<vmem_shared>> -> memref<128x128xf32, #tpu.memory_space<vmem_shared>>
      %dma_start3A_134 = arith.constant 0 : i32
      %dma_start3A_135 = arith.constant 0 : i32
      %dma_start3A_136 = tpu.memref_slice %arg10[%dma_start3A_134, %dma_start3A_135] : memref<128x128xf32, #tpu.memory_space<vmem>> -> memref<128x128xf32, #tpu.memory_space<vmem>>
      tpu.enqueue_dma source(%dma_start3A_136 : memref<128x128xf32, #tpu.memory_space<vmem>>) target(%dma_start3A_133 : memref<128x128xf32, #tpu.memory_space<vmem_shared>>) target_semaphore(%run_scoped3A : memref<!tpu.dma_semaphore, #tpu.memory_space<semaphore_mem>>)
      %dma_wait3A = arith.constant 0 : i32
      %dma_wait3A_137 = arith.constant 0 : i32
      %dma_wait3A_138 = tpu.memref_slice %arg10[%dma_wait3A, %dma_wait3A_137] : memref<128x128xf32, #tpu.memory_space<vmem>> -> memref<128x128xf32, #tpu.memory_space<vmem>>
      %dma_wait3A_139 = arith.constant 0 : i32
      %dma_wait3A_140 = tpu.memref_slice %arg14[%add3A_87, %dma_wait3A_139] : memref<10240x128xf32, #tpu.memory_space<vmem_shared>> -> memref<128x128xf32, #tpu.memory_space<vmem_shared>>
      %dma_wait3A_141 = arith.constant 0 : i32
      %dma_wait3A_142 = tpu.memref_slice %arg14[%add3A_87, %dma_wait3A_141] : memref<10240x128xf32, #tpu.memory_space<vmem_shared>> -> memref<128x128xf32, #tpu.memory_space<vmem_shared>>
      %dma_wait3A_143 = arith.constant 0 : i32
      %dma_wait3A_144 = arith.constant 0 : i32
      %dma_wait3A_145 = tpu.memref_slice %arg10[%dma_wait3A_143, %dma_wait3A_144] : memref<128x128xf32, #tpu.memory_space<vmem>> -> memref<128x128xf32, #tpu.memory_space<vmem>>
      tpu.wait_dma2 semaphore(%run_scoped3A : memref<!tpu.dma_semaphore, #tpu.memory_space<semaphore_mem>>) src(%dma_wait3A_145 : memref<128x128xf32, #tpu.memory_space<vmem>>) dst(%dma_wait3A_142 : memref<128x128xf32, #tpu.memory_space<vmem_shared>>)
      tpu.yield
    }) : () -> ()
    %mul3A_88 = arith.constant 640 : i32
    %mul3A_89 = arith.muli %arg1, %mul3A_88 : i32
    %add3A_90 = arith.constant 128 : i32
    %add3A_91 = arith.addi %mul3A_89, %add3A_90 : i32
    "tpu.region"() ({
      %run_scoped3A = tpu.sem_alloc : memref<!tpu.dma_semaphore, #tpu.memory_space<semaphore_mem>>
      %dma_start3A_127 = arith.constant 0 : i32
      %dma_start3A_128 = arith.constant 0 : i32
      %dma_start3A_129 = tpu.memref_slice %arg10[%dma_start3A_127, %dma_start3A_128] : memref<128x128xf32, #tpu.memory_space<vmem>> -> memref<128x128xf32, #tpu.memory_space<vmem>>
      %dma_start3A_130 = arith.constant 0 : i32
      %dma_start3A_131 = tpu.memref_slice %arg14[%add3A_91, %dma_start3A_130] : memref<10240x128xf32, #tpu.memory_space<vmem_shared>> -> memref<128x128xf32, #tpu.memory_space<vmem_shared>>
      %dma_start3A_132 = arith.constant 0 : i32
      %dma_start3A_133 = tpu.memref_slice %arg14[%add3A_91, %dma_start3A_132] : memref<10240x128xf32, #tpu.memory_space<vmem_shared>> -> memref<128x128xf32, #tpu.memory_space<vmem_shared>>
      %dma_start3A_134 = arith.constant 0 : i32
      %dma_start3A_135 = arith.constant 0 : i32
      %dma_start3A_136 = tpu.memref_slice %arg10[%dma_start3A_134, %dma_start3A_135] : memref<128x128xf32, #tpu.memory_space<vmem>> -> memref<128x128xf32, #tpu.memory_space<vmem>>
      tpu.enqueue_dma source(%dma_start3A_136 : memref<128x128xf32, #tpu.memory_space<vmem>>) target(%dma_start3A_133 : memref<128x128xf32, #tpu.memory_space<vmem_shared>>) target_semaphore(%run_scoped3A : memref<!tpu.dma_semaphore, #tpu.memory_space<semaphore_mem>>)
      %dma_wait3A = arith.constant 0 : i32
      %dma_wait3A_137 = arith.constant 0 : i32
      %dma_wait3A_138 = tpu.memref_slice %arg10[%dma_wait3A, %dma_wait3A_137] : memref<128x128xf32, #tpu.memory_space<vmem>> -> memref<128x128xf32, #tpu.memory_space<vmem>>
      %dma_wait3A_139 = arith.constant 0 : i32
      %dma_wait3A_140 = tpu.memref_slice %arg14[%add3A_91, %dma_wait3A_139] : memref<10240x128xf32, #tpu.memory_space<vmem_shared>> -> memref<128x128xf32, #tpu.memory_space<vmem_shared>>
      %dma_wait3A_141 = arith.constant 0 : i32
      %dma_wait3A_142 = tpu.memref_slice %arg14[%add3A_91, %dma_wait3A_141] : memref<10240x128xf32, #tpu.memory_space<vmem_shared>> -> memref<128x128xf32, #tpu.memory_space<vmem_shared>>
      %dma_wait3A_143 = arith.constant 0 : i32
      %dma_wait3A_144 = arith.constant 0 : i32
      %dma_wait3A_145 = tpu.memref_slice %arg10[%dma_wait3A_143, %dma_wait3A_144] : memref<128x128xf32, #tpu.memory_space<vmem>> -> memref<128x128xf32, #tpu.memory_space<vmem>>
      tpu.wait_dma2 semaphore(%run_scoped3A : memref<!tpu.dma_semaphore, #tpu.memory_space<semaphore_mem>>) src(%dma_wait3A_145 : memref<128x128xf32, #tpu.memory_space<vmem>>) dst(%dma_wait3A_142 : memref<128x128xf32, #tpu.memory_space<vmem_shared>>)
      tpu.yield
    }) : () -> ()
    %mul3A_92 = arith.constant 640 : i32
    %mul3A_93 = arith.muli %arg1, %mul3A_92 : i32
    %add3A_94 = arith.constant 256 : i32
    %add3A_95 = arith.addi %mul3A_93, %add3A_94 : i32
    "tpu.region"() ({
      %run_scoped3A = tpu.sem_alloc : memref<!tpu.dma_semaphore, #tpu.memory_space<semaphore_mem>>
      %dma_start3A_127 = arith.constant 0 : i32
      %dma_start3A_128 = arith.constant 0 : i32
      %dma_start3A_129 = tpu.memref_slice %arg10[%dma_start3A_127, %dma_start3A_128] : memref<128x128xf32, #tpu.memory_space<vmem>> -> memref<128x128xf32, #tpu.memory_space<vmem>>
      %dma_start3A_130 = arith.constant 0 : i32
      %dma_start3A_131 = tpu.memref_slice %arg14[%add3A_95, %dma_start3A_130] : memref<10240x128xf32, #tpu.memory_space<vmem_shared>> -> memref<128x128xf32, #tpu.memory_space<vmem_shared>>
      %dma_start3A_132 = arith.constant 0 : i32
      %dma_start3A_133 = tpu.memref_slice %arg14[%add3A_95, %dma_start3A_132] : memref<10240x128xf32, #tpu.memory_space<vmem_shared>> -> memref<128x128xf32, #tpu.memory_space<vmem_shared>>
      %dma_start3A_134 = arith.constant 0 : i32
      %dma_start3A_135 = arith.constant 0 : i32
      %dma_start3A_136 = tpu.memref_slice %arg10[%dma_start3A_134, %dma_start3A_135] : memref<128x128xf32, #tpu.memory_space<vmem>> -> memref<128x128xf32, #tpu.memory_space<vmem>>
      tpu.enqueue_dma source(%dma_start3A_136 : memref<128x128xf32, #tpu.memory_space<vmem>>) target(%dma_start3A_133 : memref<128x128xf32, #tpu.memory_space<vmem_shared>>) target_semaphore(%run_scoped3A : memref<!tpu.dma_semaphore, #tpu.memory_space<semaphore_mem>>)
      %dma_wait3A = arith.constant 0 : i32
      %dma_wait3A_137 = arith.constant 0 : i32
      %dma_wait3A_138 = tpu.memref_slice %arg10[%dma_wait3A, %dma_wait3A_137] : memref<128x128xf32, #tpu.memory_space<vmem>> -> memref<128x128xf32, #tpu.memory_space<vmem>>
      %dma_wait3A_139 = arith.constant 0 : i32
      %dma_wait3A_140 = tpu.memref_slice %arg14[%add3A_95, %dma_wait3A_139] : memref<10240x128xf32, #tpu.memory_space<vmem_shared>> -> memref<128x128xf32, #tpu.memory_space<vmem_shared>>
      %dma_wait3A_141 = arith.constant 0 : i32
      %dma_wait3A_142 = tpu.memref_slice %arg14[%add3A_95, %dma_wait3A_141] : memref<10240x128xf32, #tpu.memory_space<vmem_shared>> -> memref<128x128xf32, #tpu.memory_space<vmem_shared>>
      %dma_wait3A_143 = arith.constant 0 : i32
      %dma_wait3A_144 = arith.constant 0 : i32
      %dma_wait3A_145 = tpu.memref_slice %arg10[%dma_wait3A_143, %dma_wait3A_144] : memref<128x128xf32, #tpu.memory_space<vmem>> -> memref<128x128xf32, #tpu.memory_space<vmem>>
      tpu.wait_dma2 semaphore(%run_scoped3A : memref<!tpu.dma_semaphore, #tpu.memory_space<semaphore_mem>>) src(%dma_wait3A_145 : memref<128x128xf32, #tpu.memory_space<vmem>>) dst(%dma_wait3A_142 : memref<128x128xf32, #tpu.memory_space<vmem_shared>>)
      tpu.yield
    }) : () -> ()
    %mul3A_96 = arith.constant 640 : i32
    %mul3A_97 = arith.muli %arg1, %mul3A_96 : i32
    %add3A_98 = arith.constant 384 : i32
    %add3A_99 = arith.addi %mul3A_97, %add3A_98 : i32
    "tpu.region"() ({
      %run_scoped3A = tpu.sem_alloc : memref<!tpu.dma_semaphore, #tpu.memory_space<semaphore_mem>>
      %dma_start3A_127 = arith.constant 0 : i32
      %dma_start3A_128 = arith.constant 0 : i32
      %dma_start3A_129 = tpu.memref_slice %arg10[%dma_start3A_127, %dma_start3A_128] : memref<128x128xf32, #tpu.memory_space<vmem>> -> memref<128x128xf32, #tpu.memory_space<vmem>>
      %dma_start3A_130 = arith.constant 0 : i32
      %dma_start3A_131 = tpu.memref_slice %arg14[%add3A_99, %dma_start3A_130] : memref<10240x128xf32, #tpu.memory_space<vmem_shared>> -> memref<128x128xf32, #tpu.memory_space<vmem_shared>>
      %dma_start3A_132 = arith.constant 0 : i32
      %dma_start3A_133 = tpu.memref_slice %arg14[%add3A_99, %dma_start3A_132] : memref<10240x128xf32, #tpu.memory_space<vmem_shared>> -> memref<128x128xf32, #tpu.memory_space<vmem_shared>>
      %dma_start3A_134 = arith.constant 0 : i32
      %dma_start3A_135 = arith.constant 0 : i32
      %dma_start3A_136 = tpu.memref_slice %arg10[%dma_start3A_134, %dma_start3A_135] : memref<128x128xf32, #tpu.memory_space<vmem>> -> memref<128x128xf32, #tpu.memory_space<vmem>>
      tpu.enqueue_dma source(%dma_start3A_136 : memref<128x128xf32, #tpu.memory_space<vmem>>) target(%dma_start3A_133 : memref<128x128xf32, #tpu.memory_space<vmem_shared>>) target_semaphore(%run_scoped3A : memref<!tpu.dma_semaphore, #tpu.memory_space<semaphore_mem>>)
      %dma_wait3A = arith.constant 0 : i32
      %dma_wait3A_137 = arith.constant 0 : i32
      %dma_wait3A_138 = tpu.memref_slice %arg10[%dma_wait3A, %dma_wait3A_137] : memref<128x128xf32, #tpu.memory_space<vmem>> -> memref<128x128xf32, #tpu.memory_space<vmem>>
      %dma_wait3A_139 = arith.constant 0 : i32
      %dma_wait3A_140 = tpu.memref_slice %arg14[%add3A_99, %dma_wait3A_139] : memref<10240x128xf32, #tpu.memory_space<vmem_shared>> -> memref<128x128xf32, #tpu.memory_space<vmem_shared>>
      %dma_wait3A_141 = arith.constant 0 : i32
      %dma_wait3A_142 = tpu.memref_slice %arg14[%add3A_99, %dma_wait3A_141] : memref<10240x128xf32, #tpu.memory_space<vmem_shared>> -> memref<128x128xf32, #tpu.memory_space<vmem_shared>>
      %dma_wait3A_143 = arith.constant 0 : i32
      %dma_wait3A_144 = arith.constant 0 : i32
      %dma_wait3A_145 = tpu.memref_slice %arg10[%dma_wait3A_143, %dma_wait3A_144] : memref<128x128xf32, #tpu.memory_space<vmem>> -> memref<128x128xf32, #tpu.memory_space<vmem>>
      tpu.wait_dma2 semaphore(%run_scoped3A : memref<!tpu.dma_semaphore, #tpu.memory_space<semaphore_mem>>) src(%dma_wait3A_145 : memref<128x128xf32, #tpu.memory_space<vmem>>) dst(%dma_wait3A_142 : memref<128x128xf32, #tpu.memory_space<vmem_shared>>)
      tpu.yield
    }) : () -> ()
    %mul3A_100 = arith.constant 640 : i32
    %mul3A_101 = arith.muli %arg1, %mul3A_100 : i32
    %add3A_102 = arith.constant 512 : i32
    %add3A_103 = arith.addi %mul3A_101, %add3A_102 : i32
    "tpu.region"() ({
      %run_scoped3A = tpu.sem_alloc : memref<!tpu.dma_semaphore, #tpu.memory_space<semaphore_mem>>
      %dma_start3A_127 = arith.constant 0 : i32
      %dma_start3A_128 = arith.constant 0 : i32
      %dma_start3A_129 = tpu.memref_slice %arg10[%dma_start3A_127, %dma_start3A_128] : memref<128x128xf32, #tpu.memory_space<vmem>> -> memref<128x128xf32, #tpu.memory_space<vmem>>
      %dma_start3A_130 = arith.constant 0 : i32
      %dma_start3A_131 = tpu.memref_slice %arg14[%add3A_103, %dma_start3A_130] : memref<10240x128xf32, #tpu.memory_space<vmem_shared>> -> memref<128x128xf32, #tpu.memory_space<vmem_shared>>
      %dma_start3A_132 = arith.constant 0 : i32
      %dma_start3A_133 = tpu.memref_slice %arg14[%add3A_103, %dma_start3A_132] : memref<10240x128xf32, #tpu.memory_space<vmem_shared>> -> memref<128x128xf32, #tpu.memory_space<vmem_shared>>
      %dma_start3A_134 = arith.constant 0 : i32
      %dma_start3A_135 = arith.constant 0 : i32
      %dma_start3A_136 = tpu.memref_slice %arg10[%dma_start3A_134, %dma_start3A_135] : memref<128x128xf32, #tpu.memory_space<vmem>> -> memref<128x128xf32, #tpu.memory_space<vmem>>
      tpu.enqueue_dma source(%dma_start3A_136 : memref<128x128xf32, #tpu.memory_space<vmem>>) target(%dma_start3A_133 : memref<128x128xf32, #tpu.memory_space<vmem_shared>>) target_semaphore(%run_scoped3A : memref<!tpu.dma_semaphore, #tpu.memory_space<semaphore_mem>>)
      %dma_wait3A = arith.constant 0 : i32
      %dma_wait3A_137 = arith.constant 0 : i32
      %dma_wait3A_138 = tpu.memref_slice %arg10[%dma_wait3A, %dma_wait3A_137] : memref<128x128xf32, #tpu.memory_space<vmem>> -> memref<128x128xf32, #tpu.memory_space<vmem>>
      %dma_wait3A_139 = arith.constant 0 : i32
      %dma_wait3A_140 = tpu.memref_slice %arg14[%add3A_103, %dma_wait3A_139] : memref<10240x128xf32, #tpu.memory_space<vmem_shared>> -> memref<128x128xf32, #tpu.memory_space<vmem_shared>>
      %dma_wait3A_141 = arith.constant 0 : i32
      %dma_wait3A_142 = tpu.memref_slice %arg14[%add3A_103, %dma_wait3A_141] : memref<10240x128xf32, #tpu.memory_space<vmem_shared>> -> memref<128x128xf32, #tpu.memory_space<vmem_shared>>
      %dma_wait3A_143 = arith.constant 0 : i32
      %dma_wait3A_144 = arith.constant 0 : i32
      %dma_wait3A_145 = tpu.memref_slice %arg10[%dma_wait3A_143, %dma_wait3A_144] : memref<128x128xf32, #tpu.memory_space<vmem>> -> memref<128x128xf32, #tpu.memory_space<vmem>>
      tpu.wait_dma2 semaphore(%run_scoped3A : memref<!tpu.dma_semaphore, #tpu.memory_space<semaphore_mem>>) src(%dma_wait3A_145 : memref<128x128xf32, #tpu.memory_space<vmem>>) dst(%dma_wait3A_142 : memref<128x128xf32, #tpu.memory_space<vmem_shared>>)
      tpu.yield
    }) : () -> ()
    %mul3A_104 = arith.constant 640 : i32
    %mul3A_105 = arith.muli %arg1, %mul3A_104 : i32
    "tpu.region"() ({
      %run_scoped3A = tpu.sem_alloc : memref<!tpu.dma_semaphore, #tpu.memory_space<semaphore_mem>>
      %dma_start3A_127 = tpu.memref_slice %arg15[%mul3A_105] : memref<10240xf32, #tpu.memory_space<vmem_shared>> -> memref<640xf32, #tpu.memory_space<vmem_shared>>
      %dma_start3A_128 = tpu.memref_slice %arg15[%mul3A_105] : memref<10240xf32, #tpu.memory_space<vmem_shared>> -> memref<640xf32, #tpu.memory_space<vmem_shared>>
      tpu.enqueue_dma source(%arg13 : memref<640xf32, #tpu.memory_space<vmem>>) target(%dma_start3A_128 : memref<640xf32, #tpu.memory_space<vmem_shared>>) target_semaphore(%run_scoped3A : memref<!tpu.dma_semaphore, #tpu.memory_space<semaphore_mem>>)
      %dma_wait3A = tpu.memref_slice %arg15[%mul3A_105] : memref<10240xf32, #tpu.memory_space<vmem_shared>> -> memref<640xf32, #tpu.memory_space<vmem_shared>>
      %dma_wait3A_129 = tpu.memref_slice %arg15[%mul3A_105] : memref<10240xf32, #tpu.memory_space<vmem_shared>> -> memref<640xf32, #tpu.memory_space<vmem_shared>>
      tpu.wait_dma2 semaphore(%run_scoped3A : memref<!tpu.dma_semaphore, #tpu.memory_space<semaphore_mem>>) src(%arg13 : memref<640xf32, #tpu.memory_space<vmem>>) dst(%dma_wait3A_129 : memref<640xf32, #tpu.memory_space<vmem_shared>>)
      tpu.yield
    }) : () -> ()
    %scan3A_106 = arith.constant 0 : i32
    %scan3A_107 = arith.constant 0 : i32
    %scan3A_108 = arith.constant 8 : i32
    %scan3A_109 = arith.addi %scan3A_107, %scan3A_108 : i32
    %scan3A_110 = arith.constant 1 : i32
    %scan3A_111 = scf.for %scan3A_127 = %scan3A_107 to %scan3A_109 step %scan3A_110 iter_args(%scan3A_128 = %scan3A_106) -> (i32)  : i32 {
      %mul3A_129 = arith.constant 16 : i32
      %mul3A_130 = arith.muli %scan3A_127, %mul3A_129 : i32
      %get3A = arith.constant 0 : i32
      %get3A_131 = arith.index_cast %get3A : i32 to index
      %get3A_132 = arith.index_cast %mul3A_130 : i32 to index
      %get3A_133 = tpu.vector_load %arg5[%get3A_131, %get3A_132] {strides = array<i32>} : memref<80x128xi32, #tpu.memory_space<vmem>>, vector<1x16xi32>,
      %get3A_134 = vector.shape_cast %get3A_133 : vector<1x16xi32> to vector<16xi32>
      %and3A_135 = arith.constant 131071 : i32
      %and3A_136 = vector.broadcast %and3A_135 : i32 to vector<16xi32>
      %and3A_137 = arith.andi %get3A_134, %and3A_136 : vector<16xi32>
      %mul3A_138 = arith.constant 16 : i32
      %mul3A_139 = arith.muli %scan3A_127, %mul3A_138 : i32
      %swap3A_140 = arith.index_cast %mul3A_139 : i32 to index
      %swap3A_141 = tpu.vector_load %arg6[%swap3A_140] {strides = array<i32>} : memref<128xi32, #tpu.memory_space<vmem>>, vector<16xi32>,
      %swap3A_142 = vector.shape_cast %swap3A_141 : vector<16xi32> to vector<16xi32>
      %swap3A_143 = vector.shape_cast %and3A_137 : vector<16xi32> to vector<16xi32>
      tpu.vector_store %arg6[%swap3A_140], %swap3A_143 {strides = array<i32>} : memref<128xi32, #tpu.memory_space<vmem>>, vector<16xi32>,
      %shift_right_arithmetic3A = arith.constant 17 : i32
      %shift_right_arithmetic3A_144 = vector.broadcast %shift_right_arithmetic3A : i32 to vector<16xi32>
      %shift_right_arithmetic3A_145 = arith.shrsi %get3A_134, %shift_right_arithmetic3A_144 : vector<16xi32>
      %mul3A_146 = arith.constant 16 : i32
      %mul3A_147 = arith.muli %scan3A_127, %mul3A_146 : i32
      %swap3A_148 = arith.index_cast %mul3A_147 : i32 to index
      %swap3A_149 = tpu.vector_load %arg8[%swap3A_148] {strides = array<i32>} : memref<128xi32, #tpu.memory_space<vmem>>, vector<16xi32>,
      %swap3A_150 = vector.shape_cast %swap3A_149 : vector<16xi32> to vector<16xi32>
      %swap3A_151 = vector.shape_cast %shift_right_arithmetic3A_145 : vector<16xi32> to vector<16xi32>
      tpu.vector_store %arg8[%swap3A_148], %swap3A_151 {strides = array<i32>} : memref<128xi32, #tpu.memory_space<vmem>>, vector<16xi32>,
      %scan3A_152 = arith.constant 0 : i32
      scf.yield %scan3A_152 : i32
    }
    %scan3A_112 = arith.constant 8 : i32
    %dma_start3A = arith.constant 0 : i32
    %dma_start3A_113 = arith.constant 0 : i32
    %dma_start3A_114 = tpu.memref_slice %arg3[%dma_start3A, %dma_start3A_113] : memref<80000x128xf32, #tpu.memory_space<hbm>> -> memref<80000x128xf32, #tpu.memory_space<hbm>>
    tpu.enqueue_indirect_dma source(%dma_start3A_114 : memref<80000x128xf32, #tpu.memory_space<hbm>>) target(%arg10 : memref<128x128xf32, #tpu.memory_space<vmem>>) offsets(%arg6 : memref<128xi32, #tpu.memory_space<vmem>>) semaphore(%arg16 : memref<!tpu.dma_semaphore, #tpu.memory_space<semaphore_mem>>)
    %barrier3A = arith.constant 0 : index
    tpu.barrier barrier_id(%barrier3A)
    %scan3A_115 = arith.constant 0 : i32
    %scan3A_116 = arith.constant 0 : i32
    %scan3A_117 = arith.constant 40 : i32
    %scan3A_118 = arith.addi %scan3A_116, %scan3A_117 : i32
    %scan3A_119 = arith.constant 1 : i32
    %scan3A_120 = scf.for %scan3A_127 = %scan3A_116 to %scan3A_118 step %scan3A_119 iter_args(%scan3A_128 = %scan3A_115) -> (i32)  : i32 {
      %mul3A_129 = arith.constant 2 : i32
      %mul3A_130 = arith.muli %mul3A_129, %scan3A_127 : i32
      %add3A_131 = arith.constant 1 : i32
      %add3A_132 = arith.addi %mul3A_130, %add3A_131 : i32
      %lt3A = arith.cmpi slt, %add3A_132, %min3A : i32
      %convert_element_type3A = arith.extui %lt3A : i1 to i32
      %cond3A = arith.constant 0 : i32
      %cond3A_133 = arith.cmpi ne, %convert_element_type3A, %cond3A : i32
      scf.if %cond3A_133 {
        %add3A_164 = arith.constant 1 : i32
        %add3A_165 = arith.addi %mul3A_130, %add3A_164 : i32
        %scan3A_166 = arith.constant 0 : i32
        %scan3A_167 = arith.constant 0 : i32
        %scan3A_168 = arith.constant 8 : i32
        %scan3A_169 = arith.addi %scan3A_167, %scan3A_168 : i32
        %scan3A_170 = arith.constant 1 : i32
        %scan3A_171 = scf.for %scan3A_176 = %scan3A_167 to %scan3A_169 step %scan3A_170 iter_args(%scan3A_177 = %scan3A_166) -> (i32)  : i32 {
          %mul3A_178 = arith.constant 16 : i32
          %mul3A_179 = arith.muli %scan3A_176, %mul3A_178 : i32
          %get3A = arith.index_cast %add3A_165 : i32 to index
          %get3A_180 = arith.index_cast %mul3A_179 : i32 to index
          %get3A_181 = tpu.vector_load %arg5[%get3A, %get3A_180] {strides = array<i32>} : memref<80x128xi32, #tpu.memory_space<vmem>>, vector<1x16xi32>,
          %get3A_182 = vector.shape_cast %get3A_181 : vector<1x16xi32> to vector<16xi32>
          %and3A_183 = arith.constant 131071 : i32
          %and3A_184 = vector.broadcast %and3A_183 : i32 to vector<16xi32>
          %and3A_185 = arith.andi %get3A_182, %and3A_184 : vector<16xi32>
          %mul3A_186 = arith.constant 16 : i32
          %mul3A_187 = arith.muli %scan3A_176, %mul3A_186 : i32
          %swap3A_188 = arith.index_cast %mul3A_187 : i32 to index
          %swap3A_189 = tpu.vector_load %arg7[%swap3A_188] {strides = array<i32>} : memref<128xi32, #tpu.memory_space<vmem>>, vector<16xi32>,
          %swap3A_190 = vector.shape_cast %swap3A_189 : vector<16xi32> to vector<16xi32>
          %swap3A_191 = vector.shape_cast %and3A_185 : vector<16xi32> to vector<16xi32>
          tpu.vector_store %arg7[%swap3A_188], %swap3A_191 {strides = array<i32>} : memref<128xi32, #tpu.memory_space<vmem>>, vector<16xi32>,
          %shift_right_arithmetic3A = arith.constant 17 : i32
          %shift_right_arithmetic3A_192 = vector.broadcast %shift_right_arithmetic3A : i32 to vector<16xi32>
          %shift_right_arithmetic3A_193 = arith.shrsi %get3A_182, %shift_right_arithmetic3A_192 : vector<16xi32>
          %mul3A_194 = arith.constant 16 : i32
          %mul3A_195 = arith.muli %scan3A_176, %mul3A_194 : i32
          %swap3A_196 = arith.index_cast %mul3A_195 : i32 to index
          %swap3A_197 = tpu.vector_load %arg9[%swap3A_196] {strides = array<i32>} : memref<128xi32, #tpu.memory_space<vmem>>, vector<16xi32>,
          %swap3A_198 = vector.shape_cast %swap3A_197 : vector<16xi32> to vector<16xi32>
          %swap3A_199 = vector.shape_cast %shift_right_arithmetic3A_193 : vector<16xi32> to vector<16xi32>
          tpu.vector_store %arg9[%swap3A_196], %swap3A_199 {strides = array<i32>} : memref<128xi32, #tpu.memory_space<vmem>>, vector<16xi32>,
          %scan3A_200 = arith.constant 0 : i32
          scf.yield %scan3A_200 : i32
        }
        %scan3A_172 = arith.constant 8 : i32
        %dma_start3A_173 = arith.constant 0 : i32
        %dma_start3A_174 = arith.constant 0 : i32
        %dma_start3A_175 = tpu.memref_slice %arg3[%dma_start3A_173, %dma_start3A_174] : memref<80000x128xf32, #tpu.memory_space<hbm>> -> memref<80000x128xf32, #tpu.memory_space<hbm>>
        tpu.enqueue_indirect_dma source(%dma_start3A_175 : memref<80000x128xf32, #tpu.memory_space<hbm>>) target(%arg11 : memref<128x128xf32, #tpu.memory_space<vmem>>) offsets(%arg7 : memref<128xi32, #tpu.memory_space<vmem>>) semaphore(%arg17 : memref<!tpu.dma_semaphore, #tpu.memory_space<semaphore_mem>>)
      } else {
      }
      %lt3A_134 = arith.cmpi slt, %mul3A_130, %min3A : i32
      %convert_element_type3A_135 = arith.extui %lt3A_134 : i1 to i32
      %cond3A_136 = arith.constant 0 : i32
      %cond3A_137 = arith.cmpi ne, %convert_element_type3A_135, %cond3A_136 : i32
      scf.if %cond3A_137 {
        %dma_wait3A = arith.constant 0 : i32
        %dma_wait3A_164 = arith.constant 0 : i32
        %dma_wait3A_165 = tpu.memref_slice %arg3[%dma_wait3A, %dma_wait3A_164] : memref<80000x128xf32, #tpu.memory_space<hbm>> -> memref<80000x128xf32, #tpu.memory_space<hbm>>
        tpu.wait_indirect_dma semaphore(%arg16 : memref<!tpu.dma_semaphore, #tpu.memory_space<semaphore_mem>>) src(%dma_wait3A_165 : memref<80000x128xf32, #tpu.memory_space<hbm>>) dst(%arg10 : memref<128x128xf32, #tpu.memory_space<vmem>>)
        %dma_start3A_166 = arith.constant 0 : i32
        %dma_start3A_167 = arith.constant 0 : i32
        %dma_start3A_168 = tpu.memref_slice %arg14[%dma_start3A_166, %dma_start3A_167] : memref<10240x128xf32, #tpu.memory_space<vmem_shared>> -> memref<10240x128xf32, #tpu.memory_space<vmem_shared>>
        tpu.enqueue_indirect_dma source(%arg10 : memref<128x128xf32, #tpu.memory_space<vmem>>) target(%dma_start3A_168 : memref<10240x128xf32, #tpu.memory_space<vmem_shared>>) offsets(%arg8 : memref<128xi32, #tpu.memory_space<vmem>>) semaphore(%arg18 : memref<!tpu.dma_semaphore, #tpu.memory_space<semaphore_mem>>) {add = true}
      } else {
      }
      %add3A_138 = arith.constant 1 : i32
      %add3A_139 = arith.addi %mul3A_130, %add3A_138 : i32
      %lt3A_140 = arith.cmpi slt, %add3A_139, %min3A : i32
      %convert_element_type3A_141 = arith.extui %lt3A_140 : i1 to i32
      %cond3A_142 = arith.constant 0 : i32
      %cond3A_143 = arith.cmpi ne, %convert_element_type3A_141, %cond3A_142 : i32
      scf.if %cond3A_143 {
        %dma_wait3A = arith.constant 0 : i32
        %dma_wait3A_164 = arith.constant 0 : i32
        %dma_wait3A_165 = tpu.memref_slice %arg3[%dma_wait3A, %dma_wait3A_164] : memref<80000x128xf32, #tpu.memory_space<hbm>> -> memref<80000x128xf32, #tpu.memory_space<hbm>>
        tpu.wait_indirect_dma semaphore(%arg17 : memref<!tpu.dma_semaphore, #tpu.memory_space<semaphore_mem>>) src(%dma_wait3A_165 : memref<80000x128xf32, #tpu.memory_space<hbm>>) dst(%arg11 : memref<128x128xf32, #tpu.memory_space<vmem>>)
        %dma_start3A_166 = arith.constant 0 : i32
        %dma_start3A_167 = arith.constant 0 : i32
        %dma_start3A_168 = tpu.memref_slice %arg14[%dma_start3A_166, %dma_start3A_167] : memref<10240x128xf32, #tpu.memory_space<vmem_shared>> -> memref<10240x128xf32, #tpu.memory_space<vmem_shared>>
        tpu.enqueue_indirect_dma source(%arg11 : memref<128x128xf32, #tpu.memory_space<vmem>>) target(%dma_start3A_168 : memref<10240x128xf32, #tpu.memory_space<vmem_shared>>) offsets(%arg9 : memref<128xi32, #tpu.memory_space<vmem>>) semaphore(%arg19 : memref<!tpu.dma_semaphore, #tpu.memory_space<semaphore_mem>>) {add = true}
      } else {
      }
      %lt3A_144 = arith.cmpi slt, %mul3A_130, %min3A : i32
      %convert_element_type3A_145 = arith.extui %lt3A_144 : i1 to i32
      %cond3A_146 = arith.constant 0 : i32
      %cond3A_147 = arith.cmpi ne, %convert_element_type3A_145, %cond3A_146 : i32
      scf.if %cond3A_147 {
        %dma_wait3A = arith.constant 0 : i32
        %dma_wait3A_164 = arith.constant 0 : i32
        %dma_wait3A_165 = tpu.memref_slice %arg14[%dma_wait3A, %dma_wait3A_164] : memref<10240x128xf32, #tpu.memory_space<vmem_shared>> -> memref<10240x128xf32, #tpu.memory_space<vmem_shared>>
        tpu.wait_indirect_dma semaphore(%arg18 : memref<!tpu.dma_semaphore, #tpu.memory_space<semaphore_mem>>) src(%arg10 : memref<128x128xf32, #tpu.memory_space<vmem>>) dst(%dma_wait3A_165 : memref<10240x128xf32, #tpu.memory_space<vmem_shared>>)
      } else {
      }
      %lt3A_148 = arith.constant 39 : i32
      %lt3A_149 = arith.cmpi slt, %scan3A_127, %lt3A_148 : i32
      %add3A_150 = arith.constant 2 : i32
      %add3A_151 = arith.addi %mul3A_130, %add3A_150 : i32
      %lt3A_152 = arith.cmpi slt, %add3A_151, %min3A : i32
      %and3A_153 = arith.andi %lt3A_149, %lt3A_152 : i1
      %convert_element_type3A_154 = arith.extui %and3A_153 : i1 to i32
      %cond3A_155 = arith.constant 0 : i32
      %cond3A_156 = arith.cmpi ne, %convert_element_type3A_154, %cond3A_155 : i32
      scf.if %cond3A_156 {
        %add3A_164 = arith.constant 2 : i32
        %add3A_165 = arith.addi %mul3A_130, %add3A_164 : i32
        %scan3A_166 = arith.constant 0 : i32
        %scan3A_167 = arith.constant 0 : i32
        %scan3A_168 = arith.constant 8 : i32
        %scan3A_169 = arith.addi %scan3A_167, %scan3A_168 : i32
        %scan3A_170 = arith.constant 1 : i32
        %scan3A_171 = scf.for %scan3A_176 = %scan3A_167 to %scan3A_169 step %scan3A_170 iter_args(%scan3A_177 = %scan3A_166) -> (i32)  : i32 {
          %mul3A_178 = arith.constant 16 : i32
          %mul3A_179 = arith.muli %scan3A_176, %mul3A_178 : i32
          %get3A = arith.index_cast %add3A_165 : i32 to index
          %get3A_180 = arith.index_cast %mul3A_179 : i32 to index
          %get3A_181 = tpu.vector_load %arg5[%get3A, %get3A_180] {strides = array<i32>} : memref<80x128xi32, #tpu.memory_space<vmem>>, vector<1x16xi32>,
          %get3A_182 = vector.shape_cast %get3A_181 : vector<1x16xi32> to vector<16xi32>
          %and3A_183 = arith.constant 131071 : i32
          %and3A_184 = vector.broadcast %and3A_183 : i32 to vector<16xi32>
          %and3A_185 = arith.andi %get3A_182, %and3A_184 : vector<16xi32>
          %mul3A_186 = arith.constant 16 : i32
          %mul3A_187 = arith.muli %scan3A_176, %mul3A_186 : i32
          %swap3A_188 = arith.index_cast %mul3A_187 : i32 to index
          %swap3A_189 = tpu.vector_load %arg6[%swap3A_188] {strides = array<i32>} : memref<128xi32, #tpu.memory_space<vmem>>, vector<16xi32>,
          %swap3A_190 = vector.shape_cast %swap3A_189 : vector<16xi32> to vector<16xi32>
          %swap3A_191 = vector.shape_cast %and3A_185 : vector<16xi32> to vector<16xi32>
          tpu.vector_store %arg6[%swap3A_188], %swap3A_191 {strides = array<i32>} : memref<128xi32, #tpu.memory_space<vmem>>, vector<16xi32>,
          %shift_right_arithmetic3A = arith.constant 17 : i32
          %shift_right_arithmetic3A_192 = vector.broadcast %shift_right_arithmetic3A : i32 to vector<16xi32>
          %shift_right_arithmetic3A_193 = arith.shrsi %get3A_182, %shift_right_arithmetic3A_192 : vector<16xi32>
          %mul3A_194 = arith.constant 16 : i32
          %mul3A_195 = arith.muli %scan3A_176, %mul3A_194 : i32
          %swap3A_196 = arith.index_cast %mul3A_195 : i32 to index
          %swap3A_197 = tpu.vector_load %arg8[%swap3A_196] {strides = array<i32>} : memref<128xi32, #tpu.memory_space<vmem>>, vector<16xi32>,
          %swap3A_198 = vector.shape_cast %swap3A_197 : vector<16xi32> to vector<16xi32>
          %swap3A_199 = vector.shape_cast %shift_right_arithmetic3A_193 : vector<16xi32> to vector<16xi32>
          tpu.vector_store %arg8[%swap3A_196], %swap3A_199 {strides = array<i32>} : memref<128xi32, #tpu.memory_space<vmem>>, vector<16xi32>,
          %scan3A_200 = arith.constant 0 : i32
          scf.yield %scan3A_200 : i32
        }
        %scan3A_172 = arith.constant 8 : i32
        %dma_start3A_173 = arith.constant 0 : i32
        %dma_start3A_174 = arith.constant 0 : i32
        %dma_start3A_175 = tpu.memref_slice %arg3[%dma_start3A_173, %dma_start3A_174] : memref<80000x128xf32, #tpu.memory_space<hbm>> -> memref<80000x128xf32, #tpu.memory_space<hbm>>
        tpu.enqueue_indirect_dma source(%dma_start3A_175 : memref<80000x128xf32, #tpu.memory_space<hbm>>) target(%arg10 : memref<128x128xf32, #tpu.memory_space<vmem>>) offsets(%arg6 : memref<128xi32, #tpu.memory_space<vmem>>) semaphore(%arg16 : memref<!tpu.dma_semaphore, #tpu.memory_space<semaphore_mem>>)
      } else {
      }
      %add3A_157 = arith.constant 1 : i32
      %add3A_158 = arith.addi %mul3A_130, %add3A_157 : i32
      %lt3A_159 = arith.cmpi slt, %add3A_158, %min3A : i32
      %convert_element_type3A_160 = arith.extui %lt3A_159 : i1 to i32
      %cond3A_161 = arith.constant 0 : i32
      %cond3A_162 = arith.cmpi ne, %convert_element_type3A_160, %cond3A_161 : i32
      scf.if %cond3A_162 {
        %dma_wait3A = arith.constant 0 : i32
        %dma_wait3A_164 = arith.constant 0 : i32
        %dma_wait3A_165 = tpu.memref_slice %arg14[%dma_wait3A, %dma_wait3A_164] : memref<10240x128xf32, #tpu.memory_space<vmem_shared>> -> memref<10240x128xf32, #tpu.memory_space<vmem_shared>>
        tpu.wait_indirect_dma semaphore(%arg19 : memref<!tpu.dma_semaphore, #tpu.memory_space<semaphore_mem>>) src(%arg11 : memref<128x128xf32, #tpu.memory_space<vmem>>) dst(%dma_wait3A_165 : memref<10240x128xf32, #tpu.memory_space<vmem_shared>>)
      } else {
      }
      %scan3A_163 = arith.constant 0 : i32
      scf.yield %scan3A_163 : i32
    }
    %scan3A_121 = arith.constant 40 : i32
    %barrier3A_122 = arith.constant 0 : index
    tpu.barrier barrier_id(%barrier3A_122)
    %mul3A_123 = arith.constant 640 : i32
    %mul3A_124 = arith.muli %arg1, %mul3A_123 : i32
    %mul3A_125 = arith.constant 640 : i32
    %mul3A_126 = arith.muli %arg1, %mul3A_125 : i32
    "tpu.region"() ({
      %run_scoped3A = tpu.sem_alloc : memref<!tpu.dma_semaphore, #tpu.memory_space<semaphore_mem>>
      %dma_start3A_127 = arith.constant 0 : i32
      %dma_start3A_128 = tpu.memref_slice %arg4[%arg0, %mul3A_126, %dma_start3A_127] : memref<2x10240x128xf32, #tpu.memory_space<hbm>> -> memref<1x640x128xf32, #tpu.memory_space<hbm>>
      %dma_start3A_129 = tpu.memref_squeeze %dma_start3A_128 : memref<1x640x128xf32, #tpu.memory_space<hbm>> -> memref<640x128xf32, #tpu.memory_space<hbm>>
      %dma_start3A_130 = arith.constant 0 : i32
      %dma_start3A_131 = tpu.memref_slice %arg14[%mul3A_124, %dma_start3A_130] : memref<10240x128xf32, #tpu.memory_space<vmem_shared>> -> memref<640x128xf32, #tpu.memory_space<vmem_shared>>
      tpu.enqueue_dma source(%dma_start3A_131 : memref<640x128xf32, #tpu.memory_space<vmem_shared>>) target(%dma_start3A_129 : memref<640x128xf32, #tpu.memory_space<hbm>>) target_semaphore(%run_scoped3A : memref<!tpu.dma_semaphore, #tpu.memory_space<semaphore_mem>>)
      %dma_wait3A = arith.constant 0 : i32
      %dma_wait3A_132 = tpu.memref_slice %arg4[%arg0, %mul3A_126, %dma_wait3A] : memref<2x10240x128xf32, #tpu.memory_space<hbm>> -> memref<1x640x128xf32, #tpu.memory_space<hbm>>
      %dma_wait3A_133 = tpu.memref_squeeze %dma_wait3A_132 : memref<1x640x128xf32, #tpu.memory_space<hbm>> -> memref<640x128xf32, #tpu.memory_space<hbm>>
      %dma_wait3A_134 = arith.constant 0 : i32
      %dma_wait3A_135 = tpu.memref_slice %arg14[%mul3A_124, %dma_wait3A_134] : memref<10240x128xf32, #tpu.memory_space<vmem_shared>> -> memref<640x128xf32, #tpu.memory_space<vmem_shared>>
      tpu.wait_dma2 semaphore(%run_scoped3A : memref<!tpu.dma_semaphore, #tpu.memory_space<semaphore_mem>>) src(%dma_wait3A_135 : memref<640x128xf32, #tpu.memory_space<vmem_shared>>) dst(%dma_wait3A_133 : memref<640x128xf32, #tpu.memory_space<hbm>>)
      tpu.yield
    }) : () -> ()
    return
  }
}

module attributes {stable_mosaic.version = 14 : i64} {
  func.func @wbody(%arg0: i32, %arg1: memref<1x8x4xf32, #tpu.memory_space<vmem>>, %arg2: memref<1x4x128x128xf32, #tpu.memory_space<vmem>>, %arg3: memref<1x8x128x128xf32, #tpu.memory_space<vmem>>) attributes {dimension_semantics = [#tpu.dimension_semantics<arbitrary>], iteration_bounds = array<i64: 3>, scalar_prefetch = 0 : i64, scratch_operands = 0 : i64, tpu.core_type = #tpu.core_type<tc>, window_params = [{transform_indices = @transform_0, window_bounds = array<i64: 1, 8, 4>}, {transform_indices = @transform_1, window_bounds = array<i64: 1, 4, 128, 128>}, {transform_indices = @transform_2, window_bounds = array<i64: 1, 8, 128, 128>}]} {
    %get3A = arith.constant 0 : index
    %get3A_0 = arith.constant 0 : index
    %get3A_1 = arith.constant 0 : index
    %get3A_2 = vector.load %arg1[%get3A, %get3A_0, %get3A_1] : memref<1x8x4xf32, #tpu.memory_space<vmem>>, vector<1x8x1xf32>
    %get3A_3 = vector.shape_cast %get3A_2 : vector<1x8x1xf32> to vector<8xf32>
    %broadcast_in_dim3A = vector.shape_cast %get3A_3 : vector<8xf32> to vector<8x1x1xf32>
    %get3A_4 = arith.constant 0 : index
    %get3A_5 = arith.constant 0 : index
    %get3A_6 = arith.constant 0 : index
    %get3A_7 = arith.constant 0 : index
    %get3A_8 = vector.load %arg2[%get3A_4, %get3A_5, %get3A_6, %get3A_7] : memref<1x4x128x128xf32, #tpu.memory_space<vmem>>, vector<1x1x128x128xf32>
    %get3A_9 = vector.shape_cast %get3A_8 : vector<1x1x128x128xf32> to vector<128x128xf32>
    %broadcast_in_dim3A_10 = vector.shape_cast %get3A_9 : vector<128x128xf32> to vector<1x128x128xf32>
    %mul3A = vector.broadcast %broadcast_in_dim3A : vector<8x1x1xf32> to vector<8x128x128xf32>
    %mul3A_11 = vector.broadcast %broadcast_in_dim3A_10 : vector<1x128x128xf32> to vector<8x128x128xf32>
    %mul3A_12 = arith.mulf %mul3A, %mul3A_11 : vector<8x128x128xf32>
    %get3A_13 = arith.constant 0 : index
    %get3A_14 = arith.constant 0 : index
    %get3A_15 = arith.constant 1 : index
    %get3A_16 = vector.load %arg1[%get3A_13, %get3A_14, %get3A_15] : memref<1x8x4xf32, #tpu.memory_space<vmem>>, vector<1x8x1xf32>
    %get3A_17 = vector.shape_cast %get3A_16 : vector<1x8x1xf32> to vector<8xf32>
    %broadcast_in_dim3A_18 = vector.shape_cast %get3A_17 : vector<8xf32> to vector<8x1x1xf32>
    %get3A_19 = arith.constant 0 : index
    %get3A_20 = arith.constant 1 : index
    %get3A_21 = arith.constant 0 : index
    %get3A_22 = arith.constant 0 : index
    %get3A_23 = vector.load %arg2[%get3A_19, %get3A_20, %get3A_21, %get3A_22] : memref<1x4x128x128xf32, #tpu.memory_space<vmem>>, vector<1x1x128x128xf32>
    %get3A_24 = vector.shape_cast %get3A_23 : vector<1x1x128x128xf32> to vector<128x128xf32>
    %broadcast_in_dim3A_25 = vector.shape_cast %get3A_24 : vector<128x128xf32> to vector<1x128x128xf32>
    %mul3A_26 = vector.broadcast %broadcast_in_dim3A_18 : vector<8x1x1xf32> to vector<8x128x128xf32>
    %mul3A_27 = vector.broadcast %broadcast_in_dim3A_25 : vector<1x128x128xf32> to vector<8x128x128xf32>
    %mul3A_28 = arith.mulf %mul3A_26, %mul3A_27 : vector<8x128x128xf32>
    %add3A = arith.addf %mul3A_12, %mul3A_28 : vector<8x128x128xf32>
    %get3A_29 = arith.constant 0 : index
    %get3A_30 = arith.constant 0 : index
    %get3A_31 = arith.constant 2 : index
    %get3A_32 = vector.load %arg1[%get3A_29, %get3A_30, %get3A_31] : memref<1x8x4xf32, #tpu.memory_space<vmem>>, vector<1x8x1xf32>
    %get3A_33 = vector.shape_cast %get3A_32 : vector<1x8x1xf32> to vector<8xf32>
    %broadcast_in_dim3A_34 = vector.shape_cast %get3A_33 : vector<8xf32> to vector<8x1x1xf32>
    %get3A_35 = arith.constant 0 : index
    %get3A_36 = arith.constant 2 : index
    %get3A_37 = arith.constant 0 : index
    %get3A_38 = arith.constant 0 : index
    %get3A_39 = vector.load %arg2[%get3A_35, %get3A_36, %get3A_37, %get3A_38] : memref<1x4x128x128xf32, #tpu.memory_space<vmem>>, vector<1x1x128x128xf32>
    %get3A_40 = vector.shape_cast %get3A_39 : vector<1x1x128x128xf32> to vector<128x128xf32>
    %broadcast_in_dim3A_41 = vector.shape_cast %get3A_40 : vector<128x128xf32> to vector<1x128x128xf32>
    %mul3A_42 = vector.broadcast %broadcast_in_dim3A_34 : vector<8x1x1xf32> to vector<8x128x128xf32>
    %mul3A_43 = vector.broadcast %broadcast_in_dim3A_41 : vector<1x128x128xf32> to vector<8x128x128xf32>
    %mul3A_44 = arith.mulf %mul3A_42, %mul3A_43 : vector<8x128x128xf32>
    %add3A_45 = arith.addf %add3A, %mul3A_44 : vector<8x128x128xf32>
    %get3A_46 = arith.constant 0 : index
    %get3A_47 = arith.constant 0 : index
    %get3A_48 = arith.constant 3 : index
    %get3A_49 = vector.load %arg1[%get3A_46, %get3A_47, %get3A_48] : memref<1x8x4xf32, #tpu.memory_space<vmem>>, vector<1x8x1xf32>
    %get3A_50 = vector.shape_cast %get3A_49 : vector<1x8x1xf32> to vector<8xf32>
    %broadcast_in_dim3A_51 = vector.shape_cast %get3A_50 : vector<8xf32> to vector<8x1x1xf32>
    %get3A_52 = arith.constant 0 : index
    %get3A_53 = arith.constant 3 : index
    %get3A_54 = arith.constant 0 : index
    %get3A_55 = arith.constant 0 : index
    %get3A_56 = vector.load %arg2[%get3A_52, %get3A_53, %get3A_54, %get3A_55] : memref<1x4x128x128xf32, #tpu.memory_space<vmem>>, vector<1x1x128x128xf32>
    %get3A_57 = vector.shape_cast %get3A_56 : vector<1x1x128x128xf32> to vector<128x128xf32>
    %broadcast_in_dim3A_58 = vector.shape_cast %get3A_57 : vector<128x128xf32> to vector<1x128x128xf32>
    %mul3A_59 = vector.broadcast %broadcast_in_dim3A_51 : vector<8x1x1xf32> to vector<8x128x128xf32>
    %mul3A_60 = vector.broadcast %broadcast_in_dim3A_58 : vector<1x128x128xf32> to vector<8x128x128xf32>
    %mul3A_61 = arith.mulf %mul3A_59, %mul3A_60 : vector<8x128x128xf32>
    %add3A_62 = arith.addf %add3A_45, %mul3A_61 : vector<8x128x128xf32>
    %swap3A = arith.constant 0 : index
    %swap3A_63 = arith.constant 0 : index
    %swap3A_64 = arith.constant 0 : index
    %swap3A_65 = arith.constant 0 : index
    %swap3A_66 = vector.load %arg3[%swap3A, %swap3A_63, %swap3A_64, %swap3A_65] : memref<1x8x128x128xf32, #tpu.memory_space<vmem>>, vector<1x8x128x128xf32>
    %swap3A_67 = vector.shape_cast %swap3A_66 : vector<1x8x128x128xf32> to vector<8x128x128xf32>
    %swap3A_68 = vector.shape_cast %add3A_62 : vector<8x128x128xf32> to vector<1x8x128x128xf32>
    tpu.vector_store %arg3[%swap3A, %swap3A_63, %swap3A_64, %swap3A_65], %swap3A_68 {strides = array<i32>} : memref<1x8x128x128xf32, #tpu.memory_space<vmem>>, vector<1x8x128x128xf32>,
    return
  }
  func.func @transform_0(%arg0: i32) -> (i32, i32, i32) {
    %c0_i32 = arith.constant 0 : i32
    %c0_i32_0 = arith.constant 0 : i32
    %c0_i32_1 = arith.constant 0 : i32
    return %arg0, %c0_i32, %c0_i32_0 : i32, i32, i32
  }
  func.func @transform_1(%arg0: i32) -> (i32, i32, i32, i32) {
    %c0_i32 = arith.constant 0 : i32
    %c0_i32_0 = arith.constant 0 : i32
    %c0_i32_1 = arith.constant 0 : i32
    %c0_i32_2 = arith.constant 0 : i32
    return %arg0, %c0_i32, %c0_i32_0, %c0_i32_1 : i32, i32, i32, i32
  }
  func.func @transform_2(%arg0: i32) -> (i32, i32, i32, i32) {
    %c0_i32 = arith.constant 0 : i32
    %c0_i32_0 = arith.constant 0 : i32
    %c0_i32_1 = arith.constant 0 : i32
    %c0_i32_2 = arith.constant 0 : i32
    return %arg0, %c0_i32, %c0_i32_0, %c0_i32_1 : i32, i32, i32, i32
  }
}

module attributes {stable_mosaic.version = 14 : i64} {
  func.func @prep_body(%arg0: memref<2560x128xi32, #tpu.memory_space<vmem>>, %arg1: memref<2560x128xi32, #tpu.memory_space<vmem>>, %arg2: memref<2560x128xi32, #tpu.memory_space<vmem>>, %arg3: memref<2560x128xi32, #tpu.memory_space<vmem>>) attributes {dimension_semantics = [], scalar_prefetch = 0 : i64, scratch_operands = 0 : i64, tpu.core_type = #tpu.core_type<tc>} {
    %get3A = arith.constant 0 : index
    %get3A_0 = arith.constant 0 : index
    %get3A_1 = vector.load %arg1[%get3A, %get3A_0] : memref<2560x128xi32, #tpu.memory_space<vmem>>, vector<2560x128xi32>
    %mul3A = arith.constant 10000 : i32
    %mul3A_2 = vector.broadcast %mul3A : i32 to vector<2560x128xi32>
    %mul3A_3 = arith.muli %get3A_1, %mul3A_2 : vector<2560x128xi32>
    %get3A_4 = arith.constant 0 : index
    %get3A_5 = arith.constant 0 : index
    %get3A_6 = vector.load %arg0[%get3A_4, %get3A_5] : memref<2560x128xi32, #tpu.memory_space<vmem>>, vector<2560x128xi32>
    %add3A = arith.addi %mul3A_3, %get3A_6 : vector<2560x128xi32>
    %get3A_7 = arith.constant 0 : index
    %get3A_8 = arith.constant 0 : index
    %get3A_9 = vector.load %arg2[%get3A_7, %get3A_8] : memref<2560x128xi32, #tpu.memory_space<vmem>>, vector<2560x128xi32>
    %mul3A_10 = arith.constant 131072 : i32
    %mul3A_11 = vector.broadcast %mul3A_10 : i32 to vector<2560x128xi32>
    %mul3A_12 = arith.muli %get3A_9, %mul3A_11 : vector<2560x128xi32>
    %add3A_13 = arith.addi %add3A, %mul3A_12 : vector<2560x128xi32>
    %swap3A = arith.constant 0 : index
    %swap3A_14 = arith.constant 0 : index
    %swap3A_15 = vector.load %arg3[%swap3A, %swap3A_14] : memref<2560x128xi32, #tpu.memory_space<vmem>>, vector<2560x128xi32>
    tpu.vector_store %arg3[%swap3A, %swap3A_14], %add3A_13 {strides = array<i32>} : memref<2560x128xi32, #tpu.memory_space<vmem>>, vector<2560x128xi32>,
    return
  }
}

module attributes {stable_mosaic.version = 14 : i64} {
  func.func @_expand0_body(%arg0: i32, %arg1: memref<2000x128xf32, #tpu.memory_space<vmem>>, %arg2: memref<8x128x128xf32, #tpu.memory_space<vmem>>, %arg3: memref<128x128xf32, #tpu.memory_space<vmem>>, %arg4: memref<1x128xf32, #tpu.memory_space<vmem>>, %arg5: memref<8x2000x128xf32, #tpu.memory_space<vmem>>, %arg6: memref<2000x128xf32, #tpu.memory_space<vmem>>) attributes {dimension_semantics = [#tpu.dimension_semantics<arbitrary>], iteration_bounds = array<i64: 5>, scalar_prefetch = 0 : i64, scratch_operands = 0 : i64, tpu.core_type = #tpu.core_type<tc>, window_params = [{transform_indices = @transform_0, window_bounds = array<i64: 2000, 128>}, {pipeline_mode = #tpu.pipeline_mode<synchronous>, transform_indices = @transform_1, window_bounds = array<i64: 8, 128, 128>}, {pipeline_mode = #tpu.pipeline_mode<synchronous>, transform_indices = @transform_2, window_bounds = array<i64: 128, 128>}, {pipeline_mode = #tpu.pipeline_mode<synchronous>, transform_indices = @transform_3, window_bounds = array<i64: 1, 128>}, {transform_indices = @transform_4, window_bounds = array<i64: 8, 2000, 128>}, {transform_indices = @transform_5, window_bounds = array<i64: 2000, 128>}]} {
    %get3A = arith.constant 0 : index
    %get3A_0 = arith.constant 0 : index
    %get3A_1 = vector.load %arg1[%get3A, %get3A_0] : memref<2000x128xf32, #tpu.memory_space<vmem>>, vector<2000x128xf32>
    %get3A_2 = arith.constant 0 : index
    %get3A_3 = arith.constant 0 : index
    %get3A_4 = arith.constant 0 : index
    %get3A_5 = vector.load %arg2[%get3A_2, %get3A_3, %get3A_4] : memref<8x128x128xf32, #tpu.memory_space<vmem>>, vector<8x128x128xf32>
    "tpu.trace_start"() <{level = 10 : i32, message = "ni,rio->rno"}> : () -> ()
    %dot_general3A = arith.constant dense<0.000000e+00> : vector<8x128x2000xf32>
    %dot_general3A_6 = tpu.matmul %get3A_5, %get3A_1, %dot_general3A {dimension_numbers = #tpu.dot_dimension_numbers<[1], [1], [0, 2], [0], [0, 0, 0, 2, 1, 0], [], []>, transpose_lhs_hint = false} : vector<8x128x128xf32>, vector<2000x128xf32>, vector<8x128x2000xf32> -> vector<8x128x2000xf32>
    %transpose3A = tpu.transpose %dot_general3A_6, [0, 2, 1] : vector<8x128x2000xf32> -> vector<8x2000x128xf32>
    "tpu.trace_stop"() : () -> ()
    %swap3A = arith.constant 0 : index
    %swap3A_7 = arith.constant 0 : index
    %swap3A_8 = arith.constant 0 : index
    %swap3A_9 = vector.load %arg5[%swap3A, %swap3A_7, %swap3A_8] : memref<8x2000x128xf32, #tpu.memory_space<vmem>>, vector<8x2000x128xf32>
    tpu.vector_store %arg5[%swap3A, %swap3A_7, %swap3A_8], %transpose3A {strides = array<i32>} : memref<8x2000x128xf32, #tpu.memory_space<vmem>>, vector<8x2000x128xf32>,
    %get3A_10 = arith.constant 0 : index
    %get3A_11 = arith.constant 0 : index
    %get3A_12 = vector.load %arg3[%get3A_10, %get3A_11] : memref<128x128xf32, #tpu.memory_space<vmem>>, vector<128x128xf32>
    %dot_general3A_13 = arith.constant dense<0.000000e+00> : vector<2000x128xf32>
    %dot_general3A_14 = tpu.matmul %get3A_1, %get3A_12, %dot_general3A_13 {dimension_numbers = #tpu.dot_dimension_numbers<[1], [0], [0], [1], [0, 0, 1, 1], [], []>, transpose_lhs_hint = false} : vector<2000x128xf32>, vector<128x128xf32>, vector<2000x128xf32> -> vector<2000x128xf32>
    %get3A_15 = arith.constant 0 : index
    %get3A_16 = arith.constant 0 : index
    %get3A_17 = vector.load %arg4[%get3A_15, %get3A_16] : memref<1x128xf32, #tpu.memory_space<vmem>>, vector<1x128xf32>
    %add3A = vector.broadcast %get3A_17 : vector<1x128xf32> to vector<2000x128xf32>
    %add3A_18 = arith.addf %dot_general3A_14, %add3A : vector<2000x128xf32>
    %swap3A_19 = arith.constant 0 : index
    %swap3A_20 = arith.constant 0 : index
    %swap3A_21 = vector.load %arg6[%swap3A_19, %swap3A_20] : memref<2000x128xf32, #tpu.memory_space<vmem>>, vector<2000x128xf32>
    tpu.vector_store %arg6[%swap3A_19, %swap3A_20], %add3A_18 {strides = array<i32>} : memref<2000x128xf32, #tpu.memory_space<vmem>>, vector<2000x128xf32>,
    return
  }
  func.func @transform_0(%arg0: i32) -> (i32, i32) {
    %c0_i32 = arith.constant 0 : i32
    %c0_i32_0 = arith.constant 0 : i32
    return %arg0, %c0_i32 : i32, i32
  }
  func.func @transform_1(%arg0: i32) -> (i32, i32, i32) {
    %c0_i32 = arith.constant 0 : i32
    %c0_i32_0 = arith.constant 0 : i32
    %c0_i32_1 = arith.constant 0 : i32
    %c0_i32_2 = arith.constant 0 : i32
    return %c0_i32, %c0_i32_0, %c0_i32_1 : i32, i32, i32
  }
  func.func @transform_2(%arg0: i32) -> (i32, i32) {
    %c0_i32 = arith.constant 0 : i32
    %c0_i32_0 = arith.constant 0 : i32
    %c0_i32_1 = arith.constant 0 : i32
    return %c0_i32, %c0_i32_0 : i32, i32
  }
  func.func @transform_3(%arg0: i32) -> (i32, i32) {
    %c0_i32 = arith.constant 0 : i32
    %c0_i32_0 = arith.constant 0 : i32
    %c0_i32_1 = arith.constant 0 : i32
    return %c0_i32, %c0_i32_0 : i32, i32
  }
  func.func @transform_4(%arg0: i32) -> (i32, i32, i32) {
    %c0_i32 = arith.constant 0 : i32
    %c0_i32_0 = arith.constant 0 : i32
    %c0_i32_1 = arith.constant 0 : i32
    return %c0_i32, %arg0, %c0_i32_0 : i32, i32, i32
  }
  func.func @transform_5(%arg0: i32) -> (i32, i32) {
    %c0_i32 = arith.constant 0 : i32
    %c0_i32_0 = arith.constant 0 : i32
    return %arg0, %c0_i32 : i32, i32
  }
}

module attributes {stable_mosaic.version = 14 : i64} {
  func.func @_expandf_body(%arg0: i32, %arg1: memref<2x2000x128xf32, #tpu.memory_space<vmem>>, %arg2: memref<2x2000x1xf32, #tpu.memory_space<vmem>>, %arg3: memref<2000x128xf32, #tpu.memory_space<vmem>>, %arg4: memref<8x128x128xf32, #tpu.memory_space<vmem>>, %arg5: memref<128x128xf32, #tpu.memory_space<vmem>>, %arg6: memref<1x128xf32, #tpu.memory_space<vmem>>, %arg7: memref<8x2000x128xf32, #tpu.memory_space<vmem>>, %arg8: memref<2000x128xf32, #tpu.memory_space<vmem>>) attributes {dimension_semantics = [#tpu.dimension_semantics<arbitrary>], iteration_bounds = array<i64: 5>, scalar_prefetch = 0 : i64, scratch_operands = 0 : i64, tpu.core_type = #tpu.core_type<tc>, window_params = [{transform_indices = @transform_0, window_bounds = array<i64: 2, 2000, 128>}, {transform_indices = @transform_1, window_bounds = array<i64: 2, 2000, 1>}, {transform_indices = @transform_2, window_bounds = array<i64: 2000, 128>}, {pipeline_mode = #tpu.pipeline_mode<synchronous>, transform_indices = @transform_3, window_bounds = array<i64: 8, 128, 128>}, {pipeline_mode = #tpu.pipeline_mode<synchronous>, transform_indices = @transform_4, window_bounds = array<i64: 128, 128>}, {pipeline_mode = #tpu.pipeline_mode<synchronous>, transform_indices = @transform_5, window_bounds = array<i64: 1, 128>}, {transform_indices = @transform_6, window_bounds = array<i64: 8, 2000, 128>}, {transform_indices = @transform_7, window_bounds = array<i64: 2000, 128>}]} {
    %get3A = arith.constant 0 : index
    %get3A_0 = arith.constant 0 : index
    %get3A_1 = arith.constant 0 : index
    %get3A_2 = vector.load %arg1[%get3A, %get3A_0, %get3A_1] : memref<2x2000x128xf32, #tpu.memory_space<vmem>>, vector<1x2000x128xf32>
    %get3A_3 = vector.shape_cast %get3A_2 : vector<1x2000x128xf32> to vector<2000x128xf32>
    %get3A_4 = arith.constant 1 : index
    %get3A_5 = arith.constant 0 : index
    %get3A_6 = arith.constant 0 : index
    %get3A_7 = vector.load %arg1[%get3A_4, %get3A_5, %get3A_6] : memref<2x2000x128xf32, #tpu.memory_space<vmem>>, vector<1x2000x128xf32>
    %get3A_8 = vector.shape_cast %get3A_7 : vector<1x2000x128xf32> to vector<2000x128xf32>
    %add3A = arith.addf %get3A_3, %get3A_8 : vector<2000x128xf32>
    %get3A_9 = arith.constant 0 : index
    %get3A_10 = arith.constant 0 : index
    %get3A_11 = arith.constant 0 : index
    %get3A_12 = vector.load %arg2[%get3A_9, %get3A_10, %get3A_11] : memref<2x2000x1xf32, #tpu.memory_space<vmem>>, vector<1x2000x1xf32>
    %get3A_13 = vector.shape_cast %get3A_12 : vector<1x2000x1xf32> to vector<2000x1xf32>
    %get3A_14 = arith.constant 1 : index
    %get3A_15 = arith.constant 0 : index
    %get3A_16 = arith.constant 0 : index
    %get3A_17 = vector.load %arg2[%get3A_14, %get3A_15, %get3A_16] : memref<2x2000x1xf32, #tpu.memory_space<vmem>>, vector<1x2000x1xf32>
    %get3A_18 = vector.shape_cast %get3A_17 : vector<1x2000x1xf32> to vector<2000x1xf32>
    %add3A_19 = arith.addf %get3A_13, %get3A_18 : vector<2000x1xf32>
    %max3A = arith.constant 1.000000e+00 : f32
    %max3A_20 = vector.broadcast %max3A : f32 to vector<2000x1xf32>
    %max3A_21 = arith.maximumf %add3A_19, %max3A_20 : vector<2000x1xf32>
    %div3A = vector.broadcast %max3A_21 : vector<2000x1xf32> to vector<2000x128xf32>
    %div3A_22 = arith.divf %add3A, %div3A : vector<2000x128xf32>
    %get3A_23 = arith.constant 0 : index
    %get3A_24 = arith.constant 0 : index
    %get3A_25 = vector.load %arg3[%get3A_23, %get3A_24] : memref<2000x128xf32, #tpu.memory_space<vmem>>, vector<2000x128xf32>
    %add3A_26 = arith.addf %div3A_22, %get3A_25 : vector<2000x128xf32>
    %max3A_27 = arith.constant 0.000000e+00 : f32
    %max3A_28 = vector.broadcast %max3A_27 : f32 to vector<2000x128xf32>
    %max3A_29 = arith.maximumf %add3A_26, %max3A_28 : vector<2000x128xf32>
    %get3A_30 = arith.constant 0 : index
    %get3A_31 = arith.constant 0 : index
    %get3A_32 = arith.constant 0 : index
    %get3A_33 = vector.load %arg4[%get3A_30, %get3A_31, %get3A_32] : memref<8x128x128xf32, #tpu.memory_space<vmem>>, vector<8x128x128xf32>
    "tpu.trace_start"() <{level = 10 : i32, message = "ni,rio->rno"}> : () -> ()
    %dot_general3A = arith.constant dense<0.000000e+00> : vector<8x128x2000xf32>
    %dot_general3A_34 = tpu.matmul %get3A_33, %max3A_29, %dot_general3A {dimension_numbers = #tpu.dot_dimension_numbers<[1], [1], [0, 2], [0], [0, 0, 0, 2, 1, 0], [], []>, transpose_lhs_hint = false} : vector<8x128x128xf32>, vector<2000x128xf32>, vector<8x128x2000xf32> -> vector<8x128x2000xf32>
    %transpose3A = tpu.transpose %dot_general3A_34, [0, 2, 1] : vector<8x128x2000xf32> -> vector<8x2000x128xf32>
    "tpu.trace_stop"() : () -> ()
    %swap3A = arith.constant 0 : index
    %swap3A_35 = arith.constant 0 : index
    %swap3A_36 = arith.constant 0 : index
    %swap3A_37 = vector.load %arg7[%swap3A, %swap3A_35, %swap3A_36] : memref<8x2000x128xf32, #tpu.memory_space<vmem>>, vector<8x2000x128xf32>
    tpu.vector_store %arg7[%swap3A, %swap3A_35, %swap3A_36], %transpose3A {strides = array<i32>} : memref<8x2000x128xf32, #tpu.memory_space<vmem>>, vector<8x2000x128xf32>,
    %get3A_38 = arith.constant 0 : index
    %get3A_39 = arith.constant 0 : index
    %get3A_40 = vector.load %arg5[%get3A_38, %get3A_39] : memref<128x128xf32, #tpu.memory_space<vmem>>, vector<128x128xf32>
    %dot_general3A_41 = arith.constant dense<0.000000e+00> : vector<2000x128xf32>
    %dot_general3A_42 = tpu.matmul %max3A_29, %get3A_40, %dot_general3A_41 {dimension_numbers = #tpu.dot_dimension_numbers<[1], [0], [0], [1], [0, 0, 1, 1], [], []>, transpose_lhs_hint = false} : vector<2000x128xf32>, vector<128x128xf32>, vector<2000x128xf32> -> vector<2000x128xf32>
    %get3A_43 = arith.constant 0 : index
    %get3A_44 = arith.constant 0 : index
    %get3A_45 = vector.load %arg6[%get3A_43, %get3A_44] : memref<1x128xf32, #tpu.memory_space<vmem>>, vector<1x128xf32>
    %add3A_46 = vector.broadcast %get3A_45 : vector<1x128xf32> to vector<2000x128xf32>
    %add3A_47 = arith.addf %dot_general3A_42, %add3A_46 : vector<2000x128xf32>
    %swap3A_48 = arith.constant 0 : index
    %swap3A_49 = arith.constant 0 : index
    %swap3A_50 = vector.load %arg8[%swap3A_48, %swap3A_49] : memref<2000x128xf32, #tpu.memory_space<vmem>>, vector<2000x128xf32>
    tpu.vector_store %arg8[%swap3A_48, %swap3A_49], %add3A_47 {strides = array<i32>} : memref<2000x128xf32, #tpu.memory_space<vmem>>, vector<2000x128xf32>,
    return
  }
  func.func @transform_0(%arg0: i32) -> (i32, i32, i32) {
    %c0_i32 = arith.constant 0 : i32
    %c0_i32_0 = arith.constant 0 : i32
    %c0_i32_1 = arith.constant 0 : i32
    return %c0_i32, %arg0, %c0_i32_0 : i32, i32, i32
  }
  func.func @transform_1(%arg0: i32) -> (i32, i32, i32) {
    %c0_i32 = arith.constant 0 : i32
    %c0_i32_0 = arith.constant 0 : i32
    %c0_i32_1 = arith.constant 0 : i32
    return %c0_i32, %arg0, %c0_i32_0 : i32, i32, i32
  }
  func.func @transform_2(%arg0: i32) -> (i32, i32) {
    %c0_i32 = arith.constant 0 : i32
    %c0_i32_0 = arith.constant 0 : i32
    return %arg0, %c0_i32 : i32, i32
  }
  func.func @transform_3(%arg0: i32) -> (i32, i32, i32) {
    %c0_i32 = arith.constant 0 : i32
    %c0_i32_0 = arith.constant 0 : i32
    %c0_i32_1 = arith.constant 0 : i32
    %c0_i32_2 = arith.constant 0 : i32
    return %c0_i32, %c0_i32_0, %c0_i32_1 : i32, i32, i32
  }
  func.func @transform_4(%arg0: i32) -> (i32, i32) {
    %c0_i32 = arith.constant 0 : i32
    %c0_i32_0 = arith.constant 0 : i32
    %c0_i32_1 = arith.constant 0 : i32
    return %c0_i32, %c0_i32_0 : i32, i32
  }
  func.func @transform_5(%arg0: i32) -> (i32, i32) {
    %c0_i32 = arith.constant 0 : i32
    %c0_i32_0 = arith.constant 0 : i32
    %c0_i32_1 = arith.constant 0 : i32
    return %c0_i32, %c0_i32_0 : i32, i32
  }
  func.func @transform_6(%arg0: i32) -> (i32, i32, i32) {
    %c0_i32 = arith.constant 0 : i32
    %c0_i32_0 = arith.constant 0 : i32
    %c0_i32_1 = arith.constant 0 : i32
    return %c0_i32, %arg0, %c0_i32_0 : i32, i32, i32
  }
  func.func @transform_7(%arg0: i32) -> (i32, i32) {
    %c0_i32 = arith.constant 0 : i32
    %c0_i32_0 = arith.constant 0 : i32
    return %arg0, %c0_i32 : i32, i32
  }
}

module attributes {stable_mosaic.version = 14 : i64} {
  func.func @_combine_body(%arg0: i32, %arg1: memref<2x2000x128xf32, #tpu.memory_space<vmem>>, %arg2: memref<2x2000x1xf32, #tpu.memory_space<vmem>>, %arg3: memref<2000x128xf32, #tpu.memory_space<vmem>>, %arg4: memref<2000x128xf32, #tpu.memory_space<vmem>>) attributes {dimension_semantics = [#tpu.dimension_semantics<arbitrary>], iteration_bounds = array<i64: 5>, scalar_prefetch = 0 : i64, scratch_operands = 0 : i64, tpu.core_type = #tpu.core_type<tc>, window_params = [{transform_indices = @transform_0, window_bounds = array<i64: 2, 2000, 128>}, {transform_indices = @transform_1, window_bounds = array<i64: 2, 2000, 1>}, {transform_indices = @transform_2, window_bounds = array<i64: 2000, 128>}, {transform_indices = @transform_3, window_bounds = array<i64: 2000, 128>}]} {
    %get3A = arith.constant 0 : index
    %get3A_0 = arith.constant 0 : index
    %get3A_1 = arith.constant 0 : index
    %get3A_2 = vector.load %arg1[%get3A, %get3A_0, %get3A_1] : memref<2x2000x128xf32, #tpu.memory_space<vmem>>, vector<1x2000x128xf32>
    %get3A_3 = vector.shape_cast %get3A_2 : vector<1x2000x128xf32> to vector<2000x128xf32>
    %get3A_4 = arith.constant 1 : index
    %get3A_5 = arith.constant 0 : index
    %get3A_6 = arith.constant 0 : index
    %get3A_7 = vector.load %arg1[%get3A_4, %get3A_5, %get3A_6] : memref<2x2000x128xf32, #tpu.memory_space<vmem>>, vector<1x2000x128xf32>
    %get3A_8 = vector.shape_cast %get3A_7 : vector<1x2000x128xf32> to vector<2000x128xf32>
    %add3A = arith.addf %get3A_3, %get3A_8 : vector<2000x128xf32>
    %get3A_9 = arith.constant 0 : index
    %get3A_10 = arith.constant 0 : index
    %get3A_11 = arith.constant 0 : index
    %get3A_12 = vector.load %arg2[%get3A_9, %get3A_10, %get3A_11] : memref<2x2000x1xf32, #tpu.memory_space<vmem>>, vector<1x2000x1xf32>
    %get3A_13 = vector.shape_cast %get3A_12 : vector<1x2000x1xf32> to vector<2000x1xf32>
    %get3A_14 = arith.constant 1 : index
    %get3A_15 = arith.constant 0 : index
    %get3A_16 = arith.constant 0 : index
    %get3A_17 = vector.load %arg2[%get3A_14, %get3A_15, %get3A_16] : memref<2x2000x1xf32, #tpu.memory_space<vmem>>, vector<1x2000x1xf32>
    %get3A_18 = vector.shape_cast %get3A_17 : vector<1x2000x1xf32> to vector<2000x1xf32>
    %add3A_19 = arith.addf %get3A_13, %get3A_18 : vector<2000x1xf32>
    %max3A = arith.constant 1.000000e+00 : f32
    %max3A_20 = vector.broadcast %max3A : f32 to vector<2000x1xf32>
    %max3A_21 = arith.maximumf %add3A_19, %max3A_20 : vector<2000x1xf32>
    %div3A = vector.broadcast %max3A_21 : vector<2000x1xf32> to vector<2000x128xf32>
    %div3A_22 = arith.divf %add3A, %div3A : vector<2000x128xf32>
    %get3A_23 = arith.constant 0 : index
    %get3A_24 = arith.constant 0 : index
    %get3A_25 = vector.load %arg3[%get3A_23, %get3A_24] : memref<2000x128xf32, #tpu.memory_space<vmem>>, vector<2000x128xf32>
    %add3A_26 = arith.addf %div3A_22, %get3A_25 : vector<2000x128xf32>
    %swap3A = arith.constant 0 : index
    %swap3A_27 = arith.constant 0 : index
    %swap3A_28 = vector.load %arg4[%swap3A, %swap3A_27] : memref<2000x128xf32, #tpu.memory_space<vmem>>, vector<2000x128xf32>
    tpu.vector_store %arg4[%swap3A, %swap3A_27], %add3A_26 {strides = array<i32>} : memref<2000x128xf32, #tpu.memory_space<vmem>>, vector<2000x128xf32>,
    return
  }
  func.func @transform_0(%arg0: i32) -> (i32, i32, i32) {
    %c0_i32 = arith.constant 0 : i32
    %c0_i32_0 = arith.constant 0 : i32
    %c0_i32_1 = arith.constant 0 : i32
    return %c0_i32, %arg0, %c0_i32_0 : i32, i32, i32
  }
  func.func @transform_1(%arg0: i32) -> (i32, i32, i32) {
    %c0_i32 = arith.constant 0 : i32
    %c0_i32_0 = arith.constant 0 : i32
    %c0_i32_1 = arith.constant 0 : i32
    return %c0_i32, %arg0, %c0_i32_0 : i32, i32, i32
  }
  func.func @transform_2(%arg0: i32) -> (i32, i32) {
    %c0_i32 = arith.constant 0 : i32
    %c0_i32_0 = arith.constant 0 : i32
    return %arg0, %c0_i32 : i32, i32
  }
  func.func @transform_3(%arg0: i32) -> (i32, i32) {
    %c0_i32 = arith.constant 0 : i32
    %c0_i32_0 = arith.constant 0 : i32
    return %arg0, %c0_i32 : i32, i32
  }
}

</mosaic_0001>

<sc_bundles>
// kernel: kernel.11.cloned.1.call-start
scs
__scs_entry_jumppad:
0x0: {  	(pc) =	sbr.rel $0x88, $3  }
0x1: {  	(tag) =	ssettag $0x0;
	lr =	simm.s32 $0x1  }
0x2: {  	[smem:$0x3F92] =	sst lr;
	_ =	strace $0xD0000000  }
0x3: {  	_ = 	snop  }
0x4: {  	_ = 	snop  }
0x5: {  	_ = 	snop  }
0x6: {  	_ = 	snop  }
0x7: {  	_ = 	snop  }
__scs_overlays_trampoline_lowered:
0x8: {  	[smem:$0x3FA1] =	sst s0  }
0x9: {  	[smem:$0x3FA2] =	sst s1  }
0xa: {  	[smem:$0x3FA3] =	sst s2  }
0xb: {  	[smem:$0x3FA4] =	sst s3  }
0xc: {  	[smem:$0x3FA5] =	sst s4  }
0xd: {  	[smem:$0x3FA6] =	sst s5  }
0xe: {  	[smem:$0x3FA7] =	sst s6  }
0xf: {  	[smem:$0x3FA8] =	sst s7  }
0x10: {  	[smem:$0x3FA9] =	sst s8  }
0x11: {  	[smem:$0x3FAA] =	sst s9;
	s0 =	simm.s32 @!p0 $0x0  }
0x12: {  	s1 =	sld [smem:$0x3F90];
	s0 =	simm.s32 @p0 $0x1  }
0x13: {  	[smem:$0x3FAB] =	sst s0;
	s0 =	simm.s32 @!p1 $0x0  }
0x14: {  	s2 =	sld [smem:$0x3F8F];
	s0 =	simm.s32 @p1 $0x1  }
0x15: {  	[smem:$0x3FAC] =	sst s0;
	s0 =	simm.s32 @!p2 $0x0  }
0x16: {  	s3 =	sld [smem:$0x3FDB];
	s0 =	simm.s32 @p2 $0x1  }
0x17: {  	s4 =	simm.s32 $0x1BF5;
	[smem:$0x3FAE] =	sst s0  }
0x18: {  	s0 =	sld [smem:$0x3F91];
	_ =	swait.ge [sflag:s4], $0x0  }
0x19: {  	s7 =	sld [smem:$0x3F92]  }
0x1a: {  	s8 =	sadd.s32 $0xFFFFE003, lr  }
0x1b: {  	s9 =	sadd.s32 $0xFFFFFEF7, lr;
	s5 =	simm.s32 $0xFFFFFFFF;
	p2 =	slt.u32 s8, $0xFFFFF086  }
0x1c: {  	p1 =	slt.u32 s9, $0xF7A;
	s5 =	simm.s32 @!p2 $0x0  }
0x1d: {  	s5 =	simm.s32 @p1 $0x1;
	p0 =	seq.s32 s7, s2  }
0x1e: {  	s7 =	smul.u32 @!p0 $0xF7A, s2;
	p2 =	seq.s32 @!p0 s5, $0x0  }
0x1f: {  	s9 =	smul.u32 $0xF7A, s1;
	s8 =	simm.s32 @!p0 $0x1BF5;
	p2 =	por !p2, p0  }
0x20: {  	[sflag:s8] =	ssyncset.s32 @!p0 $0xFFFFF086;
	s6 =	sadd.s32 @!p0 s3, s7;
	s7 =	simm.s32 @!p0 $0x108  }
0x21: {  	s3 =	sadd.s32 s3, s9;
	s6 =	sadd.s32 @!p0 $0x88, s6;
	s7 =	simm.s32 @p2 $0x1082  }
0x22: {  	[simem:s7], [sflag:s8] =	dma.local @!p0 [hbm:s6], $0xF7A  }
0x23: {  	s9 =	sor.u32 $0xD0000000, s2;
	s6 =	simm.s32 $0x108;
	_ =	swait.ge @!p0 [sflag:s8], $0x0  }
0x24: {  	s3 =	sadd.s32 $0x88, s3;
	s6 =	simm.s32 @!p1 $0x1082;
	[sflag:s4] =	ssyncset.s32 $0xFFFFF086  }
0x25: {  	[simem:s6], [sflag:s4] =	dma.local [hbm:s3], $0xF7A  }
0x26: {  	[smem:$0x3F92] =	sst s1;
	(tag) =	ssettag s2;
	_ =	strace s9  }
0x27: {  	s1 =	sld [smem:$0x3FA2]  }
0x28: {  	s2 =	sld [smem:$0x3FA3]  }
0x29: {  	s4 =	sld [smem:$0x3FA5]  }
0x2a: {  	p0 =	seq.s32 s5, $0x0;
	s5 =	sld [smem:$0x3FA6]  }
0x2b: {  	s6 =	sld [smem:$0x3FA7]  }
0x2c: {  	s7 =	sld [smem:$0x3FA8]  }
0x2d: {  	s3 =	simm.s32 $0x108;
	s8 =	sld [smem:$0x3FA9]  }
0x2e: {  	s3 =	simm.s32 @!p0 $0x1082;
	s9 =	sld [smem:$0x3FAA]  }
0x2f: {  	lr =	sadd.s32 s0, s3;
	s0 =	sld [smem:$0x3FA1]  }
0x30: {  	s3 =	sld [smem:$0x3FA4]  }
0x31: {  	[smem:$0x3FAD] =	sst s10  }
0x32: {  	s10 =	sld [smem:$0x3FAB];
	_ =	sdelay $0x3  }
0x33: {  	p0 =	seq.s32 s10, $0x1;
	s10 =	sld [smem:$0x3FAD];
	_ =	sdelay $0x3  }
0x34: {  	[smem:$0x3FAD] =	sst s10  }
0x35: {  	s10 =	sld [smem:$0x3FAC];
	_ =	sdelay $0x3  }
0x36: {  	p1 =	seq.s32 s10, $0x1;
	s10 =	sld [smem:$0x3FAD];
	_ =	sdelay $0x3  }
0x37: {  	[smem:$0x3FAD] =	sst s10  }
0x38: {  	s10 =	sld [smem:$0x3FAE]  }
0x39: {  	_ = 	snop;
	(pc) =	sbr.ind lr, $3  }
0x3a: {  	_ = 	snop  }
0x3b: {  	_ = 	snop  }
0x3c: {  	p2 =	seq.s32 s10, $0x1;
	s10 =	sld [smem:$0x3FAD]  }
0x3d: {  	_ =	shalt  }
0x3e: {  	_ =	shalt  }
0x3f: {  	_ =	shalt  }
0x40: {  	_ =	shalt  }
0x41: {  	_ =	shalt  }
0x42: {  	_ =	shalt  }
0x43: {  	_ =	shalt  }
0x44: {  	_ =	shalt  }
0x45: {  	_ =	shalt  }
0x46: {  	_ =	shalt  }
0x47: {  	_ =	shalt  }
0x48: {  	_ =	shalt  }
0x49: {  	_ =	shalt  }
0x4a: {  	_ =	shalt  }
0x4b: {  	_ =	shalt  }
0x4c: {  	_ =	shalt  }
0x4d: {  	_ =	shalt  }
0x4e: {  	_ =	shalt  }
0x4f: {  	_ =	shalt  }
0x50: {  	_ =	shalt  }
0x51: {  	_ =	shalt  }
0x52: {  	_ =	shalt  }
0x53: {  	_ =	shalt  }
0x54: {  	_ =	shalt  }
0x55: {  	_ =	shalt  }
0x56: {  	_ =	shalt  }
0x57: {  	_ =	shalt  }
0x58: {  	_ =	shalt  }
0x59: {  	_ =	shalt  }
0x5a: {  	_ =	shalt  }
0x5b: {  	_ =	shalt  }
0x5c: {  	_ =	shalt  }
0x5d: {  	_ =	shalt  }
0x5e: {  	_ =	shalt  }
0x5f: {  	_ =	shalt  }
0x60: {  	_ =	shalt  }
0x61: {  	_ =	shalt  }
0x62: {  	_ =	shalt  }
0x63: {  	_ =	shalt  }
0x64: {  	_ =	shalt  }
0x65: {  	_ =	shalt  }
0x66: {  	_ =	shalt  }
0x67: {  	_ =	shalt  }
0x68: {  	_ =	shalt  }
0x69: {  	_ =	shalt  }
0x6a: {  	_ =	shalt  }
0x6b: {  	_ =	shalt  }
0x6c: {  	_ =	shalt  }
0x6d: {  	_ =	shalt  }
0x6e: {  	_ =	shalt  }
0x6f: {  	_ =	shalt  }
0x70: {  	_ =	shalt  }
0x71: {  	_ =	shalt  }
0x72: {  	_ =	shalt  }
0x73: {  	_ =	shalt  }
0x74: {  	_ =	shalt  }
0x75: {  	_ =	shalt  }
0x76: {  	_ =	shalt  }
0x77: {  	_ =	shalt  }
0x78: {  	_ =	shalt  }
0x79: {  	_ =	shalt  }
0x7a: {  	_ =	shalt  }
0x7b: {  	_ =	shalt  }
0x7c: {  	_ =	shalt  }
0x7d: {  	_ =	shalt  }
0x7e: {  	_ =	shalt  }
0x7f: {  	_ =	shalt  }
0x80: {  	_ =	shalt  }
0x81: {  	_ =	shalt  }
0x82: {  	_ =	shalt  }
0x83: {  	_ =	shalt  }
0x84: {  	_ =	shalt  }
0x85: {  	_ =	shalt  }
0x86: {  	_ =	shalt  }
0x87: {  	_ =	shalt  }
.Lfunc_end0:
.L_simem_size_0:
called_computation_lowered:
.L_overlay_start_0:
0x88: {  	s2 =	sld [smem:$0x3FD9]  }
0x89: {  	s3 =	sld [smem:$0x3FFE];
	_ =	sdelay $0x1  }
0x8a: {  	s1 =	srdreg.scid  }
0x8b: {  	s0 =	sand.u32 $0x1, s1  }
0x8c: {  	s17 =	sshll.u32 s0, $0xA;
	s2 =	sadd.s32 s3, s2  }
0x8d: {  	s2 =	sadd.s32 s2, s17  }
0x8e: {  	[smem:$0x3FB9] =	sst s2  }
0x8f: {  	_ = 	snop  }
0x90: {  	s2 =	sld [smem:$0x3FD0];
	(tm) =	ssettm $0x1  }
0x91: {  	s18 =	sld [smem:$0x3FFB];
	_ =	sdelay $0x3  }
0x92: {  	_ =	strace s18  }
0x93: {  	s3 =	sld [smem:$0x3FFC];
	_ =	sdelay $0x3  }
0x94: {  	_ =	strace s3  }
0x95: {  	s3 =	sld [smem:$0x3FFD];
	_ =	sdelay $0x3  }
0x96: {  	_ =	strace s3  }
0x97: {  	_ =	strace $0x8FFFFFFF  }
0x98: {  	s19 =	sld [smem:$0x3FDB];
	_ =	sdelay $0x1  }
0x99: {  	s4 =	simm.s32 $_scs_section_size  }
0x9a: {  	s5 =	simm.s32 $_size__tile_overlayer_lowered;
	s6 =	simm.s32 $_tile_overlayer_lowered  }
0x9b: {  	s22 =	simm.s32 $0x1BFF;
	s21 =	sshll.u32 s6, $0x1;
	s3 =	sadd.s32 s4, s19  }
0x9c: {  	s7 =	simm.s32 $0x0;
	s20 =	sshll.u32 s5, $0x1;
	s5 =	sadd.s32 s21, s3  }
0x9d: {  	[timem:s7], [sflag:s22] =	dma.local [hbm:s5], s20  }
0x9e: {  	_ =	swait.ge [sflag:s22], s20  }
0x9f: {  	s4 =	ssub.s32 $0x0, s20;
	[sflag:s22] =	ssyncset.done $0x0  }
0xa0: {  	[sflag:s22] =	ssyncadd.s32 s4;
	_ =	sdelay $0x1  }
0xa1: {  	s23 =	simm.s32 $0x1B8B  }
0xa2: {  	_ =	swait.ge [sflag:s23], $0x1  }
0xa3: {  	[sflag:s23] =	ssyncset.done $0x0  }
0xa4: {  	s25 =	simm.s32 $0x1B8E;
	s24 =	sld [smem:$0x3FFE];
	[sflag:s23] =	ssyncadd.s32 $0xFFFFFFFF  }
0xa5: {  	s26 =	simm.s32 $execute0_lowered;
	[smem:$0x3FD2] =	sst s25  }
0xa6: {  	s5 =	sshll.u32 s26, $0x1;
	_ =	strace $0x80000046;
	[dreg:$0x1] =	wrdreg $0xFFFFFFFF  }
0xa7: {  	s28 =	simm.s32 $_size_execute0_lowered;
	s3 =	sadd.s32 s3, s5;
	[dreg:$0x0] =	wrdreg $0x0  }
0xa8: {  	s5 =	sshll.u32 s28, $0x1;
	[dreg:$0x2] =	wrdreg s3  }
0xa9: {  	[dreg:$0x3] =	wrdreg s5  }
0xaa: {  	[dreg:$0x4] =	wrdreg $0xC0  }
0xab: {  	_ =	task [dreg:s7], $0x5FFFF  }
0xac: {  	[dreg:$0x1] =	wrdreg $0xFFFFFFFF  }
0xad: {  	[dreg:$0x0] =	wrdreg $0x60  }
0xae: {  	[dreg:$0x2] =	wrdreg s2  }
0xaf: {  	[dreg:$0x3] =	wrdreg s24  }
0xb0: {  	[dreg:$0x4] =	wrdreg $0xAD000  }
0xb1: {  	[dreg:$0x5] =	wrdreg $0x1ED000  }
0xb2: {  	[dreg:$0x6] =	wrdreg $0x9  }
0xb3: {  	_ =	task.clear_ibuf [dreg:s7], $0x7FFFF;
	_ =	strace $0x90000046  }
0xb4: {  	s29 =	simm.s32 $0x9;
	_ =	strace $0x80000048  }
0xb5: {  	_ =	swait.ge [sflag:s29], $0x1  }
0xb6: {  	[sflag:s29] =	ssyncadd.s32 $0xFFFFFFFF  }
0xb7: {  	_ =	strace $0x90000048  }
0xb8: {  	_ =	sfence  }
0xb9: {  	s30 =	sld [smem:$0x0];
	_ =	sdelay $0x2  }
0xba: {  	s31 =	sshll.u32 s1, $0xD;
	s1 =	sshrl.u32 s1, $0x2  }
0xbb: {  	s3 =	sand.u32 $0x4000, s31;
	s1 =	sadd.s32 s1, s30  }
0xbc: {  	s0 =	sor.u32 s3, s0;
	s1 =	sshll.u32 s1, $0x11  }
0xbd: {  	s0 =	sor.u32 s1, s0  }
0xbe: {  	s0 =	sadd.s32 $0x8F2B, s0  }
0xbf: {  	[sflag:s0] =	ssyncadd.remote.s32 $0x1  }
0xc0: {  	_ =	sfence.sel $0xFFFF  }
0xc1: {  	[dreg:$0x0] =	wrdreg $0xFFFFFFFF;
	(pc) =	sbr.abs _section_cstart, $3  }
0xc2: {  	[dreg:$0x1] =	wrdreg $0xFFFFFFFF  }
0xc3: {  	_ =	task.clear_ibuf [dreg:s7], $0x2FFFF;
	_ =	strace $0x9FFFFFFF  }
0xc4: {  	(tm) =	ssettm $0x7FFFFFFF  }
0xc5: {  	_ =	shalt  }
tec
execute0_lowered:
.L_overlay_start_1:
0x0: {  	(tag) =	ssettag $0x1  }
0x1: {  	s0 =	rddreg [dreg:$0x0]  }
0x2: {  	s4 =	rddreg [dreg:$0x1]  }
0x3: {  	s1 =	rddreg [dreg:$0x2];
	s21 =	stileid.u32  }
0x4: {  	s2 =	rddreg [dreg:$0x3];
	s8 =	smul.u32 $0x14000, s21  }
0x5: {  	s5 =	simm.s32 $0x0;
	s3 =	srdreg.scid;
	s9 =	smul.u32 $0x500, s21  }
0x6: {  	s17 =	simm.s32 $0x7;
	s18 =	simm.s32 $0x2A00;
	s11 =	smul.u32 $0x50000, s21  }
0x7: {  	[smem:$0x7FF] =	sst s5;
	s6 =	sand.u32 $0x1, s3;
	s30 =	smul.u32 $0xA00, s21  }
0x8: {  	s5 =	sadd.s32 $0x3200, s4;
	s10 =	sshll.u32 s21, $0x1;
	s7 =	smul.u32 $0x140000, s6  }
0x9: {  	s22 =	sshll.u32 s6, $0x7;
	s10 =	sor.u32 s6, s10;
	s6 =	ssub.s32 $0x2, s6  }
0xa: {  	_ =	strace $0x80000047;
	s23 =	smul.u32 $0x2800, s10;
	s25 =	sshrl.u32 s6, $0x1  }
0xb: {  	s29 =	sshrl.u32 s11, $0x2;
	s31 =	sshrl.u32 s30, $0x2;
	s7 =	sadd.s32 s8, s7  }
0xc: {  	s8 =	sor.u32 s22, s9;
	s16 =	ssub.s32 s6, s25;
	s13 =	sadd.s32 s31, s2  }
0xd: {  	s25 =	simm.s32 $0x0;
	s7 =	sshrl.u32 s7, $0x3;
	s24 =	sshrl.u32 s8, $0x3  }
0xe: {  	s10 =	ssub.s32 $0x4E200, s23;
	s28 =	sshrl.u32 s23, $0x3;
	s8 =	sadd.s32 s29, s1  }
0xf: {  	s16 =	smax.u32 s16, $0x1;
	s14 =	sadd.s32 s7, s4;
	s4 =	sadd.s32 s24, s4  }
0x10: {  	s26 =	sshrl.u32 s10, $0x7;
	s9 =	sadd.s32 $0x4000, s8;
	s10 =	sadd.s32 $0x8000, s8  }
0x11: {  	s11 =	sadd.s32 $0xC000, s8;
	s12 =	sadd.s32 $0x10000, s8;
	s6 =	smin.u32 s26, $0x50  }
0x12: {  	v0 =	vimm.f32 $0.0e+00;
	v1 =	vimm.f32 $1.000000000e+00;
	s7 =	sadd.s32 s0, s28;
	s14 =	sadd.s32 $0x13C400, s14;
	s15 =	sadd.s32 $0x13BA00, s4  }
.LBB2_1:
0x13: {  	s0 =	simm.s32 $0x0  }
0x14: {  	[tilespmem:s0], [sflag:$0x7] =	stream.linear.gather [hbm4b:s7+s0], $0x2800, $0x38;
	[tilespmem:$0x1EF80] =	vst v63  }
0x15: {  	_ =	swait.ge [sflag:s17], $0x2800  }
0x16: {  	[sflag:s17] =	ssyncset.done $0x0  }
0x17: {  	s4 =	simm.s32 $0x200;
	s0 =	simm.s32 $0x0;
	[sflag:s17] =	ssyncadd.s32 $0xFFFFD800  }
.LBB2_2:
0x18: {  	p0 =	sne.s32 s4, $0xFE00;
	[tilespmem:s0+$0x2A70] =	vst v0  }
0x19: {  	[tilespmem:s0+$0x2A00] =	vst v0  }
0x1a: {  	[tilespmem:s0+$0x2A10] =	vst v0  }
.Ltmp0:
0x1b: {  	[tilespmem:s0+$0x2A20] =	vst v0;
	(pc) =	sbr.rel @p0 .LBB2_2-.Ltmp0, $4  }
0x1c: {  	[tilespmem:s0+$0x2A30] =	vst v0  }
0x1d: {  	[tilespmem:s0+$0x2A40] =	vst v0  }
0x1e: {  	[tilespmem:s0+$0x2A50] =	vst v0  }
0x1f: {  	[tilespmem:s0+$0x2A60] =	vst v0;
	s0 =	sshra.s32 s4, $0x2;
	s4 =	sadd.s32 $0x200, s4  }
0x20: {  	[tilespmem:s0+$0x2A70] =	vst v0  }
0x21: {  	[tilespmem:s0+$0x2A00] =	vst v0  }
0x22: {  	[tilespmem:s0+$0x2A10] =	vst v0  }
0x23: {  	[tilespmem:s0+$0x2A20] =	vst v0  }
0x24: {  	[tilespmem:s0+$0x2A30] =	vst v0  }
0x25: {  	[tilespmem:s0+$0x2A40] =	vst v0  }
0x26: {  	[tilespmem:s0+$0x2A50] =	vst v0  }
0x27: {  	[tilespmem:s0+$0x2A60] =	vst v0  }
0x28: {  	[tilespmem:$0xAA00] =	vst v1  }
0x29: {  	[tilespmem:$0xAA10] =	vst v1  }
0x2a: {  	[tilespmem:$0xAA20] =	vst v1  }
0x2b: {  	[tilespmem:$0xAA30] =	vst v1  }
0x2c: {  	[tilespmem:$0xAA40] =	vst v1  }
0x2d: {  	[tilespmem:$0xAA50] =	vst v1  }
0x2e: {  	[tilespmem:$0xAA60] =	vst v1  }
0x2f: {  	[tilespmem:$0xAA70] =	vst v1  }
0x30: {  	[tilespmem:$0xAA80] =	vst v0  }
0x31: {  	[tilespmem:$0xAA90] =	vst v0  }
0x32: {  	[tilespmem:$0xAAA0] =	vst v0  }
0x33: {  	[tilespmem:$0xAAB0] =	vst v0  }
0x34: {  	[tilespmem:$0xAAC0] =	vst v0  }
0x35: {  	[tilespmem:$0xAAD0] =	vst v0  }
0x36: {  	[tilespmem:$0xAAE0] =	vst v0  }
0x37: {  	[tilespmem:$0xAAF0] =	vst v0  }
0x38: {  	[tilespmem:$0xAB00] =	vst v0  }
0x39: {  	[tilespmem:$0xAB10] =	vst v0  }
0x3a: {  	[tilespmem:$0xAB20] =	vst v0  }
0x3b: {  	[tilespmem:$0xAB30] =	vst v0  }
0x3c: {  	[tilespmem:$0xAB40] =	vst v0  }
0x3d: {  	[tilespmem:$0xAB50] =	vst v0  }
0x3e: {  	[tilespmem:$0xAB60] =	vst v0  }
0x3f: {  	[tilespmem:$0xAB70] =	vst v0  }
0x40: {  	[tilespmem:$0xAB80] =	vst v0  }
0x41: {  	[tilespmem:$0xAB90] =	vst v0  }
0x42: {  	[tilespmem:$0xABA0] =	vst v0  }
0x43: {  	[tilespmem:$0xABB0] =	vst v0  }
0x44: {  	[tilespmem:$0xABC0] =	vst v0  }
0x45: {  	[tilespmem:$0xABD0] =	vst v0  }
0x46: {  	[tilespmem:$0xABE0] =	vst v0  }
0x47: {  	[tilespmem:$0xABF0] =	vst v0  }
0x48: {  	[tilespmem:$0xAC00] =	vst v0  }
0x49: {  	[tilespmem:$0xAC10] =	vst v0  }
0x4a: {  	[tilespmem:$0xAC20] =	vst v0  }
0x4b: {  	[tilespmem:$0xAC30] =	vst v0  }
0x4c: {  	[tilespmem:$0xAC40] =	vst v0  }
0x4d: {  	[tilespmem:$0xAC50] =	vst v0  }
0x4e: {  	[tilespmem:$0xAC60] =	vst v0  }
0x4f: {  	[tilespmem:$0xAC70] =	vst v0  }
0x50: {  	[tilespmem:$0xAC80] =	vst v0  }
0x51: {  	[tilespmem:$0xAC90] =	vst v0  }
0x52: {  	[tilespmem:$0xACA0] =	vst v0  }
0x53: {  	[tilespmem:$0xACB0] =	vst v0  }
0x54: {  	[tilespmem:$0xACC0] =	vst v0  }
0x55: {  	[tilespmem:$0xACD0] =	vst v0  }
0x56: {  	[tilespmem:$0xACE0] =	vst v0  }
0x57: {  	[tilespmem:$0xACF0] =	vst v0  }
0x58: {  	[spmem:s8] =	stream.linear.scatter [tilespmem:s18], [sflag:$0x7], $0x4000, $0x38;
	[tilespmem:$0x1EF80] =	vst v63  }
0x59: {  	_ =	swait.ge [sflag:s17], $0x4000  }
0x5a: {  	[sflag:s17] =	ssyncset.done $0x0  }
0x5b: {  	[sflag:s17] =	ssyncadd.s32 $0xFFFFC000  }
0x5c: {  	[spmem:s9] =	stream.linear.scatter [tilespmem:s18], [sflag:$0x7], $0x4000, $0x38;
	[tilespmem:$0x1EF80] =	vst v63  }
0x5d: {  	_ =	swait.ge [sflag:s17], $0x4000  }
0x5e: {  	[sflag:s17] =	ssyncset.done $0x0  }
0x5f: {  	[sflag:s17] =	ssyncadd.s32 $0xFFFFC000  }
0x60: {  	[spmem:s10] =	stream.linear.scatter [tilespmem:s18], [sflag:$0x7], $0x4000, $0x38;
	[tilespmem:$0x1EF80] =	vst v63  }
0x61: {  	_ =	swait.ge [sflag:s17], $0x4000  }
0x62: {  	[sflag:s17] =	ssyncset.done $0x0  }
0x63: {  	[sflag:s17] =	ssyncadd.s32 $0xFFFFC000  }
0x64: {  	[spmem:s11] =	stream.linear.scatter [tilespmem:s18], [sflag:$0x7], $0x4000, $0x38;
	[tilespmem:$0x1EF80] =	vst v63  }
0x65: {  	_ =	swait.ge [sflag:s17], $0x4000  }
0x66: {  	[sflag:s17] =	ssyncset.done $0x0  }
0x67: {  	[sflag:s17] =	ssyncadd.s32 $0xFFFFC000  }
0x68: {  	[spmem:s12] =	stream.linear.scatter [tilespmem:s18], [sflag:$0x7], $0x4000, $0x38;
	[tilespmem:$0x1EF80] =	vst v63  }
0x69: {  	_ =	swait.ge [sflag:s17], $0x4000  }
0x6a: {  	[sflag:s17] =	ssyncset.done $0x0  }
0x6b: {  	s26 =	simm.s32 $0xAA80;
	[sflag:s17] =	ssyncadd.s32 $0xFFFFC000  }
0x6c: {  	[spmem:s13] =	stream.linear.scatter [tilespmem:s26], [sflag:$0x7], $0x280, $0x38;
	[tilespmem:$0x1EF80] =	vst v63  }
0x6d: {  	_ =	swait.ge [sflag:s17], $0x280  }
0x6e: {  	[sflag:s17] =	ssyncset.done $0x0  }
0x6f: {  	[sflag:s17] =	ssyncadd.s32 $0xFFFFFD80  }
0x70: {  	v2 =	vld [tilespmem:$0x0];
	_ =	sdelay $0x1  }
0x71: {  	v3 =	vld [tilespmem:$0x10];
	_ =	sdelay $0x1  }
0x72: {  	v4 =	vld [tilespmem:$0x20]  }
0x73: {  	v5 =	vand.u32 $0x1FFFF, v2  }
0x74: {  	v2 =	vshra.s32 v2, $0x11;
	[tilespmem:$0x2800] =	vst v5;
	v5 =	vld [tilespmem:$0x30]  }
0x75: {  	[tilespmem:$0x2900] =	vst v2;
	v2 =	vand.u32 $0x1FFFF, v3  }
0x76: {  	[tilespmem:$0x2810] =	vst v2;
	v2 =	vshra.s32 v3, $0x11;
	v3 =	vld [tilespmem:$0x40]  }
0x77: {  	[tilespmem:$0x2910] =	vst v2;
	v2 =	vand.u32 $0x1FFFF, v4  }
0x78: {  	[tilespmem:$0x2820] =	vst v2;
	v2 =	vshra.s32 v4, $0x11;
	v4 =	vld [tilespmem:$0x50]  }
0x79: {  	[tilespmem:$0x2920] =	vst v2;
	v2 =	vand.u32 $0x1FFFF, v5  }
0x7a: {  	[tilespmem:$0x2830] =	vst v2;
	v2 =	vshra.s32 v5, $0x11;
	v5 =	vld [tilespmem:$0x60]  }
0x7b: {  	[tilespmem:$0x2930] =	vst v2;
	v2 =	vand.u32 $0x1FFFF, v3  }
0x7c: {  	[tilespmem:$0x2840] =	vst v2;
	v2 =	vshra.s32 v3, $0x11;
	v3 =	vld [tilespmem:$0x70]  }
0x7d: {  	[tilespmem:$0x2940] =	vst v2;
	v2 =	vand.u32 $0x1FFFF, v4  }
0x7e: {  	[tilespmem:$0x2850] =	vst v2;
	v2 =	vshra.s32 v4, $0x11  }
0x7f: {  	[tilespmem:$0x2950] =	vst v2;
	v2 =	vand.u32 $0x1FFFF, v5  }
0x80: {  	[tilespmem:$0x2860] =	vst v2;
	v2 =	vshra.s32 v5, $0x11  }
0x81: {  	[tilespmem:$0x2960] =	vst v2;
	v2 =	vand.u32 $0x1FFFF, v3  }
0x82: {  	[tilespmem:$0x2870] =	vst v2;
	v2 =	vshra.s32 v3, $0x11  }
0x83: {  	s30 =	simm.s32 $0x80;
	s3 =	simm.s32 $0x2800;
	[tilespmem:$0x2970] =	vst v2  }
0x84: {  	[tilespmem:s18], [sflag:$0x1] =	stream.indirect.gather [hbm4b:s5+s30], $0x80, s3, s30, $0xb8;
	[tilespmem:$0x1EF80] =	vst v63  }
0x85: {  	p0 =	sle.u32 s6, $0x1;
	s26 =	simm.s32 $0xC0;
	[bflag:$0x0] =	sbarrier.arrive $0xFFFF  }
0x86: {  	v2 =	vld @!p0 [tilespmem:s26+$0xFFFFFFC0];
	_ =	sdelay $0x4  }
0x87: {  	v3 =	vand.u32 @!p0 $0x1FFFF, v2  }
0x88: {  	v2 =	vshra.s32 @!p0 v2, $0x11;
	[tilespmem:$0x2880] =	vst @!p0 v3  }
0x89: {  	[tilespmem:$0x2980] =	vst @!p0 v2  }
0x8a: {  	v2 =	vld @!p0 [tilespmem:s26+$0xFFFFFFD0];
	_ =	sdelay $0x4  }
0x8b: {  	v3 =	vand.u32 @!p0 $0x1FFFF, v2  }
0x8c: {  	v2 =	vshra.s32 @!p0 v2, $0x11;
	[tilespmem:$0x2890] =	vst @!p0 v3  }
0x8d: {  	[tilespmem:$0x2990] =	vst @!p0 v2  }
0x8e: {  	v2 =	vld @!p0 [tilespmem:s26+$0xFFFFFFE0];
	_ =	sdelay $0x4  }
0x8f: {  	v3 =	vand.u32 @!p0 $0x1FFFF, v2  }
0x90: {  	v2 =	vshra.s32 @!p0 v2, $0x11;
	[tilespmem:$0x28A0] =	vst @!p0 v3  }
0x91: {  	[tilespmem:$0x29A0] =	vst @!p0 v2  }
0x92: {  	v2 =	vld @!p0 [tilespmem:s26+$0xFFFFFFF0];
	_ =	sdelay $0x4  }
0x93: {  	v3 =	vand.u32 @!p0 $0x1FFFF, v2  }
0x94: {  	v2 =	vshra.s32 @!p0 v2, $0x11;
	[tilespmem:$0x28B0] =	vst @!p0 v3  }
0x95: {  	[tilespmem:$0x29B0] =	vst @!p0 v2  }
0x96: {  	v2 =	vld @!p0 [tilespmem:s26+$0x0];
	_ =	sdelay $0x4  }
0x97: {  	v3 =	vand.u32 @!p0 $0x1FFFF, v2  }
0x98: {  	v2 =	vshra.s32 @!p0 v2, $0x11;
	[tilespmem:$0x28C0] =	vst @!p0 v3  }
0x99: {  	[tilespmem:$0x29C0] =	vst @!p0 v2  }
0x9a: {  	v2 =	vld @!p0 [tilespmem:s26+$0x10];
	_ =	sdelay $0x4  }
0x9b: {  	v3 =	vand.u32 @!p0 $0x1FFFF, v2  }
0x9c: {  	v2 =	vshra.s32 @!p0 v2, $0x11;
	[tilespmem:$0x28D0] =	vst @!p0 v3  }
0x9d: {  	[tilespmem:$0x29D0] =	vst @!p0 v2  }
0x9e: {  	v2 =	vld @!p0 [tilespmem:s26+$0x20];
	_ =	sdelay $0x4  }
0x9f: {  	v3 =	vand.u32 @!p0 $0x1FFFF, v2  }
0xa0: {  	v2 =	vshra.s32 @!p0 v2, $0x11;
	[tilespmem:$0x28E0] =	vst @!p0 v3  }
0xa1: {  	[tilespmem:$0x29E0] =	vst @!p0 v2  }
0xa2: {  	v2 =	vld @!p0 [tilespmem:s26+$0x30];
	_ =	sdelay $0x4  }
0xa3: {  	v3 =	vand.u32 @!p0 $0x1FFFF, v2  }
0xa4: {  	p1 =	sle.u32 s6, $0x0;
	s0 =	simm.s32 @!p0 $0x80;
	v2 =	vshra.s32 @!p0 v2, $0x11;
	[tilespmem:$0x28F0] =	vst @!p0 v3  }
0xa5: {  	s4 =	simm.s32 @!p0 $0x2880;
	s19 =	simm.s32 @!p1 $0x1;
	s20 =	simm.s32 @!p0 $0x6A00;
	[tilespmem:$0x29F0] =	vst @!p0 v2  }
0xa6: {  	[tilespmem:s20], [sflag:$0x2] =	stream.indirect.gather @!p0 [hbm4b:s5+s0], $0x80, s4, s0, $0xb8;
	[tilespmem:$0x1EF80] =	vst v63  }
0xa7: {  	_ =	swait.ge @!p1 [sflag:s19], $0x4000  }
0xa8: {  	s28 =	simm.s32 @!p1 $0x2900;
	[sflag:s19] =	ssyncset.done @!p1 $0x0  }
0xa9: {  	s29 =	simm.s32 @!p1 $0x2A00;
	s4 =	simm.s32 @!p1 $0x80;
	[sflag:s19] =	ssyncadd.s32 @!p1 $0xFFFFC000  }
0xaa: {  	[spmem:s1] =	stream.indirect.scatter.add.f32 @!p1 [tilespmem:s29], [sflag:$0x3], $0x80, s28, s4, $0xb8;
	[tilespmem:$0x1EF80] =	vst v63  }
0xab: {  	s19 =	simm.s32 @!p1 $0xAA00;
	s29 =	simm.s32 @!p0 $0x2  }
0xac: {  	[spmem:s2] =	stream.indirect.scatter.add.f32 @!p1 [tilespmem:s19], [sflag:$0x5], $0x1, s28, s4, $0xb8;
	[tilespmem:$0x1EF80] =	vst v63  }
0xad: {  	_ =	swait.ge @!p0 [sflag:s29], $0x4000  }
0xae: {  	[sflag:s29] =	ssyncset.done @!p0 $0x0  }
0xaf: {  	s4 =	simm.s32 @!p0 $0x2980;
	[sflag:s29] =	ssyncadd.s32 @!p0 $0xFFFFC000  }
0xb0: {  	[spmem:s1] =	stream.indirect.scatter.add.f32 @!p0 [tilespmem:s20], [sflag:$0x4], $0x80, s4, s0, $0xb8;
	[tilespmem:$0x1EF80] =	vst v63  }
0xb1: {  	s19 =	simm.s32 @!p0 $0xAA00;
	s20 =	simm.s32 @!p1 $0x3  }
0xb2: {  	[spmem:s2] =	stream.indirect.scatter.add.f32 @!p0 [tilespmem:s19], [sflag:$0x6], $0x1, s4, s0, $0xb8;
	[tilespmem:$0x1EF80] =	vst v63  }
0xb3: {  	_ =	swait.ge @!p1 [sflag:s20], $0x4000  }
0xb4: {  	[sflag:s20] =	ssyncset.done @!p1 $0x0  }
0xb5: {  	s0 =	simm.s32 @!p1 $0x5;
	[sflag:s20] =	ssyncadd.s32 @!p1 $0xFFFFC000  }
0xb6: {  	_ =	swait.ge @!p1 [sflag:s0], $0x80  }
0xb7: {  	[sflag:s0] =	ssyncset.done @!p1 $0x0  }
0xb8: {  	p2 =	sle.u32 s6, $0x2;
	[sflag:s0] =	ssyncadd.s32 @!p1 $0xFFFFFF80  }
0xb9: {  	v2 =	vld @!p2 [tilespmem:s26+$0x40];
	_ =	sdelay $0x4  }
0xba: {  	v3 =	vand.u32 @!p2 $0x1FFFF, v2  }
0xbb: {  	v2 =	vshra.s32 @!p2 v2, $0x11;
	[tilespmem:$0x2800] =	vst @!p2 v3  }
0xbc: {  	[tilespmem:$0x2900] =	vst @!p2 v2  }
0xbd: {  	v2 =	vld @!p2 [tilespmem:s26+$0x50];
	_ =	sdelay $0x4  }
0xbe: {  	v3 =	vand.u32 @!p2 $0x1FFFF, v2  }
0xbf: {  	v2 =	vshra.s32 @!p2 v2, $0x11;
	[tilespmem:$0x2810] =	vst @!p2 v3  }
0xc0: {  	[tilespmem:$0x2910] =	vst @!p2 v2  }
0xc1: {  	v2 =	vld @!p2 [tilespmem:s26+$0x60];
	_ =	sdelay $0x4  }
0xc2: {  	v3 =	vand.u32 @!p2 $0x1FFFF, v2  }
0xc3: {  	v2 =	vshra.s32 @!p2 v2, $0x11;
	[tilespmem:$0x2820] =	vst @!p2 v3  }
0xc4: {  	[tilespmem:$0x2920] =	vst @!p2 v2  }
0xc5: {  	v2 =	vld @!p2 [tilespmem:s26+$0x70];
	_ =	sdelay $0x4  }
0xc6: {  	v3 =	vand.u32 @!p2 $0x1FFFF, v2  }
0xc7: {  	v2 =	vshra.s32 @!p2 v2, $0x11;
	[tilespmem:$0x2830] =	vst @!p2 v3  }
0xc8: {  	[tilespmem:$0x2930] =	vst @!p2 v2  }
0xc9: {  	v2 =	vld @!p2 [tilespmem:s26+$0x80];
	_ =	sdelay $0x4  }
0xca: {  	v3 =	vand.u32 @!p2 $0x1FFFF, v2  }
0xcb: {  	v2 =	vshra.s32 @!p2 v2, $0x11;
	[tilespmem:$0x2840] =	vst @!p2 v3  }
0xcc: {  	[tilespmem:$0x2940] =	vst @!p2 v2  }
0xcd: {  	v2 =	vld @!p2 [tilespmem:s26+$0x90];
	_ =	sdelay $0x4  }
0xce: {  	v3 =	vand.u32 @!p2 $0x1FFFF, v2  }
0xcf: {  	v2 =	vshra.s32 @!p2 v2, $0x11;
	[tilespmem:$0x2850] =	vst @!p2 v3  }
0xd0: {  	[tilespmem:$0x2950] =	vst @!p2 v2  }
0xd1: {  	v2 =	vld @!p2 [tilespmem:s26+$0xA0];
	_ =	sdelay $0x2  }
0xd2: {  	s31 =	simm.s32 @!p0 $0x6  }
0xd3: {  	s28 =	simm.s32 $0x4;
	s29 =	simm.s32 $0xC0;
	s4 =	simm.s32 @!p2 $0x80  }
0xd4: {  	s19 =	simm.s32 @!p2 $0x2800;
	s20 =	simm.s32 @!p2 $0x2A00;
	s0 =	simm.s32 @!p0 $0x4;
	v3 =	vand.u32 @!p2 $0x1FFFF, v2;
	v2 =	vshra.s32 @!p2 v2, $0x11  }
.LBB2_4:
0xd5: {  	[tilespmem:$0x2860] =	vst @!p2 v3;
	s26 =	sadd.s32 $0x100, s26;
	s30 =	smov.u32 s28;
	s28 =	sadd.s32 $0x2, s28  }
0xd6: {  	p1 =	sne.s32 s28, $0x52;
	[tilespmem:$0x2960] =	vst @!p2 v2  }
0xd7: {  	v2 =	vld @!p2 [tilespmem:s29+$0xB0];
	s29 =	smov.u32 s26;
	_ =	sdelay $0x4  }
0xd8: {  	v3 =	vand.u32 @!p2 $0x1FFFF, v2;
	v2 =	vshra.s32 @!p2 v2, $0x11  }
0xd9: {  	[tilespmem:$0x2870] =	vst @!p2 v3  }
0xda: {  	[tilespmem:$0x2970] =	vst @!p2 v2  }
0xdb: {  	[tilespmem:s20], [sflag:$0x1] =	stream.indirect.gather @!p2 [hbm4b:s5+s4], $0x80, s19, s4, $0xb8;
	[tilespmem:$0x1EF80] =	vst v63  }
0xdc: {  	_ =	swait.ge @!p0 [sflag:s0], $0x4000  }
0xdd: {  	[sflag:s0] =	ssyncset.done @!p0 $0x0  }
0xde: {  	[sflag:s0] =	ssyncadd.s32 @!p0 $0xFFFFC000  }
0xdf: {  	_ =	swait.ge @!p0 [sflag:s31], $0x80  }
0xe0: {  	s0 =	sadd.s32 $0xFFFFFFFF, s30;
	[sflag:s31] =	ssyncset.done @!p0 $0x0  }
0xe1: {  	[sflag:s31] =	ssyncadd.s32 @!p0 $0xFFFFFF80;
	p0 =	sge.u32 s0, s6  }
0xe2: {  	v2 =	vld @!p0 [tilespmem:s26+$0xFFFFFFC0];
	_ =	sdelay $0x4  }
0xe3: {  	v3 =	vand.u32 @!p0 $0x1FFFF, v2;
	v2 =	vshra.s32 @!p0 v2, $0x11  }
0xe4: {  	[tilespmem:$0x2880] =	vst @!p0 v3  }
0xe5: {  	[tilespmem:$0x2980] =	vst @!p0 v2  }
0xe6: {  	v2 =	vld @!p0 [tilespmem:s26+$0xFFFFFFD0];
	_ =	sdelay $0x4  }
0xe7: {  	v3 =	vand.u32 @!p0 $0x1FFFF, v2;
	v2 =	vshra.s32 @!p0 v2, $0x11  }
0xe8: {  	[tilespmem:$0x2890] =	vst @!p0 v3  }
0xe9: {  	[tilespmem:$0x2990] =	vst @!p0 v2  }
0xea: {  	v2 =	vld @!p0 [tilespmem:s26+$0xFFFFFFE0];
	_ =	sdelay $0x4  }
0xeb: {  	v3 =	vand.u32 @!p0 $0x1FFFF, v2;
	v2 =	vshra.s32 @!p0 v2, $0x11  }
0xec: {  	[tilespmem:$0x28A0] =	vst @!p0 v3  }
0xed: {  	[tilespmem:$0x29A0] =	vst @!p0 v2  }
0xee: {  	v2 =	vld @!p0 [tilespmem:s26+$0xFFFFFFF0];
	_ =	sdelay $0x4  }
0xef: {  	v3 =	vand.u32 @!p0 $0x1FFFF, v2;
	v2 =	vshra.s32 @!p0 v2, $0x11  }
0xf0: {  	[tilespmem:$0x28B0] =	vst @!p0 v3  }
0xf1: {  	[tilespmem:$0x29B0] =	vst @!p0 v2  }
0xf2: {  	v2 =	vld @!p0 [tilespmem:s26+$0x0];
	_ =	sdelay $0x4  }
0xf3: {  	v3 =	vand.u32 @!p0 $0x1FFFF, v2;
	v2 =	vshra.s32 @!p0 v2, $0x11  }
0xf4: {  	[tilespmem:$0x28C0] =	vst @!p0 v3  }
0xf5: {  	[tilespmem:$0x29C0] =	vst @!p0 v2  }
0xf6: {  	v2 =	vld @!p0 [tilespmem:s26+$0x10];
	_ =	sdelay $0x4  }
0xf7: {  	v3 =	vand.u32 @!p0 $0x1FFFF, v2;
	v2 =	vshra.s32 @!p0 v2, $0x11  }
0xf8: {  	[tilespmem:$0x28D0] =	vst @!p0 v3  }
0xf9: {  	[tilespmem:$0x29D0] =	vst @!p0 v2  }
0xfa: {  	v2 =	vld @!p0 [tilespmem:s26+$0x20];
	_ =	sdelay $0x4  }
0xfb: {  	v3 =	vand.u32 @!p0 $0x1FFFF, v2;
	v2 =	vshra.s32 @!p0 v2, $0x11  }
0xfc: {  	s0 =	sadd.s32 $0xFFFFFFFE, s30;
	[tilespmem:$0x28E0] =	vst @!p0 v3  }
0xfd: {  	s4 =	simm.s32 @!p0 $0x80;
	s19 =	simm.s32 @!p0 $0x2880;
	p2 =	sge.u32 s0, s6;
	[tilespmem:$0x29E0] =	vst @!p0 v2  }
0xfe: {  	s0 =	simm.s32 @!p2 $0x1;
	v2 =	vld @!p0 [tilespmem:s26+$0x30];
	_ =	sdelay $0x2  }
0xff: {  	s20 =	simm.s32 @!p2 $0x80;
	s31 =	simm.s32 @!p2 $0x2900;
	s21 =	simm.s32 @!p2 $0x2A00  }
0x100: {  	_ = 	snop  }
0x101: {  	s22 =	simm.s32 @!p2 $0xAA00;
	v3 =	vand.u32 @!p0 $0x1FFFF, v2;
	v2 =	vshra.s32 @!p0 v2, $0x11  }
0x102: {  	s23 =	simm.s32 @!p0 $0x2;
	[tilespmem:$0x28F0] =	vst @!p0 v3  }
0x103: {  	s24 =	simm.s32 @!p0 $0x6A00;
	[tilespmem:$0x29F0] =	vst @!p0 v2  }
0x104: {  	[tilespmem:s24], [sflag:$0x2] =	stream.indirect.gather @!p0 [hbm4b:s5+s4], $0x80, s19, s4, $0xb8;
	[tilespmem:$0x1EF80] =	vst v63  }
0x105: {  	s19 =	simm.s32 @!p0 $0x2980;
	_ =	swait.ge @!p2 [sflag:s0], $0x4000  }
0x106: {  	[sflag:s0] =	ssyncset.done @!p2 $0x0  }
0x107: {  	s3 =	simm.s32 @!p2 $0x3;
	[sflag:s0] =	ssyncadd.s32 @!p2 $0xFFFFC000;
	s0 =	simm.s32 @!p0 $0xAA00  }
0x108: {  	[spmem:s1] =	stream.indirect.scatter.add.f32 @!p2 [tilespmem:s21], [sflag:$0x3], $0x80, s31, s20, $0xb8;
	[tilespmem:$0x1EF80] =	vst v63  }
0x109: {  	_ = 	snop  }
0x10a: {  	[spmem:s2] =	stream.indirect.scatter.add.f32 @!p2 [tilespmem:s22], [sflag:$0x5], $0x1, s31, s20, $0xb8;
	[tilespmem:$0x1EF80] =	vst v63  }
0x10b: {  	s20 =	simm.s32 @!p2 $0x5;
	_ =	swait.ge @!p0 [sflag:s23], $0x4000  }
0x10c: {  	[sflag:s23] =	ssyncset.done @!p0 $0x0  }
0x10d: {  	[sflag:s23] =	ssyncadd.s32 @!p0 $0xFFFFC000  }
0x10e: {  	[spmem:s1] =	stream.indirect.scatter.add.f32 @!p0 [tilespmem:s24], [sflag:$0x4], $0x80, s19, s4, $0xb8;
	[tilespmem:$0x1EF80] =	vst v63  }
0x10f: {  	_ = 	snop  }
0x110: {  	[spmem:s2] =	stream.indirect.scatter.add.f32 @!p0 [tilespmem:s0], [sflag:$0x6], $0x1, s19, s4, $0xb8;
	[tilespmem:$0x1EF80] =	vst v63  }
0x111: {  	_ =	swait.ge @!p2 [sflag:s3], $0x4000  }
0x112: {  	[sflag:s3] =	ssyncset.done @!p2 $0x0  }
0x113: {  	[sflag:s3] =	ssyncadd.s32 @!p2 $0xFFFFC000  }
0x114: {  	_ =	swait.ge @!p2 [sflag:s20], $0x80  }
0x115: {  	[sflag:s20] =	ssyncset.done @!p2 $0x0  }
0x116: {  	[sflag:s20] =	ssyncadd.s32 @!p2 $0xFFFFFF80;
	p2 =	sge.u32 s30, s6  }
0x117: {  	v2 =	vld @!p2 [tilespmem:s26+$0x40];
	_ =	sdelay $0x4  }
0x118: {  	v3 =	vand.u32 @!p2 $0x1FFFF, v2;
	v2 =	vshra.s32 @!p2 v2, $0x11  }
0x119: {  	[tilespmem:$0x2800] =	vst @!p2 v3  }
0x11a: {  	[tilespmem:$0x2900] =	vst @!p2 v2  }
0x11b: {  	v2 =	vld @!p2 [tilespmem:s26+$0x50];
	_ =	sdelay $0x4  }
0x11c: {  	v3 =	vand.u32 @!p2 $0x1FFFF, v2;
	v2 =	vshra.s32 @!p2 v2, $0x11  }
0x11d: {  	[tilespmem:$0x2810] =	vst @!p2 v3  }
0x11e: {  	[tilespmem:$0x2910] =	vst @!p2 v2  }
0x11f: {  	v2 =	vld @!p2 [tilespmem:s26+$0x60];
	_ =	sdelay $0x4  }
0x120: {  	v3 =	vand.u32 @!p2 $0x1FFFF, v2;
	v2 =	vshra.s32 @!p2 v2, $0x11  }
0x121: {  	[tilespmem:$0x2820] =	vst @!p2 v3  }
0x122: {  	[tilespmem:$0x2920] =	vst @!p2 v2  }
0x123: {  	v2 =	vld @!p2 [tilespmem:s26+$0x70];
	_ =	sdelay $0x4  }
0x124: {  	v3 =	vand.u32 @!p2 $0x1FFFF, v2;
	v2 =	vshra.s32 @!p2 v2, $0x11  }
0x125: {  	[tilespmem:$0x2830] =	vst @!p2 v3  }
0x126: {  	[tilespmem:$0x2930] =	vst @!p2 v2  }
0x127: {  	v2 =	vld @!p2 [tilespmem:s26+$0x80];
	_ =	sdelay $0x4  }
0x128: {  	v3 =	vand.u32 @!p2 $0x1FFFF, v2;
	v2 =	vshra.s32 @!p2 v2, $0x11  }
0x129: {  	[tilespmem:$0x2840] =	vst @!p2 v3  }
0x12a: {  	[tilespmem:$0x2940] =	vst @!p2 v2  }
0x12b: {  	v2 =	vld @!p2 [tilespmem:s26+$0x90];
	_ =	sdelay $0x4  }
0x12c: {  	v3 =	vand.u32 @!p2 $0x1FFFF, v2;
	v2 =	vshra.s32 @!p2 v2, $0x11  }
0x12d: {  	[tilespmem:$0x2850] =	vst @!p2 v3  }
0x12e: {  	s4 =	simm.s32 @!p2 $0x80;
	s19 =	simm.s32 @!p2 $0x2800;
	s20 =	simm.s32 @!p2 $0x2A00;
	[tilespmem:$0x2950] =	vst @!p2 v2  }
0x12f: {  	s0 =	simm.s32 @!p0 $0x4;
	v2 =	vld @!p2 [tilespmem:s26+$0xA0]  }
.Ltmp1:
0x130: {  	(pc) =	sbr.rel @p1 .LBB2_4-.Ltmp1, $3  }
0x131: {  	_ = 	snop  }
0x132: {  	s31 =	simm.s32 @!p0 $0x6;
	_ =	sdelay $0x1  }
0x133: {  	v3 =	vand.u32 @!p2 $0x1FFFF, v2;
	v2 =	vshra.s32 @!p2 v2, $0x11  }
0x134: {  	[tilespmem:$0x2860] =	vst @!p2 v3  }
0x135: {  	[tilespmem:$0x2960] =	vst @!p2 v2  }
0x136: {  	v2 =	vld @!p2 [tilespmem:s29+$0xB0];
	_ =	sdelay $0x4  }
0x137: {  	v3 =	vand.u32 @!p2 $0x1FFFF, v2  }
0x138: {  	v2 =	vshra.s32 @!p2 v2, $0x11;
	[tilespmem:$0x2870] =	vst @!p2 v3  }
0x139: {  	[tilespmem:$0x2970] =	vst @!p2 v2  }
0x13a: {  	[tilespmem:s20], [sflag:$0x1] =	stream.indirect.gather @!p2 [hbm4b:s5+s4], $0x80, s19, s4, $0xb8;
	[tilespmem:$0x1EF80] =	vst v63  }
0x13b: {  	_ =	swait.ge @!p0 [sflag:s0], $0x4000  }
0x13c: {  	[sflag:s0] =	ssyncset.done @!p0 $0x0  }
0x13d: {  	[sflag:s0] =	ssyncadd.s32 @!p0 $0xFFFFC000  }
0x13e: {  	_ =	swait.ge @!p0 [sflag:s31], $0x80  }
0x13f: {  	s26 =	stileid.u32;
	[sflag:s31] =	ssyncset.done @!p0 $0x0  }
0x140: {  	s3 =	sshrl.u32 s8, $0x3;
	s0 =	sshll.u32 s26, $0x6;
	[sflag:s31] =	ssyncadd.s32 @!p0 $0xFFFFFF80  }
0x141: {  	s28 =	sshrl.u32 s13, $0x3;
	s0 =	sor.u32 $0x1C07, s0;
	[bflag:$0x0] =	sbarrier.arrive $0xFFFF  }
0x142: {  	[hbm:s14], [sflag:s0] =	dma.local [spmem:s3], $0x2800  }
0x143: {  	s30 =	simm.s32 $0x20;
	s25 =	sadd.s32 $0x1, s25;
	_ =	swait.ge [sflag:s17], $0x2800  }
0x144: {  	s29 =	simm.s32 $0x1;
	p0 =	sne.s32 s25, s16;
	[sflag:s17] =	ssyncset.done $0x0  }
.Ltmp2:
0x145: {  	s31 =	simm.s32 $0x10;
	[sflag:s17] =	ssyncadd.s32 $0xFFFFD800;
	(pc) =	sbr.rel @p0 .LBB2_1-.Ltmp2, $4  }
0x146: {  	[hbm:s15@s30], [sflag:s0] =	dma.strided [spmem:s28@s31], $0x50, s29, $0x10   }
0x147: {  	_ =	swait.ge [sflag:s17], $0x50  }
0x148: {  	[sflag:s17] =	ssyncset.done $0x0  }
0x149: {  	[sflag:s17] =	ssyncadd.s32 $0xFFFFFFB0  }
0x14a: {  	_ =	sfence.sel $0x180000  }
0x14b: {  	[bflag:$0x0] =	sbarrier.arrive $0xFFFF  }
0x14c: {  	_ =	strace $0x90000047  }
0x14d: {  	s0 =	stileid.u32;
	[bflag:$0x2] =	sbarrier.arrive $0xFFFF  }
0x14e: {  	p0 =	sne.s32 s0, $0x0;
	s0 =	rddreg [dreg:$0x4]  }
0x14f: {  	s0 =	sadd.s32 @!p0 $0x100000, s0  }
0x150: {  	[sflag:s0] =	ssyncadd.tile.s32 @!p0 $0x1;
	_ =	shalt  }
.Lfunc_end2:
_tile_overlayer_lowered:
.L_overlay_start_2:
0x151: {  	(tag) =	ssettag $0x2  }
0x152: {  	s0 =	rddreg [dreg:$0x0];
	s2 =	stileid.u32  }
0x153: {  	s1 =	rddreg [dreg:$0x1];
	p0 =	sne.s32 s2, $0x0  }
0x154: {  	s3 =	rddreg [dreg:$0x2];
	[bflag:$0x3] =	sbarrier.arrive $0xFFFF;
	s2 =	simm.s32 @!p0 $0x1C07  }
0x155: {  	[timem:s3], [sflag:s2] =	dma.local @!p0 [hbm:s0], s1  }
0x156: {  	s0 =	simm.s32 @!p0 $0x7  }
0x157: {  	_ =	swait.ge @!p0 [sflag:s0], s1  }
0x158: {  	s1 =	ssub.s32 @!p0 $0x0, s1;
	[sflag:s0] =	ssyncset.done @!p0 $0x0  }
0x159: {  	[sflag:s0] =	ssyncadd.s32 @!p0 s1  }
0x15a: {  	[bflag:$0x3] =	sbarrier.arrive $0xFFFF  }
0x15b: {  	_ =	shalt  }

// kernel: kernel.14.cloned.1.call-start
scs
__scs_entry_jumppad:
0x0: {  	(pc) =	sbr.rel $0x88, $3  }
0x1: {  	(tag) =	ssettag $0x0;
	lr =	simm.s32 $0x1  }
0x2: {  	[smem:$0x3F92] =	sst lr;
	_ =	strace $0xD0000000  }
0x3: {  	_ = 	snop  }
0x4: {  	_ = 	snop  }
0x5: {  	_ = 	snop  }
0x6: {  	_ = 	snop  }
0x7: {  	_ = 	snop  }
__scs_overlays_trampoline_lowered:
0x8: {  	[smem:$0x3FA1] =	sst s0  }
0x9: {  	[smem:$0x3FA2] =	sst s1  }
0xa: {  	[smem:$0x3FA3] =	sst s2  }
0xb: {  	[smem:$0x3FA4] =	sst s3  }
0xc: {  	[smem:$0x3FA5] =	sst s4  }
0xd: {  	[smem:$0x3FA6] =	sst s5  }
0xe: {  	[smem:$0x3FA7] =	sst s6  }
0xf: {  	[smem:$0x3FA8] =	sst s7  }
0x10: {  	[smem:$0x3FA9] =	sst s8  }
0x11: {  	[smem:$0x3FAA] =	sst s9;
	s0 =	simm.s32 @!p0 $0x0  }
0x12: {  	s1 =	sld [smem:$0x3F90];
	s0 =	simm.s32 @p0 $0x1  }
0x13: {  	[smem:$0x3FAB] =	sst s0;
	s0 =	simm.s32 @!p1 $0x0  }
0x14: {  	s2 =	sld [smem:$0x3F8F];
	s0 =	simm.s32 @p1 $0x1  }
0x15: {  	[smem:$0x3FAC] =	sst s0;
	s0 =	simm.s32 @!p2 $0x0  }
0x16: {  	s3 =	sld [smem:$0x3FDB];
	s0 =	simm.s32 @p2 $0x1  }
0x17: {  	s4 =	simm.s32 $0x1BF5;
	[smem:$0x3FAE] =	sst s0  }
0x18: {  	s0 =	sld [smem:$0x3F91];
	_ =	swait.ge [sflag:s4], $0x0  }
0x19: {  	s7 =	sld [smem:$0x3F92]  }
0x1a: {  	s8 =	sadd.s32 $0xFFFFE003, lr  }
0x1b: {  	s9 =	sadd.s32 $0xFFFFFEF7, lr;
	s5 =	simm.s32 $0xFFFFFFFF;
	p2 =	slt.u32 s8, $0xFFFFF086  }
0x1c: {  	p1 =	slt.u32 s9, $0xF7A;
	s5 =	simm.s32 @!p2 $0x0  }
0x1d: {  	s5 =	simm.s32 @p1 $0x1;
	p0 =	seq.s32 s7, s2  }
0x1e: {  	s7 =	smul.u32 @!p0 $0xF7A, s2;
	p2 =	seq.s32 @!p0 s5, $0x0  }
0x1f: {  	s9 =	smul.u32 $0xF7A, s1;
	s8 =	simm.s32 @!p0 $0x1BF5;
	p2 =	por !p2, p0  }
0x20: {  	[sflag:s8] =	ssyncset.s32 @!p0 $0xFFFFF086;
	s6 =	sadd.s32 @!p0 s3, s7;
	s7 =	simm.s32 @!p0 $0x108  }
0x21: {  	s3 =	sadd.s32 s3, s9;
	s6 =	sadd.s32 @!p0 $0x88, s6;
	s7 =	simm.s32 @p2 $0x1082  }
0x22: {  	[simem:s7], [sflag:s8] =	dma.local @!p0 [hbm:s6], $0xF7A  }
0x23: {  	s9 =	sor.u32 $0xD0000000, s2;
	s6 =	simm.s32 $0x108;
	_ =	swait.ge @!p0 [sflag:s8], $0x0  }
0x24: {  	s3 =	sadd.s32 $0x88, s3;
	s6 =	simm.s32 @!p1 $0x1082;
	[sflag:s4] =	ssyncset.s32 $0xFFFFF086  }
0x25: {  	[simem:s6], [sflag:s4] =	dma.local [hbm:s3], $0xF7A  }
0x26: {  	[smem:$0x3F92] =	sst s1;
	(tag) =	ssettag s2;
	_ =	strace s9  }
0x27: {  	s1 =	sld [smem:$0x3FA2]  }
0x28: {  	s2 =	sld [smem:$0x3FA3]  }
0x29: {  	s4 =	sld [smem:$0x3FA5]  }
0x2a: {  	p0 =	seq.s32 s5, $0x0;
	s5 =	sld [smem:$0x3FA6]  }
0x2b: {  	s6 =	sld [smem:$0x3FA7]  }
0x2c: {  	s7 =	sld [smem:$0x3FA8]  }
0x2d: {  	s3 =	simm.s32 $0x108;
	s8 =	sld [smem:$0x3FA9]  }
0x2e: {  	s3 =	simm.s32 @!p0 $0x1082;
	s9 =	sld [smem:$0x3FAA]  }
0x2f: {  	lr =	sadd.s32 s0, s3;
	s0 =	sld [smem:$0x3FA1]  }
0x30: {  	s3 =	sld [smem:$0x3FA4]  }
0x31: {  	[smem:$0x3FAD] =	sst s10  }
0x32: {  	s10 =	sld [smem:$0x3FAB];
	_ =	sdelay $0x3  }
0x33: {  	p0 =	seq.s32 s10, $0x1;
	s10 =	sld [smem:$0x3FAD];
	_ =	sdelay $0x3  }
0x34: {  	[smem:$0x3FAD] =	sst s10  }
0x35: {  	s10 =	sld [smem:$0x3FAC];
	_ =	sdelay $0x3  }
0x36: {  	p1 =	seq.s32 s10, $0x1;
	s10 =	sld [smem:$0x3FAD];
	_ =	sdelay $0x3  }
0x37: {  	[smem:$0x3FAD] =	sst s10  }
0x38: {  	s10 =	sld [smem:$0x3FAE]  }
0x39: {  	_ = 	snop;
	(pc) =	sbr.ind lr, $3  }
0x3a: {  	_ = 	snop  }
0x3b: {  	_ = 	snop  }
0x3c: {  	p2 =	seq.s32 s10, $0x1;
	s10 =	sld [smem:$0x3FAD]  }
0x3d: {  	_ =	shalt  }
0x3e: {  	_ =	shalt  }
0x3f: {  	_ =	shalt  }
0x40: {  	_ =	shalt  }
0x41: {  	_ =	shalt  }
0x42: {  	_ =	shalt  }
0x43: {  	_ =	shalt  }
0x44: {  	_ =	shalt  }
0x45: {  	_ =	shalt  }
0x46: {  	_ =	shalt  }
0x47: {  	_ =	shalt  }
0x48: {  	_ =	shalt  }
0x49: {  	_ =	shalt  }
0x4a: {  	_ =	shalt  }
0x4b: {  	_ =	shalt  }
0x4c: {  	_ =	shalt  }
0x4d: {  	_ =	shalt  }
0x4e: {  	_ =	shalt  }
0x4f: {  	_ =	shalt  }
0x50: {  	_ =	shalt  }
0x51: {  	_ =	shalt  }
0x52: {  	_ =	shalt  }
0x53: {  	_ =	shalt  }
0x54: {  	_ =	shalt  }
0x55: {  	_ =	shalt  }
0x56: {  	_ =	shalt  }
0x57: {  	_ =	shalt  }
0x58: {  	_ =	shalt  }
0x59: {  	_ =	shalt  }
0x5a: {  	_ =	shalt  }
0x5b: {  	_ =	shalt  }
0x5c: {  	_ =	shalt  }
0x5d: {  	_ =	shalt  }
0x5e: {  	_ =	shalt  }
0x5f: {  	_ =	shalt  }
0x60: {  	_ =	shalt  }
0x61: {  	_ =	shalt  }
0x62: {  	_ =	shalt  }
0x63: {  	_ =	shalt  }
0x64: {  	_ =	shalt  }
0x65: {  	_ =	shalt  }
0x66: {  	_ =	shalt  }
0x67: {  	_ =	shalt  }
0x68: {  	_ =	shalt  }
0x69: {  	_ =	shalt  }
0x6a: {  	_ =	shalt  }
0x6b: {  	_ =	shalt  }
0x6c: {  	_ =	shalt  }
0x6d: {  	_ =	shalt  }
0x6e: {  	_ =	shalt  }
0x6f: {  	_ =	shalt  }
0x70: {  	_ =	shalt  }
0x71: {  	_ =	shalt  }
0x72: {  	_ =	shalt  }
0x73: {  	_ =	shalt  }
0x74: {  	_ =	shalt  }
0x75: {  	_ =	shalt  }
0x76: {  	_ =	shalt  }
0x77: {  	_ =	shalt  }
0x78: {  	_ =	shalt  }
0x79: {  	_ =	shalt  }
0x7a: {  	_ =	shalt  }
0x7b: {  	_ =	shalt  }
0x7c: {  	_ =	shalt  }
0x7d: {  	_ =	shalt  }
0x7e: {  	_ =	shalt  }
0x7f: {  	_ =	shalt  }
0x80: {  	_ =	shalt  }
0x81: {  	_ =	shalt  }
0x82: {  	_ =	shalt  }
0x83: {  	_ =	shalt  }
0x84: {  	_ =	shalt  }
0x85: {  	_ =	shalt  }
0x86: {  	_ =	shalt  }
0x87: {  	_ =	shalt  }
.Lfunc_end0:
.L_simem_size_0:
called_computation.1_lowered:
.L_overlay_start_0:
0x88: {  	s2 =	sld [smem:$0x3FD9]  }
0x89: {  	s3 =	sld [smem:$0x3FFE];
	_ =	sdelay $0x1  }
0x8a: {  	s1 =	srdreg.scid  }
0x8b: {  	s0 =	sand.u32 $0x1, s1  }
0x8c: {  	s17 =	sshll.u32 s0, $0xA;
	s2 =	sadd.s32 s3, s2  }
0x8d: {  	s2 =	sadd.s32 s2, s17  }
0x8e: {  	[smem:$0x3FB9] =	sst s2  }
0x8f: {  	_ = 	snop  }
0x90: {  	s2 =	sld [smem:$0x3FD0];
	(tm) =	ssettm $0x1  }
0x91: {  	s18 =	sld [smem:$0x3FFB];
	_ =	sdelay $0x3  }
0x92: {  	_ =	strace s18  }
0x93: {  	s3 =	sld [smem:$0x3FFC];
	_ =	sdelay $0x3  }
0x94: {  	_ =	strace s3  }
0x95: {  	s3 =	sld [smem:$0x3FFD];
	_ =	sdelay $0x3  }
0x96: {  	_ =	strace s3  }
0x97: {  	_ =	strace $0x8FFFFFFF  }
0x98: {  	s19 =	sld [smem:$0x3FDB];
	_ =	sdelay $0x1  }
0x99: {  	s4 =	simm.s32 $_scs_section_size  }
0x9a: {  	s5 =	simm.s32 $_size__tile_overlayer_lowered;
	s6 =	simm.s32 $_tile_overlayer_lowered  }
0x9b: {  	s22 =	simm.s32 $0x1BFF;
	s21 =	sshll.u32 s6, $0x1;
	s3 =	sadd.s32 s4, s19  }
0x9c: {  	s7 =	simm.s32 $0x0;
	s20 =	sshll.u32 s5, $0x1;
	s5 =	sadd.s32 s21, s3  }
0x9d: {  	[timem:s7], [sflag:s22] =	dma.local [hbm:s5], s20  }
0x9e: {  	_ =	swait.ge [sflag:s22], s20  }
0x9f: {  	s4 =	ssub.s32 $0x0, s20;
	[sflag:s22] =	ssyncset.done $0x0  }
0xa0: {  	[sflag:s22] =	ssyncadd.s32 s4;
	_ =	sdelay $0x1  }
0xa1: {  	s23 =	simm.s32 $0x1B8B  }
0xa2: {  	_ =	swait.ge [sflag:s23], $0x1  }
0xa3: {  	[sflag:s23] =	ssyncset.done $0x0  }
0xa4: {  	s25 =	simm.s32 $0x1B8E;
	s24 =	sld [smem:$0x3FFE];
	[sflag:s23] =	ssyncadd.s32 $0xFFFFFFFF  }
0xa5: {  	s26 =	simm.s32 $execute0_lowered;
	[smem:$0x3FD2] =	sst s25  }
0xa6: {  	s5 =	sshll.u32 s26, $0x1;
	_ =	strace $0x80000049;
	[dreg:$0x1] =	wrdreg $0xFFFFFFFF  }
0xa7: {  	s28 =	simm.s32 $_size_execute0_lowered;
	s3 =	sadd.s32 s3, s5;
	[dreg:$0x0] =	wrdreg $0x0  }
0xa8: {  	s5 =	sshll.u32 s28, $0x1;
	[dreg:$0x2] =	wrdreg s3  }
0xa9: {  	[dreg:$0x3] =	wrdreg s5  }
0xaa: {  	[dreg:$0x4] =	wrdreg $0xC0  }
0xab: {  	_ =	task [dreg:s7], $0x5FFFF  }
0xac: {  	[dreg:$0x1] =	wrdreg $0xFFFFFFFF  }
0xad: {  	[dreg:$0x0] =	wrdreg $0x60  }
0xae: {  	[dreg:$0x2] =	wrdreg s2  }
0xaf: {  	[dreg:$0x3] =	wrdreg s24  }
0xb0: {  	[dreg:$0x4] =	wrdreg $0xAD000  }
0xb1: {  	[dreg:$0x5] =	wrdreg $0x1ED000  }
0xb2: {  	[dreg:$0x6] =	wrdreg $0x9  }
0xb3: {  	_ =	task.clear_ibuf [dreg:s7], $0x7FFFF;
	_ =	strace $0x90000049  }
0xb4: {  	s29 =	simm.s32 $0x9;
	_ =	strace $0x8000004B  }
0xb5: {  	_ =	swait.ge [sflag:s29], $0x1  }
0xb6: {  	[sflag:s29] =	ssyncadd.s32 $0xFFFFFFFF  }
0xb7: {  	_ =	strace $0x9000004B  }
0xb8: {  	_ =	sfence  }
0xb9: {  	s30 =	sld [smem:$0x0];
	_ =	sdelay $0x2  }
0xba: {  	s31 =	sshll.u32 s1, $0xD;
	s1 =	sshrl.u32 s1, $0x2  }
0xbb: {  	s3 =	sand.u32 $0x4000, s31;
	s1 =	sadd.s32 s1, s30  }
0xbc: {  	s0 =	sor.u32 s3, s0;
	s1 =	sshll.u32 s1, $0x11  }
0xbd: {  	s0 =	sor.u32 s1, s0  }
0xbe: {  	s0 =	sadd.s32 $0x8F2B, s0  }
0xbf: {  	[sflag:s0] =	ssyncadd.remote.s32 $0x1  }
0xc0: {  	_ =	sfence.sel $0xFFFF  }
0xc1: {  	[dreg:$0x0] =	wrdreg $0xFFFFFFFF;
	(pc) =	sbr.abs _section_cstart, $3  }
0xc2: {  	[dreg:$0x1] =	wrdreg $0xFFFFFFFF  }
0xc3: {  	_ =	task.clear_ibuf [dreg:s7], $0x2FFFF;
	_ =	strace $0x9FFFFFFF  }
0xc4: {  	(tm) =	ssettm $0x7FFFFFFF  }
0xc5: {  	_ =	shalt  }
tec
execute0_lowered:
.L_overlay_start_1:
0x0: {  	(tag) =	ssettag $0x1  }
0x1: {  	s7 =	rddreg [dreg:$0x0]  }
0x2: {  	s5 =	rddreg [dreg:$0x1]  }
0x3: {  	s0 =	srdreg.scid;
	s1 =	rddreg [dreg:$0x2]  }
0x4: {  	s12 =	rddreg [dreg:$0x3];
	s2 =	simm.s32 $0x0;
	s6 =	sand.u32 $0x1, s0  }
0x5: {  	s16 =	simm.s32 $0x2A00;
	s0 =	stileid.u32;
	s4 =	smul.u32 $0x140000, s6  }
0x6: {  	s19 =	simm.s32 $0x2800;
	s20 =	simm.s32 $0x0;
	s8 =	smul.u32 $0x14000, s0  }
0x7: {  	[smem:$0x7FF] =	sst s2;
	s9 =	sshll.u32 s0, $0x1;
	s11 =	smul.u32 $0x50000, s0  }
0x8: {  	_ =	strace $0x8000004A;
	s15 =	smul.u32 $0xA00, s0;
	s9 =	sor.u32 s6, s9  }
0x9: {  	s6 =	ssub.s32 $0x2, s6;
	s8 =	sadd.s32 s8, s4;
	s9 =	smul.u32 $0x2800, s9  }
0xa: {  	s4 =	sadd.s32 $0x53200, s5;
	s28 =	sshrl.u32 s6, $0x1;
	s30 =	sshrl.u32 s11, $0x2  }
0xb: {  	s15 =	sshrl.u32 s15, $0x2;
	s8 =	sshrl.u32 s8, $0x3;
	s14 =	ssub.s32 s6, s28  }
0xc: {  	s6 =	sadd.s32 s30, s1;
	s12 =	sadd.s32 s15, s12;
	s15 =	simm.s32 $0x5  }
0xd: {  	s10 =	ssub.s32 $0x4E200, s9;
	s13 =	sadd.s32 s8, s5;
	s31 =	sshrl.u32 s9, $0x3  }
0xe: {  	s8 =	sadd.s32 $0x4000, s6;
	s9 =	sadd.s32 $0x8000, s6;
	s11 =	sadd.s32 $0x10000, s6  }
0xf: {  	s14 =	smax.u32 s14, $0x1;
	s29 =	sshrl.u32 s10, $0x7;
	s7 =	sadd.s32 s7, s31  }
0x10: {  	v0 =	vimm.f32 $0.0e+00;
	v1 =	vimm.f32 $1.000000000e+00;
	s10 =	sadd.s32 $0xC000, s6;
	s13 =	sadd.s32 $0x18BA00, s13;
	s5 =	smin.u32 s29, $0x50  }
.LBB2_1:
0x11: {  	s2 =	simm.s32 $0x0  }
0x12: {  	[tilespmem:s2], [sflag:$0x5] =	stream.linear.gather [hbm4b:s7+s2], $0x2800, $0x38;
	[tilespmem:$0x1EF80] =	vst v63  }
0x13: {  	_ =	swait.ge [sflag:s15], $0x2800  }
0x14: {  	[sflag:s15] =	ssyncset.done $0x0  }
0x15: {  	s21 =	simm.s32 $0x0;
	s22 =	simm.s32 $0x200;
	[sflag:s15] =	ssyncadd.s32 $0xFFFFD800  }
.LBB2_2:
0x16: {  	p0 =	sne.s32 s22, $0xFE00;
	[tilespmem:s21+$0x2A70] =	vst v0  }
0x17: {  	[tilespmem:s21+$0x2A00] =	vst v0  }
0x18: {  	[tilespmem:s21+$0x2A10] =	vst v0  }
.Ltmp0:
0x19: {  	[tilespmem:s21+$0x2A20] =	vst v0;
	(pc) =	sbr.rel @p0 .LBB2_2-.Ltmp0, $4  }
0x1a: {  	[tilespmem:s21+$0x2A30] =	vst v0  }
0x1b: {  	[tilespmem:s21+$0x2A40] =	vst v0  }
0x1c: {  	[tilespmem:s21+$0x2A50] =	vst v0  }
0x1d: {  	[tilespmem:s21+$0x2A60] =	vst v0;
	s21 =	sshra.s32 s22, $0x2;
	s22 =	sadd.s32 $0x200, s22  }
0x1e: {  	[tilespmem:s21+$0x2A70] =	vst v0  }
0x1f: {  	[tilespmem:s21+$0x2A00] =	vst v0  }
0x20: {  	[tilespmem:s21+$0x2A10] =	vst v0  }
0x21: {  	[tilespmem:s21+$0x2A20] =	vst v0  }
0x22: {  	[tilespmem:s21+$0x2A30] =	vst v0  }
0x23: {  	[tilespmem:s21+$0x2A40] =	vst v0  }
0x24: {  	[tilespmem:s21+$0x2A50] =	vst v0  }
0x25: {  	[tilespmem:s21+$0x2A60] =	vst v0  }
0x26: {  	[tilespmem:$0xAA00] =	vst v1  }
0x27: {  	[tilespmem:$0xAA10] =	vst v1  }
0x28: {  	[tilespmem:$0xAA20] =	vst v1  }
0x29: {  	[tilespmem:$0xAA30] =	vst v1  }
0x2a: {  	[tilespmem:$0xAA40] =	vst v1  }
0x2b: {  	[tilespmem:$0xAA50] =	vst v1  }
0x2c: {  	[tilespmem:$0xAA60] =	vst v1  }
0x2d: {  	[tilespmem:$0xAA70] =	vst v1  }
0x2e: {  	[tilespmem:$0xAA80] =	vst v0  }
0x2f: {  	[tilespmem:$0xAA90] =	vst v0  }
0x30: {  	[tilespmem:$0xAAA0] =	vst v0  }
0x31: {  	[tilespmem:$0xAAB0] =	vst v0  }
0x32: {  	[tilespmem:$0xAAC0] =	vst v0  }
0x33: {  	[tilespmem:$0xAAD0] =	vst v0  }
0x34: {  	[tilespmem:$0xAAE0] =	vst v0  }
0x35: {  	[tilespmem:$0xAAF0] =	vst v0  }
0x36: {  	[tilespmem:$0xAB00] =	vst v0  }
0x37: {  	[tilespmem:$0xAB10] =	vst v0  }
0x38: {  	[tilespmem:$0xAB20] =	vst v0  }
0x39: {  	[tilespmem:$0xAB30] =	vst v0  }
0x3a: {  	[tilespmem:$0xAB40] =	vst v0  }
0x3b: {  	[tilespmem:$0xAB50] =	vst v0  }
0x3c: {  	[tilespmem:$0xAB60] =	vst v0  }
0x3d: {  	[tilespmem:$0xAB70] =	vst v0  }
0x3e: {  	[tilespmem:$0xAB80] =	vst v0  }
0x3f: {  	[tilespmem:$0xAB90] =	vst v0  }
0x40: {  	[tilespmem:$0xABA0] =	vst v0  }
0x41: {  	[tilespmem:$0xABB0] =	vst v0  }
0x42: {  	[tilespmem:$0xABC0] =	vst v0  }
0x43: {  	[tilespmem:$0xABD0] =	vst v0  }
0x44: {  	[tilespmem:$0xABE0] =	vst v0  }
0x45: {  	[tilespmem:$0xABF0] =	vst v0  }
0x46: {  	[tilespmem:$0xAC00] =	vst v0  }
0x47: {  	[tilespmem:$0xAC10] =	vst v0  }
0x48: {  	[tilespmem:$0xAC20] =	vst v0  }
0x49: {  	[tilespmem:$0xAC30] =	vst v0  }
0x4a: {  	[tilespmem:$0xAC40] =	vst v0  }
0x4b: {  	[tilespmem:$0xAC50] =	vst v0  }
0x4c: {  	[tilespmem:$0xAC60] =	vst v0  }
0x4d: {  	[tilespmem:$0xAC70] =	vst v0  }
0x4e: {  	[tilespmem:$0xAC80] =	vst v0  }
0x4f: {  	[tilespmem:$0xAC90] =	vst v0  }
0x50: {  	[tilespmem:$0xACA0] =	vst v0  }
0x51: {  	[tilespmem:$0xACB0] =	vst v0  }
0x52: {  	[tilespmem:$0xACC0] =	vst v0  }
0x53: {  	[tilespmem:$0xACD0] =	vst v0  }
0x54: {  	[tilespmem:$0xACE0] =	vst v0  }
0x55: {  	[tilespmem:$0xACF0] =	vst v0  }
0x56: {  	[spmem:s6] =	stream.linear.scatter [tilespmem:s16], [sflag:$0x5], $0x4000, $0x38;
	[tilespmem:$0x1EF80] =	vst v63  }
0x57: {  	_ =	swait.ge [sflag:s15], $0x4000  }
0x58: {  	[sflag:s15] =	ssyncset.done $0x0  }
0x59: {  	[sflag:s15] =	ssyncadd.s32 $0xFFFFC000  }
0x5a: {  	[spmem:s8] =	stream.linear.scatter [tilespmem:s16], [sflag:$0x5], $0x4000, $0x38;
	[tilespmem:$0x1EF80] =	vst v63  }
0x5b: {  	_ =	swait.ge [sflag:s15], $0x4000  }
0x5c: {  	[sflag:s15] =	ssyncset.done $0x0  }
0x5d: {  	[sflag:s15] =	ssyncadd.s32 $0xFFFFC000  }
0x5e: {  	[spmem:s9] =	stream.linear.scatter [tilespmem:s16], [sflag:$0x5], $0x4000, $0x38;
	[tilespmem:$0x1EF80] =	vst v63  }
0x5f: {  	_ =	swait.ge [sflag:s15], $0x4000  }
0x60: {  	[sflag:s15] =	ssyncset.done $0x0  }
0x61: {  	[sflag:s15] =	ssyncadd.s32 $0xFFFFC000  }
0x62: {  	[spmem:s10] =	stream.linear.scatter [tilespmem:s16], [sflag:$0x5], $0x4000, $0x38;
	[tilespmem:$0x1EF80] =	vst v63  }
0x63: {  	_ =	swait.ge [sflag:s15], $0x4000  }
0x64: {  	[sflag:s15] =	ssyncset.done $0x0  }
0x65: {  	[sflag:s15] =	ssyncadd.s32 $0xFFFFC000  }
0x66: {  	[spmem:s11] =	stream.linear.scatter [tilespmem:s16], [sflag:$0x5], $0x4000, $0x38;
	[tilespmem:$0x1EF80] =	vst v63  }
0x67: {  	_ =	swait.ge [sflag:s15], $0x4000  }
0x68: {  	[sflag:s15] =	ssyncset.done $0x0  }
0x69: {  	s2 =	simm.s32 $0xAA80;
	[sflag:s15] =	ssyncadd.s32 $0xFFFFC000  }
0x6a: {  	[spmem:s12] =	stream.linear.scatter [tilespmem:s2], [sflag:$0x5], $0x280, $0x38;
	[tilespmem:$0x1EF80] =	vst v63  }
0x6b: {  	_ =	swait.ge [sflag:s15], $0x280  }
0x6c: {  	[sflag:s15] =	ssyncset.done $0x0  }
0x6d: {  	[sflag:s15] =	ssyncadd.s32 $0xFFFFFD80  }
0x6e: {  	v2 =	vld [tilespmem:$0x0];
	_ =	sdelay $0x1  }
0x6f: {  	v3 =	vld [tilespmem:$0x10];
	_ =	sdelay $0x1  }
0x70: {  	v4 =	vld [tilespmem:$0x20]  }
0x71: {  	v5 =	vand.u32 $0x1FFFF, v2  }
0x72: {  	v61 =	vld [tilespmem:$0x30];
	v2 =	vshra.s32 v2, $0x11;
	[tilespmem:$0x2800] =	vst v5  }
0x73: {  	[tilespmem:$0x2900] =	vst v2;
	v2 =	vand.u32 $0x1FFFF, v3  }
0x74: {  	[tilespmem:$0x2810] =	vst v2;
	v2 =	vshra.s32 v3, $0x11;
	v3 =	vld [tilespmem:$0x40]  }
0x75: {  	[tilespmem:$0x2910] =	vst v2;
	v2 =	vand.u32 $0x1FFFF, v4  }
0x76: {  	v62 =	vld [tilespmem:$0x50];
	[tilespmem:$0x2820] =	vst v2;
	v2 =	vshra.s32 v4, $0x11  }
0x77: {  	[tilespmem:$0x2920] =	vst v2;
	v2 =	vand.u32 $0x1FFFF, v61  }
0x78: {  	v63 =	vld [tilespmem:$0x60];
	[tilespmem:$0x2830] =	vst v2;
	v2 =	vshra.s32 v61, $0x11  }
0x79: {  	[tilespmem:$0x2930] =	vst v2;
	v2 =	vand.u32 $0x1FFFF, v3  }
0x7a: {  	[tilespmem:$0x2840] =	vst v2;
	v2 =	vshra.s32 v3, $0x11;
	v3 =	vld [tilespmem:$0x70]  }
0x7b: {  	[tilespmem:$0x2940] =	vst v2;
	v2 =	vand.u32 $0x1FFFF, v62  }
0x7c: {  	[tilespmem:$0x2850] =	vst v2;
	v2 =	vshra.s32 v62, $0x11  }
0x7d: {  	[tilespmem:$0x2950] =	vst v2;
	v2 =	vand.u32 $0x1FFFF, v63  }
0x7e: {  	[tilespmem:$0x2860] =	vst v2;
	v2 =	vshra.s32 v63, $0x11  }
0x7f: {  	[tilespmem:$0x2960] =	vst v2;
	v2 =	vand.u32 $0x1FFFF, v3  }
0x80: {  	[tilespmem:$0x2870] =	vst v2;
	v2 =	vshra.s32 v3, $0x11  }
0x81: {  	s31 =	simm.s32 $0x80;
	[tilespmem:$0x2970] =	vst v2  }
0x82: {  	[tilespmem:s16], [sflag:$0x1] =	stream.indirect.gather [hbm4b:s4+s31], $0x80, s19, s31, $0xb8;
	[tilespmem:$0x1EF80] =	vst v63  }
0x83: {  	s21 =	simm.s32 $0xC0;
	p0 =	sle.u32 s5, $0x1;
	[bflag:$0x0] =	sbarrier.arrive $0xFFFF  }
0x84: {  	v2 =	vld @!p0 [tilespmem:s21+$0xFFFFFFC0];
	_ =	sdelay $0x4  }
0x85: {  	v3 =	vand.u32 @!p0 $0x1FFFF, v2  }
0x86: {  	v2 =	vshra.s32 @!p0 v2, $0x11;
	[tilespmem:$0x2880] =	vst @!p0 v3  }
0x87: {  	[tilespmem:$0x2980] =	vst @!p0 v2  }
0x88: {  	v2 =	vld @!p0 [tilespmem:s21+$0xFFFFFFD0];
	_ =	sdelay $0x4  }
0x89: {  	v3 =	vand.u32 @!p0 $0x1FFFF, v2  }
0x8a: {  	v2 =	vshra.s32 @!p0 v2, $0x11;
	[tilespmem:$0x2890] =	vst @!p0 v3  }
0x8b: {  	[tilespmem:$0x2990] =	vst @!p0 v2  }
0x8c: {  	v2 =	vld @!p0 [tilespmem:s21+$0xFFFFFFE0];
	_ =	sdelay $0x4  }
0x8d: {  	v3 =	vand.u32 @!p0 $0x1FFFF, v2  }
0x8e: {  	v2 =	vshra.s32 @!p0 v2, $0x11;
	[tilespmem:$0x28A0] =	vst @!p0 v3  }
0x8f: {  	[tilespmem:$0x29A0] =	vst @!p0 v2  }
0x90: {  	v2 =	vld @!p0 [tilespmem:s21+$0xFFFFFFF0];
	_ =	sdelay $0x4  }
0x91: {  	v3 =	vand.u32 @!p0 $0x1FFFF, v2  }
0x92: {  	v2 =	vshra.s32 @!p0 v2, $0x11;
	[tilespmem:$0x28B0] =	vst @!p0 v3  }
0x93: {  	[tilespmem:$0x29B0] =	vst @!p0 v2  }
0x94: {  	v2 =	vld @!p0 [tilespmem:s21+$0x0];
	_ =	sdelay $0x4  }
0x95: {  	v3 =	vand.u32 @!p0 $0x1FFFF, v2  }
0x96: {  	v2 =	vshra.s32 @!p0 v2, $0x11;
	[tilespmem:$0x28C0] =	vst @!p0 v3  }
0x97: {  	[tilespmem:$0x29C0] =	vst @!p0 v2  }
0x98: {  	v2 =	vld @!p0 [tilespmem:s21+$0x10];
	_ =	sdelay $0x4  }
0x99: {  	v3 =	vand.u32 @!p0 $0x1FFFF, v2  }
0x9a: {  	v2 =	vshra.s32 @!p0 v2, $0x11;
	[tilespmem:$0x28D0] =	vst @!p0 v3  }
0x9b: {  	[tilespmem:$0x29D0] =	vst @!p0 v2  }
0x9c: {  	v2 =	vld @!p0 [tilespmem:s21+$0x20];
	_ =	sdelay $0x4  }
0x9d: {  	v3 =	vand.u32 @!p0 $0x1FFFF, v2  }
0x9e: {  	v2 =	vshra.s32 @!p0 v2, $0x11;
	[tilespmem:$0x28E0] =	vst @!p0 v3  }
0x9f: {  	[tilespmem:$0x29E0] =	vst @!p0 v2  }
0xa0: {  	v2 =	vld @!p0 [tilespmem:s21+$0x30];
	_ =	sdelay $0x4  }
0xa1: {  	v3 =	vand.u32 @!p0 $0x1FFFF, v2  }
0xa2: {  	p1 =	sle.u32 s5, $0x0;
	s22 =	simm.s32 @!p0 $0x80;
	v2 =	vshra.s32 @!p0 v2, $0x11;
	[tilespmem:$0x28F0] =	vst @!p0 v3  }
0xa3: {  	s23 =	simm.s32 @!p0 $0x2880;
	s24 =	simm.s32 @!p1 $0x1;
	s25 =	simm.s32 @!p0 $0x6A00;
	[tilespmem:$0x29F0] =	vst @!p0 v2  }
0xa4: {  	[tilespmem:s25], [sflag:$0x2] =	stream.indirect.gather @!p0 [hbm4b:s4+s22], $0x80, s23, s22, $0xb8;
	[tilespmem:$0x1EF80] =	vst v63  }
0xa5: {  	_ =	swait.ge @!p1 [sflag:s24], $0x4000  }
0xa6: {  	s26 =	simm.s32 @!p1 $0x2900;
	s28 =	simm.s32 @!p1 $0x2A00;
	[sflag:s24] =	ssyncset.done @!p1 $0x0  }
0xa7: {  	s29 =	simm.s32 @!p0 $0x2;
	s23 =	simm.s32 @!p1 $0x80;
	[sflag:s24] =	ssyncadd.s32 @!p1 $0xFFFFC000  }
0xa8: {  	[spmem:s1] =	stream.indirect.scatter.add.f32 @!p1 [tilespmem:s28], [sflag:$0x3], $0x80, s26, s23, $0xb8;
	[tilespmem:$0x1EF80] =	vst v63  }
0xa9: {  	_ =	swait.ge @!p0 [sflag:s29], $0x4000  }
0xaa: {  	[sflag:s29] =	ssyncset.done @!p0 $0x0  }
0xab: {  	s24 =	simm.s32 @!p1 $0x3;
	s23 =	simm.s32 @!p0 $0x2980;
	[sflag:s29] =	ssyncadd.s32 @!p0 $0xFFFFC000  }
0xac: {  	[spmem:s1] =	stream.indirect.scatter.add.f32 @!p0 [tilespmem:s25], [sflag:$0x4], $0x80, s23, s22, $0xb8;
	[tilespmem:$0x1EF80] =	vst v63  }
0xad: {  	_ =	swait.ge @!p1 [sflag:s24], $0x4000  }
0xae: {  	[sflag:s24] =	ssyncset.done @!p1 $0x0  }
0xaf: {  	p2 =	sle.u32 s5, $0x2;
	[sflag:s24] =	ssyncadd.s32 @!p1 $0xFFFFC000  }
0xb0: {  	v2 =	vld @!p2 [tilespmem:s21+$0x40];
	_ =	sdelay $0x4  }
0xb1: {  	v3 =	vand.u32 @!p2 $0x1FFFF, v2  }
0xb2: {  	v2 =	vshra.s32 @!p2 v2, $0x11;
	[tilespmem:$0x2800] =	vst @!p2 v3  }
0xb3: {  	[tilespmem:$0x2900] =	vst @!p2 v2  }
0xb4: {  	v2 =	vld @!p2 [tilespmem:s21+$0x50];
	_ =	sdelay $0x4  }
0xb5: {  	v3 =	vand.u32 @!p2 $0x1FFFF, v2  }
0xb6: {  	v2 =	vshra.s32 @!p2 v2, $0x11;
	[tilespmem:$0x2810] =	vst @!p2 v3  }
0xb7: {  	[tilespmem:$0x2910] =	vst @!p2 v2  }
0xb8: {  	v2 =	vld @!p2 [tilespmem:s21+$0x60];
	_ =	sdelay $0x4  }
0xb9: {  	v3 =	vand.u32 @!p2 $0x1FFFF, v2  }
0xba: {  	v2 =	vshra.s32 @!p2 v2, $0x11;
	[tilespmem:$0x2820] =	vst @!p2 v3  }
0xbb: {  	[tilespmem:$0x2920] =	vst @!p2 v2  }
0xbc: {  	v2 =	vld @!p2 [tilespmem:s21+$0x70];
	_ =	sdelay $0x4  }
0xbd: {  	v3 =	vand.u32 @!p2 $0x1FFFF, v2  }
0xbe: {  	v2 =	vshra.s32 @!p2 v2, $0x11;
	[tilespmem:$0x2830] =	vst @!p2 v3  }
0xbf: {  	[tilespmem:$0x2930] =	vst @!p2 v2  }
0xc0: {  	v2 =	vld @!p2 [tilespmem:s21+$0x80];
	_ =	sdelay $0x4  }
0xc1: {  	v3 =	vand.u32 @!p2 $0x1FFFF, v2  }
0xc2: {  	v2 =	vshra.s32 @!p2 v2, $0x11;
	[tilespmem:$0x2840] =	vst @!p2 v3  }
0xc3: {  	[tilespmem:$0x2940] =	vst @!p2 v2  }
0xc4: {  	v2 =	vld @!p2 [tilespmem:s21+$0x90];
	_ =	sdelay $0x4  }
0xc5: {  	v3 =	vand.u32 @!p2 $0x1FFFF, v2  }
0xc6: {  	v2 =	vshra.s32 @!p2 v2, $0x11;
	[tilespmem:$0x2850] =	vst @!p2 v3  }
0xc7: {  	s26 =	simm.s32 @!p2 $0x80;
	s28 =	simm.s32 @!p2 $0x2800;
	s29 =	simm.s32 @!p2 $0x2A00;
	[tilespmem:$0x2950] =	vst @!p2 v2  }
0xc8: {  	s22 =	simm.s32 $0x4;
	s25 =	simm.s32 @!p0 $0x4;
	s23 =	simm.s32 $0xC0;
	v2 =	vld @!p2 [tilespmem:s21+$0xA0]  }
.LBB2_4:
0xc9: {  	_ =	sdelay $0x1  }
0xca: {  	s21 =	sadd.s32 $0x100, s21;
	s24 =	smov.u32 s22;
	s22 =	sadd.s32 $0x2, s22  }
0xcb: {  	p1 =	sne.s32 s22, $0x52  }
0xcc: {  	v3 =	vand.u32 @!p2 $0x1FFFF, v2;
	v2 =	vshra.s32 @!p2 v2, $0x11  }
0xcd: {  	[tilespmem:$0x2860] =	vst @!p2 v3  }
0xce: {  	[tilespmem:$0x2960] =	vst @!p2 v2  }
0xcf: {  	v2 =	vld @!p2 [tilespmem:s23+$0xB0];
	s23 =	smov.u32 s21;
	_ =	sdelay $0x4  }
0xd0: {  	v3 =	vand.u32 @!p2 $0x1FFFF, v2;
	v2 =	vshra.s32 @!p2 v2, $0x11  }
0xd1: {  	[tilespmem:$0x2870] =	vst @!p2 v3  }
0xd2: {  	[tilespmem:$0x2970] =	vst @!p2 v2  }
0xd3: {  	[tilespmem:s29], [sflag:$0x1] =	stream.indirect.gather @!p2 [hbm4b:s4+s26], $0x80, s28, s26, $0xb8;
	[tilespmem:$0x1EF80] =	vst v63  }
0xd4: {  	_ =	swait.ge @!p0 [sflag:s25], $0x4000  }
0xd5: {  	s26 =	sadd.s32 $0xFFFFFFFF, s24;
	[sflag:s25] =	ssyncset.done @!p0 $0x0  }
0xd6: {  	[sflag:s25] =	ssyncadd.s32 @!p0 $0xFFFFC000;
	p0 =	sge.u32 s26, s5  }
0xd7: {  	v2 =	vld @!p0 [tilespmem:s21+$0xFFFFFFC0];
	_ =	sdelay $0x4  }
0xd8: {  	v3 =	vand.u32 @!p0 $0x1FFFF, v2;
	v2 =	vshra.s32 @!p0 v2, $0x11  }
0xd9: {  	[tilespmem:$0x2880] =	vst @!p0 v3  }
0xda: {  	[tilespmem:$0x2980] =	vst @!p0 v2  }
0xdb: {  	v2 =	vld @!p0 [tilespmem:s21+$0xFFFFFFD0];
	_ =	sdelay $0x4  }
0xdc: {  	v3 =	vand.u32 @!p0 $0x1FFFF, v2;
	v2 =	vshra.s32 @!p0 v2, $0x11  }
0xdd: {  	[tilespmem:$0x2890] =	vst @!p0 v3  }
0xde: {  	[tilespmem:$0x2990] =	vst @!p0 v2  }
0xdf: {  	v2 =	vld @!p0 [tilespmem:s21+$0xFFFFFFE0];
	_ =	sdelay $0x4  }
0xe0: {  	v3 =	vand.u32 @!p0 $0x1FFFF, v2;
	v2 =	vshra.s32 @!p0 v2, $0x11  }
0xe1: {  	[tilespmem:$0x28A0] =	vst @!p0 v3  }
0xe2: {  	[tilespmem:$0x29A0] =	vst @!p0 v2  }
0xe3: {  	v2 =	vld @!p0 [tilespmem:s21+$0xFFFFFFF0];
	_ =	sdelay $0x4  }
0xe4: {  	v3 =	vand.u32 @!p0 $0x1FFFF, v2;
	v2 =	vshra.s32 @!p0 v2, $0x11  }
0xe5: {  	[tilespmem:$0x28B0] =	vst @!p0 v3  }
0xe6: {  	[tilespmem:$0x29B0] =	vst @!p0 v2  }
0xe7: {  	v2 =	vld @!p0 [tilespmem:s21+$0x0];
	_ =	sdelay $0x4  }
0xe8: {  	v3 =	vand.u32 @!p0 $0x1FFFF, v2;
	v2 =	vshra.s32 @!p0 v2, $0x11  }
0xe9: {  	[tilespmem:$0x28C0] =	vst @!p0 v3  }
0xea: {  	[tilespmem:$0x29C0] =	vst @!p0 v2  }
0xeb: {  	v2 =	vld @!p0 [tilespmem:s21+$0x10];
	_ =	sdelay $0x4  }
0xec: {  	v3 =	vand.u32 @!p0 $0x1FFFF, v2;
	v2 =	vshra.s32 @!p0 v2, $0x11  }
0xed: {  	[tilespmem:$0x28D0] =	vst @!p0 v3  }
0xee: {  	[tilespmem:$0x29D0] =	vst @!p0 v2  }
0xef: {  	v2 =	vld @!p0 [tilespmem:s21+$0x20];
	_ =	sdelay $0x4  }
0xf0: {  	v3 =	vand.u32 @!p0 $0x1FFFF, v2;
	v2 =	vshra.s32 @!p0 v2, $0x11  }
0xf1: {  	s25 =	sadd.s32 $0xFFFFFFFE, s24;
	[tilespmem:$0x28E0] =	vst @!p0 v3  }
0xf2: {  	s26 =	simm.s32 @!p0 $0x80;
	s28 =	simm.s32 @!p0 $0x2880;
	p2 =	sge.u32 s25, s5;
	[tilespmem:$0x29E0] =	vst @!p0 v2  }
0xf3: {  	s25 =	simm.s32 @!p2 $0x1;
	v2 =	vld @!p0 [tilespmem:s21+$0x30];
	_ =	sdelay $0x2  }
0xf4: {  	s29 =	simm.s32 @!p2 $0x80;
	s30 =	simm.s32 @!p2 $0x2900;
	s31 =	simm.s32 @!p2 $0x2A00  }
0xf5: {  	s2 =	simm.s32 @!p0 $0x2  }
0xf6: {  	v3 =	vand.u32 @!p0 $0x1FFFF, v2;
	v2 =	vshra.s32 @!p0 v2, $0x11  }
0xf7: {  	[tilespmem:$0x28F0] =	vst @!p0 v3  }
0xf8: {  	s3 =	simm.s32 @!p0 $0x6A00;
	s17 =	simm.s32 @!p0 $0x2980;
	s18 =	simm.s32 @!p2 $0x3;
	[tilespmem:$0x29F0] =	vst @!p0 v2  }
0xf9: {  	[tilespmem:s3], [sflag:$0x2] =	stream.indirect.gather @!p0 [hbm4b:s4+s26], $0x80, s28, s26, $0xb8;
	[tilespmem:$0x1EF80] =	vst v63  }
0xfa: {  	_ =	swait.ge @!p2 [sflag:s25], $0x4000  }
0xfb: {  	[sflag:s25] =	ssyncset.done @!p2 $0x0  }
0xfc: {  	[sflag:s25] =	ssyncadd.s32 @!p2 $0xFFFFC000  }
0xfd: {  	[spmem:s1] =	stream.indirect.scatter.add.f32 @!p2 [tilespmem:s31], [sflag:$0x3], $0x80, s30, s29, $0xb8;
	[tilespmem:$0x1EF80] =	vst v63  }
0xfe: {  	_ =	swait.ge @!p0 [sflag:s2], $0x4000  }
0xff: {  	[sflag:s2] =	ssyncset.done @!p0 $0x0  }
0x100: {  	[sflag:s2] =	ssyncadd.s32 @!p0 $0xFFFFC000  }
0x101: {  	[spmem:s1] =	stream.indirect.scatter.add.f32 @!p0 [tilespmem:s3], [sflag:$0x4], $0x80, s17, s26, $0xb8;
	[tilespmem:$0x1EF80] =	vst v63  }
0x102: {  	_ =	swait.ge @!p2 [sflag:s18], $0x4000  }
0x103: {  	[sflag:s18] =	ssyncset.done @!p2 $0x0  }
0x104: {  	[sflag:s18] =	ssyncadd.s32 @!p2 $0xFFFFC000;
	p2 =	sge.u32 s24, s5  }
0x105: {  	v2 =	vld @!p2 [tilespmem:s21+$0x40];
	_ =	sdelay $0x4  }
0x106: {  	v3 =	vand.u32 @!p2 $0x1FFFF, v2;
	v2 =	vshra.s32 @!p2 v2, $0x11  }
0x107: {  	[tilespmem:$0x2800] =	vst @!p2 v3  }
0x108: {  	[tilespmem:$0x2900] =	vst @!p2 v2  }
0x109: {  	v2 =	vld @!p2 [tilespmem:s21+$0x50];
	_ =	sdelay $0x4  }
0x10a: {  	v3 =	vand.u32 @!p2 $0x1FFFF, v2;
	v2 =	vshra.s32 @!p2 v2, $0x11  }
0x10b: {  	[tilespmem:$0x2810] =	vst @!p2 v3  }
0x10c: {  	[tilespmem:$0x2910] =	vst @!p2 v2  }
0x10d: {  	v2 =	vld @!p2 [tilespmem:s21+$0x60];
	_ =	sdelay $0x4  }
0x10e: {  	v3 =	vand.u32 @!p2 $0x1FFFF, v2;
	v2 =	vshra.s32 @!p2 v2, $0x11  }
0x10f: {  	[tilespmem:$0x2820] =	vst @!p2 v3  }
0x110: {  	[tilespmem:$0x2920] =	vst @!p2 v2  }
0x111: {  	v2 =	vld @!p2 [tilespmem:s21+$0x70];
	_ =	sdelay $0x4  }
0x112: {  	v3 =	vand.u32 @!p2 $0x1FFFF, v2;
	v2 =	vshra.s32 @!p2 v2, $0x11  }
0x113: {  	[tilespmem:$0x2830] =	vst @!p2 v3  }
0x114: {  	[tilespmem:$0x2930] =	vst @!p2 v2  }
0x115: {  	v2 =	vld @!p2 [tilespmem:s21+$0x80];
	_ =	sdelay $0x4  }
0x116: {  	v3 =	vand.u32 @!p2 $0x1FFFF, v2;
	v2 =	vshra.s32 @!p2 v2, $0x11  }
0x117: {  	[tilespmem:$0x2840] =	vst @!p2 v3  }
0x118: {  	[tilespmem:$0x2940] =	vst @!p2 v2  }
0x119: {  	v2 =	vld @!p2 [tilespmem:s21+$0x90];
	_ =	sdelay $0x3  }
.Ltmp1:
0x11a: {  	(pc) =	sbr.rel @p1 .LBB2_4-.Ltmp1, $4  }
0x11b: {  	v3 =	vand.u32 @!p2 $0x1FFFF, v2;
	v2 =	vshra.s32 @!p2 v2, $0x11  }
0x11c: {  	[tilespmem:$0x2850] =	vst @!p2 v3  }
0x11d: {  	s26 =	simm.s32 @!p2 $0x80;
	s28 =	simm.s32 @!p2 $0x2800;
	s29 =	simm.s32 @!p2 $0x2A00;
	[tilespmem:$0x2950] =	vst @!p2 v2  }
0x11e: {  	s25 =	simm.s32 @!p0 $0x4;
	v2 =	vld @!p2 [tilespmem:s21+$0xA0]  }
0x11f: {  	_ =	sdelay $0x3  }
0x120: {  	v3 =	vand.u32 @!p2 $0x1FFFF, v2  }
0x121: {  	v2 =	vshra.s32 @!p2 v2, $0x11;
	[tilespmem:$0x2860] =	vst @!p2 v3  }
0x122: {  	[tilespmem:$0x2960] =	vst @!p2 v2  }
0x123: {  	v2 =	vld @!p2 [tilespmem:s23+$0xB0];
	_ =	sdelay $0x4  }
0x124: {  	v3 =	vand.u32 @!p2 $0x1FFFF, v2  }
0x125: {  	v2 =	vshra.s32 @!p2 v2, $0x11;
	[tilespmem:$0x2870] =	vst @!p2 v3  }
0x126: {  	[tilespmem:$0x2970] =	vst @!p2 v2  }
0x127: {  	[tilespmem:s29], [sflag:$0x1] =	stream.indirect.gather @!p2 [hbm4b:s4+s26], $0x80, s28, s26, $0xb8;
	[tilespmem:$0x1EF80] =	vst v63  }
0x128: {  	_ =	swait.ge @!p0 [sflag:s25], $0x4000  }
0x129: {  	s2 =	sshll.u32 s0, $0x6;
	s20 =	sadd.s32 $0x1, s20;
	[sflag:s25] =	ssyncset.done @!p0 $0x0  }
0x12a: {  	s3 =	sshrl.u32 s6, $0x3;
	[sflag:s25] =	ssyncadd.s32 @!p0 $0xFFFFC000;
	p0 =	sne.s32 s20, s14  }
.Ltmp2:
0x12b: {  	s2 =	sor.u32 $0x1C05, s2;
	[bflag:$0x0] =	sbarrier.arrive $0xFFFF;
	(pc) =	sbr.rel @p0 .LBB2_1-.Ltmp2, $4  }
0x12c: {  	[hbm:s13], [sflag:s2] =	dma.local [spmem:s3], $0x2800  }
0x12d: {  	_ =	swait.ge [sflag:s15], $0x2800  }
0x12e: {  	[sflag:s15] =	ssyncset.done $0x0  }
0x12f: {  	[sflag:s15] =	ssyncadd.s32 $0xFFFFD800  }
0x130: {  	_ =	sfence.sel $0x180000  }
0x131: {  	[bflag:$0x0] =	sbarrier.arrive $0xFFFF  }
0x132: {  	_ =	strace $0x9000004A  }
0x133: {  	[bflag:$0x2] =	sbarrier.arrive $0xFFFF  }
0x134: {  	p0 =	sne.s32 s0, $0x0;
	s0 =	rddreg [dreg:$0x4]  }
0x135: {  	s0 =	sadd.s32 @!p0 $0x100000, s0  }
0x136: {  	[sflag:s0] =	ssyncadd.tile.s32 @!p0 $0x1;
	_ =	shalt  }
.Lfunc_end2:
_tile_overlayer_lowered:
.L_overlay_start_2:
0x137: {  	(tag) =	ssettag $0x2  }
0x138: {  	s0 =	rddreg [dreg:$0x0];
	s2 =	stileid.u32  }
0x139: {  	s1 =	rddreg [dreg:$0x1];
	p0 =	sne.s32 s2, $0x0  }
0x13a: {  	s3 =	rddreg [dreg:$0x2];
	[bflag:$0x3] =	sbarrier.arrive $0xFFFF;
	s2 =	simm.s32 @!p0 $0x1C05  }
0x13b: {  	[timem:s3], [sflag:s2] =	dma.local @!p0 [hbm:s0], s1  }
0x13c: {  	s0 =	simm.s32 @!p0 $0x5  }
0x13d: {  	_ =	swait.ge @!p0 [sflag:s0], s1  }
0x13e: {  	s1 =	ssub.s32 @!p0 $0x0, s1;
	[sflag:s0] =	ssyncset.done @!p0 $0x0  }
0x13f: {  	[sflag:s0] =	ssyncadd.s32 @!p0 s1  }
0x140: {  	[bflag:$0x3] =	sbarrier.arrive $0xFFFF  }
0x141: {  	_ =	shalt  }

// kernel: kernel.17.cloned.1.call-start
scs
__scs_entry_jumppad:
0x0: {  	(pc) =	sbr.rel $0x88, $3  }
0x1: {  	(tag) =	ssettag $0x0;
	lr =	simm.s32 $0x1  }
0x2: {  	[smem:$0x3F92] =	sst lr;
	_ =	strace $0xD0000000  }
0x3: {  	_ = 	snop  }
0x4: {  	_ = 	snop  }
0x5: {  	_ = 	snop  }
0x6: {  	_ = 	snop  }
0x7: {  	_ = 	snop  }
__scs_overlays_trampoline_lowered:
0x8: {  	[smem:$0x3FA1] =	sst s0  }
0x9: {  	[smem:$0x3FA2] =	sst s1  }
0xa: {  	[smem:$0x3FA3] =	sst s2  }
0xb: {  	[smem:$0x3FA4] =	sst s3  }
0xc: {  	[smem:$0x3FA5] =	sst s4  }
0xd: {  	[smem:$0x3FA6] =	sst s5  }
0xe: {  	[smem:$0x3FA7] =	sst s6  }
0xf: {  	[smem:$0x3FA8] =	sst s7  }
0x10: {  	[smem:$0x3FA9] =	sst s8  }
0x11: {  	[smem:$0x3FAA] =	sst s9;
	s0 =	simm.s32 @!p0 $0x0  }
0x12: {  	s1 =	sld [smem:$0x3F90];
	s0 =	simm.s32 @p0 $0x1  }
0x13: {  	[smem:$0x3FAB] =	sst s0;
	s0 =	simm.s32 @!p1 $0x0  }
0x14: {  	s2 =	sld [smem:$0x3F8F];
	s0 =	simm.s32 @p1 $0x1  }
0x15: {  	[smem:$0x3FAC] =	sst s0;
	s0 =	simm.s32 @!p2 $0x0  }
0x16: {  	s3 =	sld [smem:$0x3FDB];
	s0 =	simm.s32 @p2 $0x1  }
0x17: {  	s4 =	simm.s32 $0x1BF5;
	[smem:$0x3FAE] =	sst s0  }
0x18: {  	s0 =	sld [smem:$0x3F91];
	_ =	swait.ge [sflag:s4], $0x0  }
0x19: {  	s7 =	sld [smem:$0x3F92]  }
0x1a: {  	s8 =	sadd.s32 $0xFFFFE003, lr  }
0x1b: {  	s9 =	sadd.s32 $0xFFFFFEF7, lr;
	s5 =	simm.s32 $0xFFFFFFFF;
	p2 =	slt.u32 s8, $0xFFFFF086  }
0x1c: {  	p1 =	slt.u32 s9, $0xF7A;
	s5 =	simm.s32 @!p2 $0x0  }
0x1d: {  	s5 =	simm.s32 @p1 $0x1;
	p0 =	seq.s32 s7, s2  }
0x1e: {  	s7 =	smul.u32 @!p0 $0xF7A, s2;
	p2 =	seq.s32 @!p0 s5, $0x0  }
0x1f: {  	s9 =	smul.u32 $0xF7A, s1;
	s8 =	simm.s32 @!p0 $0x1BF5;
	p2 =	por !p2, p0  }
0x20: {  	[sflag:s8] =	ssyncset.s32 @!p0 $0xFFFFF086;
	s6 =	sadd.s32 @!p0 s3, s7;
	s7 =	simm.s32 @!p0 $0x108  }
0x21: {  	s3 =	sadd.s32 s3, s9;
	s6 =	sadd.s32 @!p0 $0x88, s6;
	s7 =	simm.s32 @p2 $0x1082  }
0x22: {  	[simem:s7], [sflag:s8] =	dma.local @!p0 [hbm:s6], $0xF7A  }
0x23: {  	s9 =	sor.u32 $0xD0000000, s2;
	s6 =	simm.s32 $0x108;
	_ =	swait.ge @!p0 [sflag:s8], $0x0  }
0x24: {  	s3 =	sadd.s32 $0x88, s3;
	s6 =	simm.s32 @!p1 $0x1082;
	[sflag:s4] =	ssyncset.s32 $0xFFFFF086  }
0x25: {  	[simem:s6], [sflag:s4] =	dma.local [hbm:s3], $0xF7A  }
0x26: {  	[smem:$0x3F92] =	sst s1;
	(tag) =	ssettag s2;
	_ =	strace s9  }
0x27: {  	s1 =	sld [smem:$0x3FA2]  }
0x28: {  	s2 =	sld [smem:$0x3FA3]  }
0x29: {  	s4 =	sld [smem:$0x3FA5]  }
0x2a: {  	p0 =	seq.s32 s5, $0x0;
	s5 =	sld [smem:$0x3FA6]  }
0x2b: {  	s6 =	sld [smem:$0x3FA7]  }
0x2c: {  	s7 =	sld [smem:$0x3FA8]  }
0x2d: {  	s3 =	simm.s32 $0x108;
	s8 =	sld [smem:$0x3FA9]  }
0x2e: {  	s3 =	simm.s32 @!p0 $0x1082;
	s9 =	sld [smem:$0x3FAA]  }
0x2f: {  	lr =	sadd.s32 s0, s3;
	s0 =	sld [smem:$0x3FA1]  }
0x30: {  	s3 =	sld [smem:$0x3FA4]  }
0x31: {  	[smem:$0x3FAD] =	sst s10  }
0x32: {  	s10 =	sld [smem:$0x3FAB];
	_ =	sdelay $0x3  }
0x33: {  	p0 =	seq.s32 s10, $0x1;
	s10 =	sld [smem:$0x3FAD];
	_ =	sdelay $0x3  }
0x34: {  	[smem:$0x3FAD] =	sst s10  }
0x35: {  	s10 =	sld [smem:$0x3FAC];
	_ =	sdelay $0x3  }
0x36: {  	p1 =	seq.s32 s10, $0x1;
	s10 =	sld [smem:$0x3FAD];
	_ =	sdelay $0x3  }
0x37: {  	[smem:$0x3FAD] =	sst s10  }
0x38: {  	s10 =	sld [smem:$0x3FAE]  }
0x39: {  	_ = 	snop;
	(pc) =	sbr.ind lr, $3  }
0x3a: {  	_ = 	snop  }
0x3b: {  	_ = 	snop  }
0x3c: {  	p2 =	seq.s32 s10, $0x1;
	s10 =	sld [smem:$0x3FAD]  }
0x3d: {  	_ =	shalt  }
0x3e: {  	_ =	shalt  }
0x3f: {  	_ =	shalt  }
0x40: {  	_ =	shalt  }
0x41: {  	_ =	shalt  }
0x42: {  	_ =	shalt  }
0x43: {  	_ =	shalt  }
0x44: {  	_ =	shalt  }
0x45: {  	_ =	shalt  }
0x46: {  	_ =	shalt  }
0x47: {  	_ =	shalt  }
0x48: {  	_ =	shalt  }
0x49: {  	_ =	shalt  }
0x4a: {  	_ =	shalt  }
0x4b: {  	_ =	shalt  }
0x4c: {  	_ =	shalt  }
0x4d: {  	_ =	shalt  }
0x4e: {  	_ =	shalt  }
0x4f: {  	_ =	shalt  }
0x50: {  	_ =	shalt  }
0x51: {  	_ =	shalt  }
0x52: {  	_ =	shalt  }
0x53: {  	_ =	shalt  }
0x54: {  	_ =	shalt  }
0x55: {  	_ =	shalt  }
0x56: {  	_ =	shalt  }
0x57: {  	_ =	shalt  }
0x58: {  	_ =	shalt  }
0x59: {  	_ =	shalt  }
0x5a: {  	_ =	shalt  }
0x5b: {  	_ =	shalt  }
0x5c: {  	_ =	shalt  }
0x5d: {  	_ =	shalt  }
0x5e: {  	_ =	shalt  }
0x5f: {  	_ =	shalt  }
0x60: {  	_ =	shalt  }
0x61: {  	_ =	shalt  }
0x62: {  	_ =	shalt  }
0x63: {  	_ =	shalt  }
0x64: {  	_ =	shalt  }
0x65: {  	_ =	shalt  }
0x66: {  	_ =	shalt  }
0x67: {  	_ =	shalt  }
0x68: {  	_ =	shalt  }
0x69: {  	_ =	shalt  }
0x6a: {  	_ =	shalt  }
0x6b: {  	_ =	shalt  }
0x6c: {  	_ =	shalt  }
0x6d: {  	_ =	shalt  }
0x6e: {  	_ =	shalt  }
0x6f: {  	_ =	shalt  }
0x70: {  	_ =	shalt  }
0x71: {  	_ =	shalt  }
0x72: {  	_ =	shalt  }
0x73: {  	_ =	shalt  }
0x74: {  	_ =	shalt  }
0x75: {  	_ =	shalt  }
0x76: {  	_ =	shalt  }
0x77: {  	_ =	shalt  }
0x78: {  	_ =	shalt  }
0x79: {  	_ =	shalt  }
0x7a: {  	_ =	shalt  }
0x7b: {  	_ =	shalt  }
0x7c: {  	_ =	shalt  }
0x7d: {  	_ =	shalt  }
0x7e: {  	_ =	shalt  }
0x7f: {  	_ =	shalt  }
0x80: {  	_ =	shalt  }
0x81: {  	_ =	shalt  }
0x82: {  	_ =	shalt  }
0x83: {  	_ =	shalt  }
0x84: {  	_ =	shalt  }
0x85: {  	_ =	shalt  }
0x86: {  	_ =	shalt  }
0x87: {  	_ =	shalt  }
.Lfunc_end0:
.L_simem_size_0:
called_computation.2_lowered:
.L_overlay_start_0:
0x88: {  	s2 =	sld [smem:$0x3FD9]  }
0x89: {  	s3 =	sld [smem:$0x3FFE];
	_ =	sdelay $0x1  }
0x8a: {  	s1 =	srdreg.scid  }
0x8b: {  	s0 =	sand.u32 $0x1, s1  }
0x8c: {  	s17 =	sshll.u32 s0, $0xA;
	s2 =	sadd.s32 s3, s2  }
0x8d: {  	s2 =	sadd.s32 s2, s17  }
0x8e: {  	[smem:$0x3FB9] =	sst s2  }
0x8f: {  	_ = 	snop  }
0x90: {  	s2 =	sld [smem:$0x3FD0];
	(tm) =	ssettm $0x1  }
0x91: {  	s18 =	sld [smem:$0x3FFB];
	_ =	sdelay $0x3  }
0x92: {  	_ =	strace s18  }
0x93: {  	s3 =	sld [smem:$0x3FFC];
	_ =	sdelay $0x3  }
0x94: {  	_ =	strace s3  }
0x95: {  	s3 =	sld [smem:$0x3FFD];
	_ =	sdelay $0x3  }
0x96: {  	_ =	strace s3  }
0x97: {  	_ =	strace $0x8FFFFFFF  }
0x98: {  	s19 =	sld [smem:$0x3FDB];
	_ =	sdelay $0x1  }
0x99: {  	s4 =	simm.s32 $_scs_section_size  }
0x9a: {  	s5 =	simm.s32 $_size__tile_overlayer_lowered;
	s6 =	simm.s32 $_tile_overlayer_lowered  }
0x9b: {  	s22 =	simm.s32 $0x1BFF;
	s21 =	sshll.u32 s6, $0x1;
	s3 =	sadd.s32 s4, s19  }
0x9c: {  	s7 =	simm.s32 $0x0;
	s20 =	sshll.u32 s5, $0x1;
	s5 =	sadd.s32 s21, s3  }
0x9d: {  	[timem:s7], [sflag:s22] =	dma.local [hbm:s5], s20  }
0x9e: {  	_ =	swait.ge [sflag:s22], s20  }
0x9f: {  	s4 =	ssub.s32 $0x0, s20;
	[sflag:s22] =	ssyncset.done $0x0  }
0xa0: {  	[sflag:s22] =	ssyncadd.s32 s4;
	_ =	sdelay $0x1  }
0xa1: {  	s23 =	simm.s32 $0x1B8B  }
0xa2: {  	_ =	swait.ge [sflag:s23], $0x1  }
0xa3: {  	[sflag:s23] =	ssyncset.done $0x0  }
0xa4: {  	s25 =	simm.s32 $0x1B8E;
	s24 =	sld [smem:$0x3FFE];
	[sflag:s23] =	ssyncadd.s32 $0xFFFFFFFF  }
0xa5: {  	s26 =	simm.s32 $execute0_lowered;
	[smem:$0x3FD2] =	sst s25  }
0xa6: {  	s5 =	sshll.u32 s26, $0x1;
	_ =	strace $0x8000004C;
	[dreg:$0x1] =	wrdreg $0xFFFFFFFF  }
0xa7: {  	s28 =	simm.s32 $_size_execute0_lowered;
	s3 =	sadd.s32 s3, s5;
	[dreg:$0x0] =	wrdreg $0x0  }
0xa8: {  	s5 =	sshll.u32 s28, $0x1;
	[dreg:$0x2] =	wrdreg s3  }
0xa9: {  	[dreg:$0x3] =	wrdreg s5  }
0xaa: {  	[dreg:$0x4] =	wrdreg $0xC0  }
0xab: {  	_ =	task [dreg:s7], $0x5FFFF  }
0xac: {  	[dreg:$0x1] =	wrdreg $0xFFFFFFFF  }
0xad: {  	[dreg:$0x0] =	wrdreg $0x60  }
0xae: {  	[dreg:$0x2] =	wrdreg s2  }
0xaf: {  	[dreg:$0x3] =	wrdreg s24  }
0xb0: {  	[dreg:$0x4] =	wrdreg $0xAD000  }
0xb1: {  	[dreg:$0x5] =	wrdreg $0x1ED000  }
0xb2: {  	[dreg:$0x6] =	wrdreg $0x9  }
0xb3: {  	_ =	task.clear_ibuf [dreg:s7], $0x7FFFF;
	_ =	strace $0x9000004C  }
0xb4: {  	s29 =	simm.s32 $0x9;
	_ =	strace $0x8000004E  }
0xb5: {  	_ =	swait.ge [sflag:s29], $0x1  }
0xb6: {  	[sflag:s29] =	ssyncadd.s32 $0xFFFFFFFF  }
0xb7: {  	_ =	strace $0x9000004E  }
0xb8: {  	_ =	sfence  }
0xb9: {  	s30 =	sld [smem:$0x0];
	_ =	sdelay $0x2  }
0xba: {  	s31 =	sshll.u32 s1, $0xD;
	s1 =	sshrl.u32 s1, $0x2  }
0xbb: {  	s3 =	sand.u32 $0x4000, s31;
	s1 =	sadd.s32 s1, s30  }
0xbc: {  	s0 =	sor.u32 s3, s0;
	s1 =	sshll.u32 s1, $0x11  }
0xbd: {  	s0 =	sor.u32 s1, s0  }
0xbe: {  	s0 =	sadd.s32 $0x8F2B, s0  }
0xbf: {  	[sflag:s0] =	ssyncadd.remote.s32 $0x1  }
0xc0: {  	_ =	sfence.sel $0xFFFF  }
0xc1: {  	[dreg:$0x0] =	wrdreg $0xFFFFFFFF;
	(pc) =	sbr.abs _section_cstart, $3  }
0xc2: {  	[dreg:$0x1] =	wrdreg $0xFFFFFFFF  }
0xc3: {  	_ =	task.clear_ibuf [dreg:s7], $0x2FFFF;
	_ =	strace $0x9FFFFFFF  }
0xc4: {  	(tm) =	ssettm $0x7FFFFFFF  }
0xc5: {  	_ =	shalt  }
tec
execute0_lowered:
.L_overlay_start_1:
0x0: {  	(tag) =	ssettag $0x1  }
0x1: {  	s7 =	rddreg [dreg:$0x0]  }
0x2: {  	s5 =	rddreg [dreg:$0x1]  }
0x3: {  	s0 =	srdreg.scid;
	s1 =	rddreg [dreg:$0x2]  }
0x4: {  	s12 =	rddreg [dreg:$0x3];
	s2 =	simm.s32 $0x0;
	s6 =	sand.u32 $0x1, s0  }
0x5: {  	s16 =	simm.s32 $0x2A00;
	s0 =	stileid.u32;
	s4 =	smul.u32 $0x140000, s6  }
0x6: {  	s19 =	simm.s32 $0x2800;
	s20 =	simm.s32 $0x0;
	s8 =	smul.u32 $0x14000, s0  }
0x7: {  	[smem:$0x7FF] =	sst s2;
	s9 =	sshll.u32 s0, $0x1;
	s11 =	smul.u32 $0x50000, s0  }
0x8: {  	_ =	strace $0x8000004D;
	s15 =	smul.u32 $0xA00, s0;
	s9 =	sor.u32 s6, s9  }
0x9: {  	s6 =	ssub.s32 $0x2, s6;
	s8 =	sadd.s32 s8, s4;
	s9 =	smul.u32 $0x2800, s9  }
0xa: {  	s4 =	sadd.s32 $0x53200, s5;
	s28 =	sshrl.u32 s6, $0x1;
	s30 =	sshrl.u32 s11, $0x2  }
0xb: {  	s15 =	sshrl.u32 s15, $0x2;
	s8 =	sshrl.u32 s8, $0x3;
	s14 =	ssub.s32 s6, s28  }
0xc: {  	s6 =	sadd.s32 s30, s1;
	s12 =	sadd.s32 s15, s12;
	s15 =	simm.s32 $0x5  }
0xd: {  	s10 =	ssub.s32 $0x4E200, s9;
	s13 =	sadd.s32 s8, s5;
	s31 =	sshrl.u32 s9, $0x3  }
0xe: {  	s8 =	sadd.s32 $0x4000, s6;
	s9 =	sadd.s32 $0x8000, s6;
	s11 =	sadd.s32 $0x10000, s6  }
0xf: {  	s14 =	smax.u32 s14, $0x1;
	s29 =	sshrl.u32 s10, $0x7;
	s7 =	sadd.s32 s7, s31  }
0x10: {  	v0 =	vimm.f32 $0.0e+00;
	v1 =	vimm.f32 $1.000000000e+00;
	s10 =	sadd.s32 $0xC000, s6;
	s13 =	sadd.s32 $0x18BA00, s13;
	s5 =	smin.u32 s29, $0x50  }
.LBB2_1:
0x11: {  	s2 =	simm.s32 $0x0  }
0x12: {  	[tilespmem:s2], [sflag:$0x5] =	stream.linear.gather [hbm4b:s7+s2], $0x2800, $0x38;
	[tilespmem:$0x1EF80] =	vst v63  }
0x13: {  	_ =	swait.ge [sflag:s15], $0x2800  }
0x14: {  	[sflag:s15] =	ssyncset.done $0x0  }
0x15: {  	s21 =	simm.s32 $0x0;
	s22 =	simm.s32 $0x200;
	[sflag:s15] =	ssyncadd.s32 $0xFFFFD800  }
.LBB2_2:
0x16: {  	p0 =	sne.s32 s22, $0xFE00;
	[tilespmem:s21+$0x2A70] =	vst v0  }
0x17: {  	[tilespmem:s21+$0x2A00] =	vst v0  }
0x18: {  	[tilespmem:s21+$0x2A10] =	vst v0  }
.Ltmp0:
0x19: {  	[tilespmem:s21+$0x2A20] =	vst v0;
	(pc) =	sbr.rel @p0 .LBB2_2-.Ltmp0, $4  }
0x1a: {  	[tilespmem:s21+$0x2A30] =	vst v0  }
0x1b: {  	[tilespmem:s21+$0x2A40] =	vst v0  }
0x1c: {  	[tilespmem:s21+$0x2A50] =	vst v0  }
0x1d: {  	[tilespmem:s21+$0x2A60] =	vst v0;
	s21 =	sshra.s32 s22, $0x2;
	s22 =	sadd.s32 $0x200, s22  }
0x1e: {  	[tilespmem:s21+$0x2A70] =	vst v0  }
0x1f: {  	[tilespmem:s21+$0x2A00] =	vst v0  }
0x20: {  	[tilespmem:s21+$0x2A10] =	vst v0  }
0x21: {  	[tilespmem:s21+$0x2A20] =	vst v0  }
0x22: {  	[tilespmem:s21+$0x2A30] =	vst v0  }
0x23: {  	[tilespmem:s21+$0x2A40] =	vst v0  }
0x24: {  	[tilespmem:s21+$0x2A50] =	vst v0  }
0x25: {  	[tilespmem:s21+$0x2A60] =	vst v0  }
0x26: {  	[tilespmem:$0xAA00] =	vst v1  }
0x27: {  	[tilespmem:$0xAA10] =	vst v1  }
0x28: {  	[tilespmem:$0xAA20] =	vst v1  }
0x29: {  	[tilespmem:$0xAA30] =	vst v1  }
0x2a: {  	[tilespmem:$0xAA40] =	vst v1  }
0x2b: {  	[tilespmem:$0xAA50] =	vst v1  }
0x2c: {  	[tilespmem:$0xAA60] =	vst v1  }
0x2d: {  	[tilespmem:$0xAA70] =	vst v1  }
0x2e: {  	[tilespmem:$0xAA80] =	vst v0  }
0x2f: {  	[tilespmem:$0xAA90] =	vst v0  }
0x30: {  	[tilespmem:$0xAAA0] =	vst v0  }
0x31: {  	[tilespmem:$0xAAB0] =	vst v0  }
0x32: {  	[tilespmem:$0xAAC0] =	vst v0  }
0x33: {  	[tilespmem:$0xAAD0] =	vst v0  }
0x34: {  	[tilespmem:$0xAAE0] =	vst v0  }
0x35: {  	[tilespmem:$0xAAF0] =	vst v0  }
0x36: {  	[tilespmem:$0xAB00] =	vst v0  }
0x37: {  	[tilespmem:$0xAB10] =	vst v0  }
0x38: {  	[tilespmem:$0xAB20] =	vst v0  }
0x39: {  	[tilespmem:$0xAB30] =	vst v0  }
0x3a: {  	[tilespmem:$0xAB40] =	vst v0  }
0x3b: {  	[tilespmem:$0xAB50] =	vst v0  }
0x3c: {  	[tilespmem:$0xAB60] =	vst v0  }
0x3d: {  	[tilespmem:$0xAB70] =	vst v0  }
0x3e: {  	[tilespmem:$0xAB80] =	vst v0  }
0x3f: {  	[tilespmem:$0xAB90] =	vst v0  }
0x40: {  	[tilespmem:$0xABA0] =	vst v0  }
0x41: {  	[tilespmem:$0xABB0] =	vst v0  }
0x42: {  	[tilespmem:$0xABC0] =	vst v0  }
0x43: {  	[tilespmem:$0xABD0] =	vst v0  }
0x44: {  	[tilespmem:$0xABE0] =	vst v0  }
0x45: {  	[tilespmem:$0xABF0] =	vst v0  }
0x46: {  	[tilespmem:$0xAC00] =	vst v0  }
0x47: {  	[tilespmem:$0xAC10] =	vst v0  }
0x48: {  	[tilespmem:$0xAC20] =	vst v0  }
0x49: {  	[tilespmem:$0xAC30] =	vst v0  }
0x4a: {  	[tilespmem:$0xAC40] =	vst v0  }
0x4b: {  	[tilespmem:$0xAC50] =	vst v0  }
0x4c: {  	[tilespmem:$0xAC60] =	vst v0  }
0x4d: {  	[tilespmem:$0xAC70] =	vst v0  }
0x4e: {  	[tilespmem:$0xAC80] =	vst v0  }
0x4f: {  	[tilespmem:$0xAC90] =	vst v0  }
0x50: {  	[tilespmem:$0xACA0] =	vst v0  }
0x51: {  	[tilespmem:$0xACB0] =	vst v0  }
0x52: {  	[tilespmem:$0xACC0] =	vst v0  }
0x53: {  	[tilespmem:$0xACD0] =	vst v0  }
0x54: {  	[tilespmem:$0xACE0] =	vst v0  }
0x55: {  	[tilespmem:$0xACF0] =	vst v0  }
0x56: {  	[spmem:s6] =	stream.linear.scatter [tilespmem:s16], [sflag:$0x5], $0x4000, $0x38;
	[tilespmem:$0x1EF80] =	vst v63  }
0x57: {  	_ =	swait.ge [sflag:s15], $0x4000  }
0x58: {  	[sflag:s15] =	ssyncset.done $0x0  }
0x59: {  	[sflag:s15] =	ssyncadd.s32 $0xFFFFC000  }
0x5a: {  	[spmem:s8] =	stream.linear.scatter [tilespmem:s16], [sflag:$0x5], $0x4000, $0x38;
	[tilespmem:$0x1EF80] =	vst v63  }
0x5b: {  	_ =	swait.ge [sflag:s15], $0x4000  }
0x5c: {  	[sflag:s15] =	ssyncset.done $0x0  }
0x5d: {  	[sflag:s15] =	ssyncadd.s32 $0xFFFFC000  }
0x5e: {  	[spmem:s9] =	stream.linear.scatter [tilespmem:s16], [sflag:$0x5], $0x4000, $0x38;
	[tilespmem:$0x1EF80] =	vst v63  }
0x5f: {  	_ =	swait.ge [sflag:s15], $0x4000  }
0x60: {  	[sflag:s15] =	ssyncset.done $0x0  }
0x61: {  	[sflag:s15] =	ssyncadd.s32 $0xFFFFC000  }
0x62: {  	[spmem:s10] =	stream.linear.scatter [tilespmem:s16], [sflag:$0x5], $0x4000, $0x38;
	[tilespmem:$0x1EF80] =	vst v63  }
0x63: {  	_ =	swait.ge [sflag:s15], $0x4000  }
0x64: {  	[sflag:s15] =	ssyncset.done $0x0  }
0x65: {  	[sflag:s15] =	ssyncadd.s32 $0xFFFFC000  }
0x66: {  	[spmem:s11] =	stream.linear.scatter [tilespmem:s16], [sflag:$0x5], $0x4000, $0x38;
	[tilespmem:$0x1EF80] =	vst v63  }
0x67: {  	_ =	swait.ge [sflag:s15], $0x4000  }
0x68: {  	[sflag:s15] =	ssyncset.done $0x0  }
0x69: {  	s2 =	simm.s32 $0xAA80;
	[sflag:s15] =	ssyncadd.s32 $0xFFFFC000  }
0x6a: {  	[spmem:s12] =	stream.linear.scatter [tilespmem:s2], [sflag:$0x5], $0x280, $0x38;
	[tilespmem:$0x1EF80] =	vst v63  }
0x6b: {  	_ =	swait.ge [sflag:s15], $0x280  }
0x6c: {  	[sflag:s15] =	ssyncset.done $0x0  }
0x6d: {  	[sflag:s15] =	ssyncadd.s32 $0xFFFFFD80  }
0x6e: {  	v2 =	vld [tilespmem:$0x0];
	_ =	sdelay $0x1  }
0x6f: {  	v3 =	vld [tilespmem:$0x10];
	_ =	sdelay $0x1  }
0x70: {  	v4 =	vld [tilespmem:$0x20]  }
0x71: {  	v5 =	vand.u32 $0x1FFFF, v2  }
0x72: {  	v61 =	vld [tilespmem:$0x30];
	v2 =	vshra.s32 v2, $0x11;
	[tilespmem:$0x2800] =	vst v5  }
0x73: {  	[tilespmem:$0x2900] =	vst v2;
	v2 =	vand.u32 $0x1FFFF, v3  }
0x74: {  	[tilespmem:$0x2810] =	vst v2;
	v2 =	vshra.s32 v3, $0x11;
	v3 =	vld [tilespmem:$0x40]  }
0x75: {  	[tilespmem:$0x2910] =	vst v2;
	v2 =	vand.u32 $0x1FFFF, v4  }
0x76: {  	v62 =	vld [tilespmem:$0x50];
	[tilespmem:$0x2820] =	vst v2;
	v2 =	vshra.s32 v4, $0x11  }
0x77: {  	[tilespmem:$0x2920] =	vst v2;
	v2 =	vand.u32 $0x1FFFF, v61  }
0x78: {  	v63 =	vld [tilespmem:$0x60];
	[tilespmem:$0x2830] =	vst v2;
	v2 =	vshra.s32 v61, $0x11  }
0x79: {  	[tilespmem:$0x2930] =	vst v2;
	v2 =	vand.u32 $0x1FFFF, v3  }
0x7a: {  	[tilespmem:$0x2840] =	vst v2;
	v2 =	vshra.s32 v3, $0x11;
	v3 =	vld [tilespmem:$0x70]  }
0x7b: {  	[tilespmem:$0x2940] =	vst v2;
	v2 =	vand.u32 $0x1FFFF, v62  }
0x7c: {  	[tilespmem:$0x2850] =	vst v2;
	v2 =	vshra.s32 v62, $0x11  }
0x7d: {  	[tilespmem:$0x2950] =	vst v2;
	v2 =	vand.u32 $0x1FFFF, v63  }
0x7e: {  	[tilespmem:$0x2860] =	vst v2;
	v2 =	vshra.s32 v63, $0x11  }
0x7f: {  	[tilespmem:$0x2960] =	vst v2;
	v2 =	vand.u32 $0x1FFFF, v3  }
0x80: {  	[tilespmem:$0x2870] =	vst v2;
	v2 =	vshra.s32 v3, $0x11  }
0x81: {  	s31 =	simm.s32 $0x80;
	[tilespmem:$0x2970] =	vst v2  }
0x82: {  	[tilespmem:s16], [sflag:$0x1] =	stream.indirect.gather [hbm4b:s4+s31], $0x80, s19, s31, $0xb8;
	[tilespmem:$0x1EF80] =	vst v63  }
0x83: {  	s21 =	simm.s32 $0xC0;
	p0 =	sle.u32 s5, $0x1;
	[bflag:$0x0] =	sbarrier.arrive $0xFFFF  }
0x84: {  	v2 =	vld @!p0 [tilespmem:s21+$0xFFFFFFC0];
	_ =	sdelay $0x4  }
0x85: {  	v3 =	vand.u32 @!p0 $0x1FFFF, v2  }
0x86: {  	v2 =	vshra.s32 @!p0 v2, $0x11;
	[tilespmem:$0x2880] =	vst @!p0 v3  }
0x87: {  	[tilespmem:$0x2980] =	vst @!p0 v2  }
0x88: {  	v2 =	vld @!p0 [tilespmem:s21+$0xFFFFFFD0];
	_ =	sdelay $0x4  }
0x89: {  	v3 =	vand.u32 @!p0 $0x1FFFF, v2  }
0x8a: {  	v2 =	vshra.s32 @!p0 v2, $0x11;
	[tilespmem:$0x2890] =	vst @!p0 v3  }
0x8b: {  	[tilespmem:$0x2990] =	vst @!p0 v2  }
0x8c: {  	v2 =	vld @!p0 [tilespmem:s21+$0xFFFFFFE0];
	_ =	sdelay $0x4  }
0x8d: {  	v3 =	vand.u32 @!p0 $0x1FFFF, v2  }
0x8e: {  	v2 =	vshra.s32 @!p0 v2, $0x11;
	[tilespmem:$0x28A0] =	vst @!p0 v3  }
0x8f: {  	[tilespmem:$0x29A0] =	vst @!p0 v2  }
0x90: {  	v2 =	vld @!p0 [tilespmem:s21+$0xFFFFFFF0];
	_ =	sdelay $0x4  }
0x91: {  	v3 =	vand.u32 @!p0 $0x1FFFF, v2  }
0x92: {  	v2 =	vshra.s32 @!p0 v2, $0x11;
	[tilespmem:$0x28B0] =	vst @!p0 v3  }
0x93: {  	[tilespmem:$0x29B0] =	vst @!p0 v2  }
0x94: {  	v2 =	vld @!p0 [tilespmem:s21+$0x0];
	_ =	sdelay $0x4  }
0x95: {  	v3 =	vand.u32 @!p0 $0x1FFFF, v2  }
0x96: {  	v2 =	vshra.s32 @!p0 v2, $0x11;
	[tilespmem:$0x28C0] =	vst @!p0 v3  }
0x97: {  	[tilespmem:$0x29C0] =	vst @!p0 v2  }
0x98: {  	v2 =	vld @!p0 [tilespmem:s21+$0x10];
	_ =	sdelay $0x4  }
0x99: {  	v3 =	vand.u32 @!p0 $0x1FFFF, v2  }
0x9a: {  	v2 =	vshra.s32 @!p0 v2, $0x11;
	[tilespmem:$0x28D0] =	vst @!p0 v3  }
0x9b: {  	[tilespmem:$0x29D0] =	vst @!p0 v2  }
0x9c: {  	v2 =	vld @!p0 [tilespmem:s21+$0x20];
	_ =	sdelay $0x4  }
0x9d: {  	v3 =	vand.u32 @!p0 $0x1FFFF, v2  }
0x9e: {  	v2 =	vshra.s32 @!p0 v2, $0x11;
	[tilespmem:$0x28E0] =	vst @!p0 v3  }
0x9f: {  	[tilespmem:$0x29E0] =	vst @!p0 v2  }
0xa0: {  	v2 =	vld @!p0 [tilespmem:s21+$0x30];
	_ =	sdelay $0x4  }
0xa1: {  	v3 =	vand.u32 @!p0 $0x1FFFF, v2  }
0xa2: {  	p1 =	sle.u32 s5, $0x0;
	s22 =	simm.s32 @!p0 $0x80;
	v2 =	vshra.s32 @!p0 v2, $0x11;
	[tilespmem:$0x28F0] =	vst @!p0 v3  }
0xa3: {  	s23 =	simm.s32 @!p0 $0x2880;
	s24 =	simm.s32 @!p1 $0x1;
	s25 =	simm.s32 @!p0 $0x6A00;
	[tilespmem:$0x29F0] =	vst @!p0 v2  }
0xa4: {  	[tilespmem:s25], [sflag:$0x2] =	stream.indirect.gather @!p0 [hbm4b:s4+s22], $0x80, s23, s22, $0xb8;
	[tilespmem:$0x1EF80] =	vst v63  }
0xa5: {  	_ =	swait.ge @!p1 [sflag:s24], $0x4000  }
0xa6: {  	s26 =	simm.s32 @!p1 $0x2900;
	s28 =	simm.s32 @!p1 $0x2A00;
	[sflag:s24] =	ssyncset.done @!p1 $0x0  }
0xa7: {  	s29 =	simm.s32 @!p0 $0x2;
	s23 =	simm.s32 @!p1 $0x80;
	[sflag:s24] =	ssyncadd.s32 @!p1 $0xFFFFC000  }
0xa8: {  	[spmem:s1] =	stream.indirect.scatter.add.f32 @!p1 [tilespmem:s28], [sflag:$0x3], $0x80, s26, s23, $0xb8;
	[tilespmem:$0x1EF80] =	vst v63  }
0xa9: {  	_ =	swait.ge @!p0 [sflag:s29], $0x4000  }
0xaa: {  	[sflag:s29] =	ssyncset.done @!p0 $0x0  }
0xab: {  	s24 =	simm.s32 @!p1 $0x3;
	s23 =	simm.s32 @!p0 $0x2980;
	[sflag:s29] =	ssyncadd.s32 @!p0 $0xFFFFC000  }
0xac: {  	[spmem:s1] =	stream.indirect.scatter.add.f32 @!p0 [tilespmem:s25], [sflag:$0x4], $0x80, s23, s22, $0xb8;
	[tilespmem:$0x1EF80] =	vst v63  }
0xad: {  	_ =	swait.ge @!p1 [sflag:s24], $0x4000  }
0xae: {  	[sflag:s24] =	ssyncset.done @!p1 $0x0  }
0xaf: {  	p2 =	sle.u32 s5, $0x2;
	[sflag:s24] =	ssyncadd.s32 @!p1 $0xFFFFC000  }
0xb0: {  	v2 =	vld @!p2 [tilespmem:s21+$0x40];
	_ =	sdelay $0x4  }
0xb1: {  	v3 =	vand.u32 @!p2 $0x1FFFF, v2  }
0xb2: {  	v2 =	vshra.s32 @!p2 v2, $0x11;
	[tilespmem:$0x2800] =	vst @!p2 v3  }
0xb3: {  	[tilespmem:$0x2900] =	vst @!p2 v2  }
0xb4: {  	v2 =	vld @!p2 [tilespmem:s21+$0x50];
	_ =	sdelay $0x4  }
0xb5: {  	v3 =	vand.u32 @!p2 $0x1FFFF, v2  }
0xb6: {  	v2 =	vshra.s32 @!p2 v2, $0x11;
	[tilespmem:$0x2810] =	vst @!p2 v3  }
0xb7: {  	[tilespmem:$0x2910] =	vst @!p2 v2  }
0xb8: {  	v2 =	vld @!p2 [tilespmem:s21+$0x60];
	_ =	sdelay $0x4  }
0xb9: {  	v3 =	vand.u32 @!p2 $0x1FFFF, v2  }
0xba: {  	v2 =	vshra.s32 @!p2 v2, $0x11;
	[tilespmem:$0x2820] =	vst @!p2 v3  }
0xbb: {  	[tilespmem:$0x2920] =	vst @!p2 v2  }
0xbc: {  	v2 =	vld @!p2 [tilespmem:s21+$0x70];
	_ =	sdelay $0x4  }
0xbd: {  	v3 =	vand.u32 @!p2 $0x1FFFF, v2  }
0xbe: {  	v2 =	vshra.s32 @!p2 v2, $0x11;
	[tilespmem:$0x2830] =	vst @!p2 v3  }
0xbf: {  	[tilespmem:$0x2930] =	vst @!p2 v2  }
0xc0: {  	v2 =	vld @!p2 [tilespmem:s21+$0x80];
	_ =	sdelay $0x4  }
0xc1: {  	v3 =	vand.u32 @!p2 $0x1FFFF, v2  }
0xc2: {  	v2 =	vshra.s32 @!p2 v2, $0x11;
	[tilespmem:$0x2840] =	vst @!p2 v3  }
0xc3: {  	[tilespmem:$0x2940] =	vst @!p2 v2  }
0xc4: {  	v2 =	vld @!p2 [tilespmem:s21+$0x90];
	_ =	sdelay $0x4  }
0xc5: {  	v3 =	vand.u32 @!p2 $0x1FFFF, v2  }
0xc6: {  	v2 =	vshra.s32 @!p2 v2, $0x11;
	[tilespmem:$0x2850] =	vst @!p2 v3  }
0xc7: {  	s26 =	simm.s32 @!p2 $0x80;
	s28 =	simm.s32 @!p2 $0x2800;
	s29 =	simm.s32 @!p2 $0x2A00;
	[tilespmem:$0x2950] =	vst @!p2 v2  }
0xc8: {  	s22 =	simm.s32 $0x4;
	s25 =	simm.s32 @!p0 $0x4;
	s23 =	simm.s32 $0xC0;
	v2 =	vld @!p2 [tilespmem:s21+$0xA0]  }
.LBB2_4:
0xc9: {  	_ =	sdelay $0x1  }
0xca: {  	s21 =	sadd.s32 $0x100, s21;
	s24 =	smov.u32 s22;
	s22 =	sadd.s32 $0x2, s22  }
0xcb: {  	p1 =	sne.s32 s22, $0x52  }
0xcc: {  	v3 =	vand.u32 @!p2 $0x1FFFF, v2;
	v2 =	vshra.s32 @!p2 v2, $0x11  }
0xcd: {  	[tilespmem:$0x2860] =	vst @!p2 v3  }
0xce: {  	[tilespmem:$0x2960] =	vst @!p2 v2  }
0xcf: {  	v2 =	vld @!p2 [tilespmem:s23+$0xB0];
	s23 =	smov.u32 s21;
	_ =	sdelay $0x4  }
0xd0: {  	v3 =	vand.u32 @!p2 $0x1FFFF, v2;
	v2 =	vshra.s32 @!p2 v2, $0x11  }
0xd1: {  	[tilespmem:$0x2870] =	vst @!p2 v3  }
0xd2: {  	[tilespmem:$0x2970] =	vst @!p2 v2  }
0xd3: {  	[tilespmem:s29], [sflag:$0x1] =	stream.indirect.gather @!p2 [hbm4b:s4+s26], $0x80, s28, s26, $0xb8;
	[tilespmem:$0x1EF80] =	vst v63  }
0xd4: {  	_ =	swait.ge @!p0 [sflag:s25], $0x4000  }
0xd5: {  	s26 =	sadd.s32 $0xFFFFFFFF, s24;
	[sflag:s25] =	ssyncset.done @!p0 $0x0  }
0xd6: {  	[sflag:s25] =	ssyncadd.s32 @!p0 $0xFFFFC000;
	p0 =	sge.u32 s26, s5  }
0xd7: {  	v2 =	vld @!p0 [tilespmem:s21+$0xFFFFFFC0];
	_ =	sdelay $0x4  }
0xd8: {  	v3 =	vand.u32 @!p0 $0x1FFFF, v2;
	v2 =	vshra.s32 @!p0 v2, $0x11  }
0xd9: {  	[tilespmem:$0x2880] =	vst @!p0 v3  }
0xda: {  	[tilespmem:$0x2980] =	vst @!p0 v2  }
0xdb: {  	v2 =	vld @!p0 [tilespmem:s21+$0xFFFFFFD0];
	_ =	sdelay $0x4  }
0xdc: {  	v3 =	vand.u32 @!p0 $0x1FFFF, v2;
	v2 =	vshra.s32 @!p0 v2, $0x11  }
0xdd: {  	[tilespmem:$0x2890] =	vst @!p0 v3  }
0xde: {  	[tilespmem:$0x2990] =	vst @!p0 v2  }
0xdf: {  	v2 =	vld @!p0 [tilespmem:s21+$0xFFFFFFE0];
	_ =	sdelay $0x4  }
0xe0: {  	v3 =	vand.u32 @!p0 $0x1FFFF, v2;
	v2 =	vshra.s32 @!p0 v2, $0x11  }
0xe1: {  	[tilespmem:$0x28A0] =	vst @!p0 v3  }
0xe2: {  	[tilespmem:$0x29A0] =	vst @!p0 v2  }
0xe3: {  	v2 =	vld @!p0 [tilespmem:s21+$0xFFFFFFF0];
	_ =	sdelay $0x4  }
0xe4: {  	v3 =	vand.u32 @!p0 $0x1FFFF, v2;
	v2 =	vshra.s32 @!p0 v2, $0x11  }
0xe5: {  	[tilespmem:$0x28B0] =	vst @!p0 v3  }
0xe6: {  	[tilespmem:$0x29B0] =	vst @!p0 v2  }
0xe7: {  	v2 =	vld @!p0 [tilespmem:s21+$0x0];
	_ =	sdelay $0x4  }
0xe8: {  	v3 =	vand.u32 @!p0 $0x1FFFF, v2;
	v2 =	vshra.s32 @!p0 v2, $0x11  }
0xe9: {  	[tilespmem:$0x28C0] =	vst @!p0 v3  }
0xea: {  	[tilespmem:$0x29C0] =	vst @!p0 v2  }
0xeb: {  	v2 =	vld @!p0 [tilespmem:s21+$0x10];
	_ =	sdelay $0x4  }
0xec: {  	v3 =	vand.u32 @!p0 $0x1FFFF, v2;
	v2 =	vshra.s32 @!p0 v2, $0x11  }
0xed: {  	[tilespmem:$0x28D0] =	vst @!p0 v3  }
0xee: {  	[tilespmem:$0x29D0] =	vst @!p0 v2  }
0xef: {  	v2 =	vld @!p0 [tilespmem:s21+$0x20];
	_ =	sdelay $0x4  }
0xf0: {  	v3 =	vand.u32 @!p0 $0x1FFFF, v2;
	v2 =	vshra.s32 @!p0 v2, $0x11  }
0xf1: {  	s25 =	sadd.s32 $0xFFFFFFFE, s24;
	[tilespmem:$0x28E0] =	vst @!p0 v3  }
0xf2: {  	s26 =	simm.s32 @!p0 $0x80;
	s28 =	simm.s32 @!p0 $0x2880;
	p2 =	sge.u32 s25, s5;
	[tilespmem:$0x29E0] =	vst @!p0 v2  }
0xf3: {  	s25 =	simm.s32 @!p2 $0x1;
	v2 =	vld @!p0 [tilespmem:s21+$0x30];
	_ =	sdelay $0x2  }
0xf4: {  	s29 =	simm.s32 @!p2 $0x80;
	s30 =	simm.s32 @!p2 $0x2900;
	s31 =	simm.s32 @!p2 $0x2A00  }
0xf5: {  	s2 =	simm.s32 @!p0 $0x2  }
0xf6: {  	v3 =	vand.u32 @!p0 $0x1FFFF, v2;
	v2 =	vshra.s32 @!p0 v2, $0x11  }
0xf7: {  	[tilespmem:$0x28F0] =	vst @!p0 v3  }
0xf8: {  	s3 =	simm.s32 @!p0 $0x6A00;
	s17 =	simm.s32 @!p0 $0x2980;
	s18 =	simm.s32 @!p2 $0x3;
	[tilespmem:$0x29F0] =	vst @!p0 v2  }
0xf9: {  	[tilespmem:s3], [sflag:$0x2] =	stream.indirect.gather @!p0 [hbm4b:s4+s26], $0x80, s28, s26, $0xb8;
	[tilespmem:$0x1EF80] =	vst v63  }
0xfa: {  	_ =	swait.ge @!p2 [sflag:s25], $0x4000  }
0xfb: {  	[sflag:s25] =	ssyncset.done @!p2 $0x0  }
0xfc: {  	[sflag:s25] =	ssyncadd.s32 @!p2 $0xFFFFC000  }
0xfd: {  	[spmem:s1] =	stream.indirect.scatter.add.f32 @!p2 [tilespmem:s31], [sflag:$0x3], $0x80, s30, s29, $0xb8;
	[tilespmem:$0x1EF80] =	vst v63  }
0xfe: {  	_ =	swait.ge @!p0 [sflag:s2], $0x4000  }
0xff: {  	[sflag:s2] =	ssyncset.done @!p0 $0x0  }
0x100: {  	[sflag:s2] =	ssyncadd.s32 @!p0 $0xFFFFC000  }
0x101: {  	[spmem:s1] =	stream.indirect.scatter.add.f32 @!p0 [tilespmem:s3], [sflag:$0x4], $0x80, s17, s26, $0xb8;
	[tilespmem:$0x1EF80] =	vst v63  }
0x102: {  	_ =	swait.ge @!p2 [sflag:s18], $0x4000  }
0x103: {  	[sflag:s18] =	ssyncset.done @!p2 $0x0  }
0x104: {  	[sflag:s18] =	ssyncadd.s32 @!p2 $0xFFFFC000;
	p2 =	sge.u32 s24, s5  }
0x105: {  	v2 =	vld @!p2 [tilespmem:s21+$0x40];
	_ =	sdelay $0x4  }
0x106: {  	v3 =	vand.u32 @!p2 $0x1FFFF, v2;
	v2 =	vshra.s32 @!p2 v2, $0x11  }
0x107: {  	[tilespmem:$0x2800] =	vst @!p2 v3  }
0x108: {  	[tilespmem:$0x2900] =	vst @!p2 v2  }
0x109: {  	v2 =	vld @!p2 [tilespmem:s21+$0x50];
	_ =	sdelay $0x4  }
0x10a: {  	v3 =	vand.u32 @!p2 $0x1FFFF, v2;
	v2 =	vshra.s32 @!p2 v2, $0x11  }
0x10b: {  	[tilespmem:$0x2810] =	vst @!p2 v3  }
0x10c: {  	[tilespmem:$0x2910] =	vst @!p2 v2  }
0x10d: {  	v2 =	vld @!p2 [tilespmem:s21+$0x60];
	_ =	sdelay $0x4  }
0x10e: {  	v3 =	vand.u32 @!p2 $0x1FFFF, v2;
	v2 =	vshra.s32 @!p2 v2, $0x11  }
0x10f: {  	[tilespmem:$0x2820] =	vst @!p2 v3  }
0x110: {  	[tilespmem:$0x2920] =	vst @!p2 v2  }
0x111: {  	v2 =	vld @!p2 [tilespmem:s21+$0x70];
	_ =	sdelay $0x4  }
0x112: {  	v3 =	vand.u32 @!p2 $0x1FFFF, v2;
	v2 =	vshra.s32 @!p2 v2, $0x11  }
0x113: {  	[tilespmem:$0x2830] =	vst @!p2 v3  }
0x114: {  	[tilespmem:$0x2930] =	vst @!p2 v2  }
0x115: {  	v2 =	vld @!p2 [tilespmem:s21+$0x80];
	_ =	sdelay $0x4  }
0x116: {  	v3 =	vand.u32 @!p2 $0x1FFFF, v2;
	v2 =	vshra.s32 @!p2 v2, $0x11  }
0x117: {  	[tilespmem:$0x2840] =	vst @!p2 v3  }
0x118: {  	[tilespmem:$0x2940] =	vst @!p2 v2  }
0x119: {  	v2 =	vld @!p2 [tilespmem:s21+$0x90];
	_ =	sdelay $0x3  }
.Ltmp1:
0x11a: {  	(pc) =	sbr.rel @p1 .LBB2_4-.Ltmp1, $4  }
0x11b: {  	v3 =	vand.u32 @!p2 $0x1FFFF, v2;
	v2 =	vshra.s32 @!p2 v2, $0x11  }
0x11c: {  	[tilespmem:$0x2850] =	vst @!p2 v3  }
0x11d: {  	s26 =	simm.s32 @!p2 $0x80;
	s28 =	simm.s32 @!p2 $0x2800;
	s29 =	simm.s32 @!p2 $0x2A00;
	[tilespmem:$0x2950] =	vst @!p2 v2  }
0x11e: {  	s25 =	simm.s32 @!p0 $0x4;
	v2 =	vld @!p2 [tilespmem:s21+$0xA0]  }
0x11f: {  	_ =	sdelay $0x3  }
0x120: {  	v3 =	vand.u32 @!p2 $0x1FFFF, v2  }
0x121: {  	v2 =	vshra.s32 @!p2 v2, $0x11;
	[tilespmem:$0x2860] =	vst @!p2 v3  }
0x122: {  	[tilespmem:$0x2960] =	vst @!p2 v2  }
0x123: {  	v2 =	vld @!p2 [tilespmem:s23+$0xB0];
	_ =	sdelay $0x4  }
0x124: {  	v3 =	vand.u32 @!p2 $0x1FFFF, v2  }
0x125: {  	v2 =	vshra.s32 @!p2 v2, $0x11;
	[tilespmem:$0x2870] =	vst @!p2 v3  }
0x126: {  	[tilespmem:$0x2970] =	vst @!p2 v2  }
0x127: {  	[tilespmem:s29], [sflag:$0x1] =	stream.indirect.gather @!p2 [hbm4b:s4+s26], $0x80, s28, s26, $0xb8;
	[tilespmem:$0x1EF80] =	vst v63  }
0x128: {  	_ =	swait.ge @!p0 [sflag:s25], $0x4000  }
0x129: {  	s2 =	sshll.u32 s0, $0x6;
	s20 =	sadd.s32 $0x1, s20;
	[sflag:s25] =	ssyncset.done @!p0 $0x0  }
0x12a: {  	s3 =	sshrl.u32 s6, $0x3;
	[sflag:s25] =	ssyncadd.s32 @!p0 $0xFFFFC000;
	p0 =	sne.s32 s20, s14  }
.Ltmp2:
0x12b: {  	s2 =	sor.u32 $0x1C05, s2;
	[bflag:$0x0] =	sbarrier.arrive $0xFFFF;
	(pc) =	sbr.rel @p0 .LBB2_1-.Ltmp2, $4  }
0x12c: {  	[hbm:s13], [sflag:s2] =	dma.local [spmem:s3], $0x2800  }
0x12d: {  	_ =	swait.ge [sflag:s15], $0x2800  }
0x12e: {  	[sflag:s15] =	ssyncset.done $0x0  }
0x12f: {  	[sflag:s15] =	ssyncadd.s32 $0xFFFFD800  }
0x130: {  	_ =	sfence.sel $0x180000  }
0x131: {  	[bflag:$0x0] =	sbarrier.arrive $0xFFFF  }
0x132: {  	_ =	strace $0x9000004D  }
0x133: {  	[bflag:$0x2] =	sbarrier.arrive $0xFFFF  }
0x134: {  	p0 =	sne.s32 s0, $0x0;
	s0 =	rddreg [dreg:$0x4]  }
0x135: {  	s0 =	sadd.s32 @!p0 $0x100000, s0  }
0x136: {  	[sflag:s0] =	ssyncadd.tile.s32 @!p0 $0x1;
	_ =	shalt  }
.Lfunc_end2:
_tile_overlayer_lowered:
.L_overlay_start_2:
0x137: {  	(tag) =	ssettag $0x2  }
0x138: {  	s0 =	rddreg [dreg:$0x0];
	s2 =	stileid.u32  }
0x139: {  	s1 =	rddreg [dreg:$0x1];
	p0 =	sne.s32 s2, $0x0  }
0x13a: {  	s3 =	rddreg [dreg:$0x2];
	[bflag:$0x3] =	sbarrier.arrive $0xFFFF;
	s2 =	simm.s32 @!p0 $0x1C05  }
0x13b: {  	[timem:s3], [sflag:s2] =	dma.local @!p0 [hbm:s0], s1  }
0x13c: {  	s0 =	simm.s32 @!p0 $0x5  }
0x13d: {  	_ =	swait.ge @!p0 [sflag:s0], s1  }
0x13e: {  	s1 =	ssub.s32 @!p0 $0x0, s1;
	[sflag:s0] =	ssyncset.done @!p0 $0x0  }
0x13f: {  	[sflag:s0] =	ssyncadd.s32 @!p0 s1  }
0x140: {  	[bflag:$0x3] =	sbarrier.arrive $0xFFFF  }
0x141: {  	_ =	shalt  }

</sc_bundles>
